<compile_context>
chip_gen: v7x
topology: tpu7x:2x2x1
jax: 0.10.2.dev20260603
libtpu: 0.0.44.dev20260713+nightly
codegen_flags: <defaults>
</compile_context>

<pallas_src>
import jax
import jax.numpy as jnp
from jax import lax
from jax.experimental import pallas as pl
from jax.experimental.pallas import tpu as pltpu
from jax.experimental.pallas import tpu_sc as plsc

N, C, H, W = 6, 96, 224, 224
HW = H * W
V = 100000
VR = 782
SLOTS = 128
CONF = 32
OUT = 128

NC, NS = 2, 16
NW = NC * NS
CPW = C // NW

CHUNK = 6272
CROWS = CHUNK // 128
RPP = HW // 128
NCHUNK = HW // CHUNK
TOTCH = N * NCHUNK
UNROLL = 8


def _sc_body(feats_hbm, ids_hbm, sums_hbm, acc, idbuf, valbuf, sems):
    wid = lax.axis_index("s") * NC + lax.axis_index("c")

    zeros16 = jnp.zeros((16,), jnp.float32)
    ones16 = jnp.ones((16,), jnp.float32)
    zeros16i = jnp.zeros((16,), jnp.int32)

    def zero_acc():
        def zb(r, carry):
            for u in range(8):
                acc[r, 0, pl.ds(u * 16, 16)] = zeros16
            return carry
        lax.fori_loop(0, VR, zb, 0)

    def scatter_slot(b, use_vals):
        def gb(r, carry):
            for u in range(UNROLL):
                off = u * 16
                idx = idbuf[b, r, pl.ds(off, 16)]
                rows = lax.shift_right_logical(idx, 7)
                cols = lax.bitwise_and(idx, 127)
                v = valbuf[b, r, pl.ds(off, 16)] if use_vals else ones16
                plsc.addupdate_scatter(acc, [rows, zeros16i, cols], v)
            return carry
        lax.fori_loop(0, CROWS, gb, 0)

    def start_ids(b, n, q):
        pltpu.async_copy(
            ids_hbm.at[pl.ds(n * RPP + q * CROWS, CROWS), :],
            idbuf.at[b], sems.at[b])

    def start_vals(b, row, q):
        pltpu.async_copy(
            feats_hbm.at[pl.ds(row * RPP + q * CROWS, CROWS), :],
            valbuf.at[b], sems.at[b + 2])

    def wait_ids(b):
        pltpu.make_async_copy(ids_hbm.at[pl.ds(0, CROWS), :],
                              idbuf.at[b], sems.at[b]).wait()

    def wait_vals(b):
        pltpu.make_async_copy(feats_hbm.at[pl.ds(0, CROWS), :],
                              valbuf.at[b], sems.at[b + 2]).wait()

    def write_slot(slot):
        pltpu.sync_copy(acc, sums_hbm.at[:, pl.ds(slot, 1), :])

    zero_acc()
    for j in range((TOTCH + NW - 1) // NW):
        cix = wid + NW * j

        def do_count(cix=cix):
            pltpu.sync_copy(ids_hbm.at[pl.ds(cix * CROWS, CROWS), :],
                            idbuf.at[0])
            scatter_slot(0, False)

        if (j + 1) * NW > TOTCH:
            pl.when(cix < TOTCH)(do_count)
        else:
            do_count()
    write_slot(C + wid)

    for k in range(CPW):
        ch = wid * CPW + k
        zero_acc()
        for b in range(2):
            start_ids(b, 0, b)
            start_vals(b, ch, b)

        def pair(i, carry, ch=ch):
            for b in range(2):
                t = 2 * i + b
                wait_ids(b)
                wait_vals(b)
                scatter_slot(b, True)
                nxt = t + 2

                @pl.when(nxt < TOTCH)
                def _():
                    n = lax.shift_right_logical(nxt, 3)
                    q = lax.bitwise_and(nxt, NCHUNK - 1)
                    start_ids(b, n, q)
                    start_vals(b, n * C + ch, q)
            return carry
        lax.fori_loop(0, TOTCH // 2, pair, 0)
        write_slot(ch)


_sc_scatter = pl.kernel(
    _sc_body,
    out_type=[
        jax.ShapeDtypeStruct((VR, SLOTS, 128), jnp.float32),
    ],
    mesh=plsc.VectorSubcoreMesh(
        core_axis_name="c", subcore_axis_name="s",
        num_cores=NC, num_subcores=NS,
    ),
    scratch_types=[
        pltpu.VMEM((VR, 1, 128), jnp.float32),
        pltpu.VMEM((2, CROWS, 128), jnp.int32),
        pltpu.VMEM((2, CROWS, 128), jnp.float32),
        pltpu.SemaphoreType.DMA((4,)),
    ],
    compiler_params=pltpu.CompilerParams(
        use_tc_tiling_on_sc=False, needs_layout_passes=False),
)


RB = 16
VB = RB * 128


def _tc_body(sums_ref, conf_ref, w_ref, b_ref, out_ref):
    w = w_ref[...]
    w1 = w[:, :C]
    w2 = w[:, C:]
    bias = b_ref[...]
    for t in range(RB):
        blk = sums_ref[t]
        cnt = jnp.sum(blk[C:SLOTS], axis=0, keepdims=True)
        sv = blk[:C] / jnp.maximum(cnt, 1.0)
        a = lax.dot_general(sv, w1, (((0,), (1,)), ((), ())),
                            preferred_element_type=jnp.float32)
        cf = conf_ref[0, pl.ds(t * 128, 128), :]
        b2 = lax.dot_general(cf, w2, (((1,), (1,)), ((), ())),
                             preferred_element_type=jnp.float32)
        out_ref[0, pl.ds(t * 128, 128), :] = a + b2 + bias


_tc_mix = pl.pallas_call(
    _tc_body,
    grid=(pl.cdiv(VR, RB),),
    in_specs=[
        pl.BlockSpec((RB, SLOTS, 128), lambda i: (i, 0, 0)),
        pl.BlockSpec((1, VB, CONF), lambda i: (0, i, 0)),
        pl.BlockSpec((OUT, C + CONF), lambda i: (0, 0)),
        pl.BlockSpec((1, OUT), lambda i: (0, 0)),
    ],
    out_specs=pl.BlockSpec((1, VB, OUT), lambda i: (0, i, 0)),
    out_shape=jax.ShapeDtypeStruct((1, V, OUT), jnp.float32),
)


def kernel(camera_pose, padded_intrinsics, padded_img_features, depths,
           padding_confidence, out_voxel_ids, W_mix, b_mix):
    feats = padded_img_features.reshape(N * C * HW // 128, 128)
    ids = out_voxel_ids.reshape(N * HW // 128, 128).astype(jnp.int32)
    (sums,) = _sc_scatter(feats, ids)
    return _tc_mix(sums, padding_confidence, W_mix, b_mix.reshape(1, OUT))

# --- scband reference (transcript-rebuilt; emitter-appended) ---
"""Pipeline reference for scband-lifter-62466004353136 (READ-ONLY COPY).

The authoritative reference and input builder live on the scoring server;
editing this copy changes nothing except your own understanding.
"""

import jax, jax.numpy as jnp
import numpy as np


def _create_rays(pose, intr, H, W):
    # pose: (N,4,4), intr: (N,6) = [fx, fy, cx, cy, w, h]
    origin = pose[:, :3, 3]
    fx = intr[:, 0]; fy = intr[:, 1]; cx = intr[:, 2]; cy = intr[:, 3]
    ii, jj = jnp.meshgrid(jnp.arange(W, dtype=jnp.float32), jnp.arange(H, dtype=jnp.float32), indexing='xy')
    ii = jnp.broadcast_to(ii[None], (pose.shape[0], H, W))
    jj = jnp.broadcast_to(jj[None], (pose.shape[0], H, W))
    uu = (ii - cx[:, None, None]) / fx[:, None, None]
    vv = (jj - cy[:, None, None]) / fy[:, None, None]
    local = jnp.stack([uu, vv, jnp.ones_like(uu)], axis=-1)
    local = jnp.concatenate([local, jnp.ones(local.shape[:-1] + (1,), dtype=local.dtype)], axis=-1)
    pixel = jnp.einsum('bij,bhwj->bhwi', pose, local)[..., :3]
    d = pixel - origin[:, None, None, :]
    d = d / jnp.linalg.norm(d, axis=-1, keepdims=True)
    return origin, d


def setup_inputs(seed: int = 0):
    key = jax.random.key(seed)
    ks = jax.random.split(key, 8)
    B, N, C, H, W = 1, 6, 96, 224, 224
    total_voxels = 100000
    conf_dim = 32
    img_in_dim = C + conf_dim
    voxel_out_dim = 128
    camera_pose = jax.random.normal(ks[0], (B, N, 4, 4), dtype=jnp.float32)
    padded_intrinsics = jnp.broadcast_to(jnp.array([200.0, 200.0, 112.0, 112.0, float(W), float(H)], dtype=jnp.float32), (B, N, 6))
    padded_img_features = jax.random.normal(ks[1], (B, N, C, H, W), dtype=jnp.float32)
    depths = jax.random.uniform(ks[2], (B, N, H, W), dtype=jnp.float32)
    padding_confidence = jax.random.uniform(ks[3], (B, total_voxels, conf_dim), dtype=jnp.float32)
    out_voxel_ids = jax.random.randint(ks[4], (B, N * H * W), 0, total_voxels)
    W_mix = jax.random.normal(ks[5], (voxel_out_dim, img_in_dim), dtype=jnp.float32) / np.sqrt(img_in_dim)
    b_mix = jnp.zeros((voxel_out_dim,), dtype=jnp.float32)
    return {"camera_pose": camera_pose, "padded_intrinsics": padded_intrinsics, "padded_img_features": padded_img_features, "depths": depths, "padding_confidence": padding_confidence, "out_voxel_ids": out_voxel_ids, "W_mix": W_mix, "b_mix": b_mix}


def reference(camera_pose, padded_intrinsics, padded_img_features, depths, padding_confidence, out_voxel_ids, W_mix, b_mix):
    B, N, C, H, W = padded_img_features.shape
    total_voxels = padding_confidence.shape[1]
    outs = []
    for bidx in range(B):
        # faithful ray construction (feeds the external fvdb raycaster in the original;
        # here the raycaster output is the precomputed out_voxel_ids)
        origins, dirs = _create_rays(camera_pose[bidx], padded_intrinsics[bidx], H, W)
        feats = jnp.transpose(padded_img_features[bidx], (0, 2, 3, 1)).reshape(N * H * W, C)
        ids = out_voxel_ids[bidx]
        # scatter_mean(pixel_feature, out_voxel_ids, out=zeros, dim=0)
        sums = jax.ops.segment_sum(feats, ids, num_segments=total_voxels)
        counts = jax.ops.segment_sum(jnp.ones((feats.shape[0],), dtype=feats.dtype), ids, num_segments=total_voxels)
        vox = sums / jnp.maximum(counts, 1.0)[:, None]
        vox = jnp.concatenate([vox, padding_confidence[bidx]], axis=-1)
        outs.append(vox @ W_mix.T + b_mix[None, :])
    return jnp.stack(outs, axis=0)

if __name__ == "__main__":
    import jax
    _d = setup_inputs()
    print(jax.jit(kernel)(*tuple(_d.values())))

</pallas_src>

<mosaic_0001>
#map = affine_map<(d0, d1) -> (0, 0)>
#map1 = affine_map<(d0, d1) -> (0, 0, 0)>
module attributes {stable_mosaic.version = 14 : i64} {
  func.func @_sc_body(%arg0: i32, %arg1: i32, %arg2: memref<225792x128xf32, #tpu.memory_space<hbm>>, %arg3: memref<2352x128xi32, #tpu.memory_space<hbm>>, %arg4: memref<782x128x128xf32, #tpu.memory_space<hbm>>, %arg5: memref<782x1x128xf32, #tpu.memory_space<vmem>>, %arg6: memref<2x49x128xi32, #tpu.memory_space<vmem>>, %arg7: memref<2x49x128xf32, #tpu.memory_space<vmem>>, %arg8: memref<4x!tpu.dma_semaphore, #tpu.memory_space<semaphore_mem>>) attributes {dimension_semantics = [#tpu.dimension_semantics<core_parallel>, #tpu.dimension_semantics<subcore_parallel>], iteration_bounds = array<i64: 2, 16>, scalar_prefetch = 0 : i64, scratch_operands = 4 : i64, tpu.core_type = #tpu.core_type<sc_vector_subcore>, window_params = [{transform_indices = #map}, {transform_indices = #map}, {transform_indices = #map1}]} {
    %mul3A = arith.constant 2 : i32
    %mul3A_0 = arith.muli %arg1, %mul3A : i32
    %add3A = arith.addi %mul3A_0, %arg0 : i32
    %broadcast_in_dim3A = arith.constant 0.000000e+00 : f32
    %broadcast_in_dim3A_1 = vector.broadcast %broadcast_in_dim3A : f32 to vector<16xf32>
    %broadcast_in_dim3A_2 = arith.constant 1.000000e+00 : f32
    %broadcast_in_dim3A_3 = vector.broadcast %broadcast_in_dim3A_2 : f32 to vector<16xf32>
    %broadcast_in_dim3A_4 = arith.constant 0 : i32
    %broadcast_in_dim3A_5 = vector.broadcast %broadcast_in_dim3A_4 : i32 to vector<16xi32>
    %scan3A = arith.constant 0 : i32
    %scan3A_6 = arith.constant 0 : i32
    %scan3A_7 = arith.constant 782 : i32
    %scan3A_8 = arith.addi %scan3A_6, %scan3A_7 : i32
    %scan3A_9 = arith.constant 1 : i32
    scf.for %scan3A_302 = %scan3A_6 to %scan3A_8 step %scan3A_9  : i32 {
      %swap3A = arith.constant 0 : i32
      %swap3A_303 = arith.index_cast %scan3A_302 : i32 to index
      %swap3A_304 = arith.index_cast %swap3A : i32 to index
      %swap3A_305 = arith.constant 0 : index
      %swap3A_306 = tpu.vector_load %arg5[%swap3A_303, %swap3A_304, %swap3A_305] {strides = array<i32>} : memref<782x1x128xf32, #tpu.memory_space<vmem>>, vector<16xf32>,
      tpu.vector_store %arg5[%swap3A_303, %swap3A_304, %swap3A_305], %broadcast_in_dim3A_1 {strides = array<i32>} : memref<782x1x128xf32, #tpu.memory_space<vmem>>, vector<16xf32>,
      %swap3A_307 = arith.constant 0 : i32
      %swap3A_308 = arith.index_cast %scan3A_302 : i32 to index
      %swap3A_309 = arith.index_cast %swap3A_307 : i32 to index
      %swap3A_310 = arith.constant 16 : index
      %swap3A_311 = tpu.vector_load %arg5[%swap3A_308, %swap3A_309, %swap3A_310] {strides = array<i32>} : memref<782x1x128xf32, #tpu.memory_space<vmem>>, vector<16xf32>,
      tpu.vector_store %arg5[%swap3A_308, %swap3A_309, %swap3A_310], %broadcast_in_dim3A_1 {strides = array<i32>} : memref<782x1x128xf32, #tpu.memory_space<vmem>>, vector<16xf32>,
      %swap3A_312 = arith.constant 0 : i32
      %swap3A_313 = arith.index_cast %scan3A_302 : i32 to index
      %swap3A_314 = arith.index_cast %swap3A_312 : i32 to index
      %swap3A_315 = arith.constant 32 : index
      %swap3A_316 = tpu.vector_load %arg5[%swap3A_313, %swap3A_314, %swap3A_315] {strides = array<i32>} : memref<782x1x128xf32, #tpu.memory_space<vmem>>, vector<16xf32>,
      tpu.vector_store %arg5[%swap3A_313, %swap3A_314, %swap3A_315], %broadcast_in_dim3A_1 {strides = array<i32>} : memref<782x1x128xf32, #tpu.memory_space<vmem>>, vector<16xf32>,
      %swap3A_317 = arith.constant 0 : i32
      %swap3A_318 = arith.index_cast %scan3A_302 : i32 to index
      %swap3A_319 = arith.index_cast %swap3A_317 : i32 to index
      %swap3A_320 = arith.constant 48 : index
      %swap3A_321 = tpu.vector_load %arg5[%swap3A_318, %swap3A_319, %swap3A_320] {strides = array<i32>} : memref<782x1x128xf32, #tpu.memory_space<vmem>>, vector<16xf32>,
      tpu.vector_store %arg5[%swap3A_318, %swap3A_319, %swap3A_320], %broadcast_in_dim3A_1 {strides = array<i32>} : memref<782x1x128xf32, #tpu.memory_space<vmem>>, vector<16xf32>,
      %swap3A_322 = arith.constant 0 : i32
      %swap3A_323 = arith.index_cast %scan3A_302 : i32 to index
      %swap3A_324 = arith.index_cast %swap3A_322 : i32 to index
      %swap3A_325 = arith.constant 64 : index
      %swap3A_326 = tpu.vector_load %arg5[%swap3A_323, %swap3A_324, %swap3A_325] {strides = array<i32>} : memref<782x1x128xf32, #tpu.memory_space<vmem>>, vector<16xf32>,
      tpu.vector_store %arg5[%swap3A_323, %swap3A_324, %swap3A_325], %broadcast_in_dim3A_1 {strides = array<i32>} : memref<782x1x128xf32, #tpu.memory_space<vmem>>, vector<16xf32>,
      %swap3A_327 = arith.constant 0 : i32
      %swap3A_328 = arith.index_cast %scan3A_302 : i32 to index
      %swap3A_329 = arith.index_cast %swap3A_327 : i32 to index
      %swap3A_330 = arith.constant 80 : index
      %swap3A_331 = tpu.vector_load %arg5[%swap3A_328, %swap3A_329, %swap3A_330] {strides = array<i32>} : memref<782x1x128xf32, #tpu.memory_space<vmem>>, vector<16xf32>,
      tpu.vector_store %arg5[%swap3A_328, %swap3A_329, %swap3A_330], %broadcast_in_dim3A_1 {strides = array<i32>} : memref<782x1x128xf32, #tpu.memory_space<vmem>>, vector<16xf32>,
      %swap3A_332 = arith.constant 0 : i32
      %swap3A_333 = arith.index_cast %scan3A_302 : i32 to index
      %swap3A_334 = arith.index_cast %swap3A_332 : i32 to index
      %swap3A_335 = arith.constant 96 : index
      %swap3A_336 = tpu.vector_load %arg5[%swap3A_333, %swap3A_334, %swap3A_335] {strides = array<i32>} : memref<782x1x128xf32, #tpu.memory_space<vmem>>, vector<16xf32>,
      tpu.vector_store %arg5[%swap3A_333, %swap3A_334, %swap3A_335], %broadcast_in_dim3A_1 {strides = array<i32>} : memref<782x1x128xf32, #tpu.memory_space<vmem>>, vector<16xf32>,
      %swap3A_337 = arith.constant 0 : i32
      %swap3A_338 = arith.index_cast %scan3A_302 : i32 to index
      %swap3A_339 = arith.index_cast %swap3A_337 : i32 to index
      %swap3A_340 = arith.constant 112 : index
      %swap3A_341 = tpu.vector_load %arg5[%swap3A_338, %swap3A_339, %swap3A_340] {strides = array<i32>} : memref<782x1x128xf32, #tpu.memory_space<vmem>>, vector<16xf32>,
      tpu.vector_store %arg5[%swap3A_338, %swap3A_339, %swap3A_340], %broadcast_in_dim3A_1 {strides = array<i32>} : memref<782x1x128xf32, #tpu.memory_space<vmem>>, vector<16xf32>,
    }
    %scan3A_10 = arith.constant 782 : i32
    %add3A_11 = arith.constant 0 : i32
    %add3A_12 = arith.addi %add3A, %add3A_11 : i32
    %mul3A_13 = arith.constant 49 : i32
    %mul3A_14 = arith.muli %add3A_12, %mul3A_13 : i32
    %run_scoped3A = arith.constant 0 : i32
    "tpu.region"() ({
      %run_scoped3A_302 = tpu.sem_alloc : memref<!tpu.dma_semaphore, #tpu.memory_space<semaphore_mem>>
      %dma_start3A_303 = arith.constant 0 : i32
      %dma_start3A_304 = arith.constant 0 : i32
      %dma_start3A_305 = tpu.memref_slice %arg6[%run_scoped3A, %dma_start3A_303, %dma_start3A_304] : memref<2x49x128xi32, #tpu.memory_space<vmem>> -> memref<1x49x128xi32, #tpu.memory_space<vmem>>
      %dma_start3A_306 = tpu.memref_squeeze %dma_start3A_305 : memref<1x49x128xi32, #tpu.memory_space<vmem>> -> memref<49x128xi32, #tpu.memory_space<vmem>>
      %dma_start3A_307 = arith.constant 0 : i32
      %dma_start3A_308 = tpu.memref_slice %arg3[%mul3A_14, %dma_start3A_307] : memref<2352x128xi32, #tpu.memory_space<hbm>> -> memref<49x128xi32, #tpu.memory_space<hbm>>
      %dma_start3A_309 = arith.constant 0 : i32
      %dma_start3A_310 = arith.constant 0 : i32
      %dma_start3A_311 = tpu.memref_slice %arg6[%run_scoped3A, %dma_start3A_309, %dma_start3A_310] : memref<2x49x128xi32, #tpu.memory_space<vmem>> -> memref<1x49x128xi32, #tpu.memory_space<vmem>>
      %dma_start3A_312 = tpu.memref_squeeze %dma_start3A_311 : memref<1x49x128xi32, #tpu.memory_space<vmem>> -> memref<49x128xi32, #tpu.memory_space<vmem>>
      %dma_start3A_313 = arith.constant 0 : i32
      %dma_start3A_314 = tpu.memref_slice %arg3[%mul3A_14, %dma_start3A_313] : memref<2352x128xi32, #tpu.memory_space<hbm>> -> memref<49x128xi32, #tpu.memory_space<hbm>>
      tpu.enqueue_dma source(%dma_start3A_314 : memref<49x128xi32, #tpu.memory_space<hbm>>) target(%dma_start3A_312 : memref<49x128xi32, #tpu.memory_space<vmem>>) target_semaphore(%run_scoped3A_302 : memref<!tpu.dma_semaphore, #tpu.memory_space<semaphore_mem>>)
      %dma_wait3A = arith.constant 0 : i32
      %dma_wait3A_315 = arith.constant 0 : i32
      %dma_wait3A_316 = tpu.memref_slice %arg6[%run_scoped3A, %dma_wait3A, %dma_wait3A_315] : memref<2x49x128xi32, #tpu.memory_space<vmem>> -> memref<1x49x128xi32, #tpu.memory_space<vmem>>
      %dma_wait3A_317 = tpu.memref_squeeze %dma_wait3A_316 : memref<1x49x128xi32, #tpu.memory_space<vmem>> -> memref<49x128xi32, #tpu.memory_space<vmem>>
      %dma_wait3A_318 = arith.constant 0 : i32
      %dma_wait3A_319 = tpu.memref_slice %arg3[%mul3A_14, %dma_wait3A_318] : memref<2352x128xi32, #tpu.memory_space<hbm>> -> memref<49x128xi32, #tpu.memory_space<hbm>>
      %dma_wait3A_320 = arith.constant 0 : i32
      %dma_wait3A_321 = arith.constant 0 : i32
      %dma_wait3A_322 = tpu.memref_slice %arg6[%run_scoped3A, %dma_wait3A_320, %dma_wait3A_321] : memref<2x49x128xi32, #tpu.memory_space<vmem>> -> memref<1x49x128xi32, #tpu.memory_space<vmem>>
      %dma_wait3A_323 = tpu.memref_squeeze %dma_wait3A_322 : memref<1x49x128xi32, #tpu.memory_space<vmem>> -> memref<49x128xi32, #tpu.memory_space<vmem>>
      %dma_wait3A_324 = arith.constant 0 : i32
      %dma_wait3A_325 = tpu.memref_slice %arg3[%mul3A_14, %dma_wait3A_324] : memref<2352x128xi32, #tpu.memory_space<hbm>> -> memref<49x128xi32, #tpu.memory_space<hbm>>
      tpu.wait_dma2 semaphore(%run_scoped3A_302 : memref<!tpu.dma_semaphore, #tpu.memory_space<semaphore_mem>>) src(%dma_wait3A_325 : memref<49x128xi32, #tpu.memory_space<hbm>>) dst(%dma_wait3A_323 : memref<49x128xi32, #tpu.memory_space<vmem>>)
      tpu.yield
    }) : () -> ()
    %scan3A_15 = arith.constant 0 : i32
    %scan3A_16 = arith.constant 0 : i32
    %scan3A_17 = arith.constant 49 : i32
    %scan3A_18 = arith.addi %scan3A_16, %scan3A_17 : i32
    %scan3A_19 = arith.constant 1 : i32
    scf.for %scan3A_302 = %scan3A_16 to %scan3A_18 step %scan3A_19  : i32 {
      %get3A = arith.constant 0 : i32
      %get3A_303 = arith.index_cast %get3A : i32 to index
      %get3A_304 = arith.index_cast %scan3A_302 : i32 to index
      %get3A_305 = arith.constant 0 : index
      %get3A_306 = tpu.vector_load %arg6[%get3A_303, %get3A_304, %get3A_305] {strides = array<i32>} : memref<2x49x128xi32, #tpu.memory_space<vmem>>, vector<16xi32>,
      %shift_right_logical3A = arith.constant 7 : i32
      %shift_right_logical3A_307 = vector.broadcast %shift_right_logical3A : i32 to vector<16xi32>
      %shift_right_logical3A_308 = arith.shrui %get3A_306, %shift_right_logical3A_307 : vector<16xi32>
      %and3A = arith.constant 127 : i32
      %and3A_309 = vector.broadcast %and3A : i32 to vector<16xi32>
      %and3A_310 = arith.andi %get3A_306, %and3A_309 : vector<16xi32>
      tpu.vector_store_idx %arg5[%shift_right_logical3A_308, %broadcast_in_dim3A_5, %and3A_310], %broadcast_in_dim3A_3 {add = true} : memref<782x1x128xf32, #tpu.memory_space<vmem>>[vector<16xi32>, vector<16xi32>, vector<16xi32>], vector<16xf32>,
      %get3A_311 = arith.constant 0 : i32
      %get3A_312 = arith.index_cast %get3A_311 : i32 to index
      %get3A_313 = arith.index_cast %scan3A_302 : i32 to index
      %get3A_314 = arith.constant 16 : index
      %get3A_315 = tpu.vector_load %arg6[%get3A_312, %get3A_313, %get3A_314] {strides = array<i32>} : memref<2x49x128xi32, #tpu.memory_space<vmem>>, vector<16xi32>,
      %shift_right_logical3A_316 = arith.constant 7 : i32
      %shift_right_logical3A_317 = vector.broadcast %shift_right_logical3A_316 : i32 to vector<16xi32>
      %shift_right_logical3A_318 = arith.shrui %get3A_315, %shift_right_logical3A_317 : vector<16xi32>
      %and3A_319 = arith.constant 127 : i32
      %and3A_320 = vector.broadcast %and3A_319 : i32 to vector<16xi32>
      %and3A_321 = arith.andi %get3A_315, %and3A_320 : vector<16xi32>
      tpu.vector_store_idx %arg5[%shift_right_logical3A_318, %broadcast_in_dim3A_5, %and3A_321], %broadcast_in_dim3A_3 {add = true} : memref<782x1x128xf32, #tpu.memory_space<vmem>>[vector<16xi32>, vector<16xi32>, vector<16xi32>], vector<16xf32>,
      %get3A_322 = arith.constant 0 : i32
      %get3A_323 = arith.index_cast %get3A_322 : i32 to index
      %get3A_324 = arith.index_cast %scan3A_302 : i32 to index
      %get3A_325 = arith.constant 32 : index
      %get3A_326 = tpu.vector_load %arg6[%get3A_323, %get3A_324, %get3A_325] {strides = array<i32>} : memref<2x49x128xi32, #tpu.memory_space<vmem>>, vector<16xi32>,
      %shift_right_logical3A_327 = arith.constant 7 : i32
      %shift_right_logical3A_328 = vector.broadcast %shift_right_logical3A_327 : i32 to vector<16xi32>
      %shift_right_logical3A_329 = arith.shrui %get3A_326, %shift_right_logical3A_328 : vector<16xi32>
      %and3A_330 = arith.constant 127 : i32
      %and3A_331 = vector.broadcast %and3A_330 : i32 to vector<16xi32>
      %and3A_332 = arith.andi %get3A_326, %and3A_331 : vector<16xi32>
      tpu.vector_store_idx %arg5[%shift_right_logical3A_329, %broadcast_in_dim3A_5, %and3A_332], %broadcast_in_dim3A_3 {add = true} : memref<782x1x128xf32, #tpu.memory_space<vmem>>[vector<16xi32>, vector<16xi32>, vector<16xi32>], vector<16xf32>,
      %get3A_333 = arith.constant 0 : i32
      %get3A_334 = arith.index_cast %get3A_333 : i32 to index
      %get3A_335 = arith.index_cast %scan3A_302 : i32 to index
      %get3A_336 = arith.constant 48 : index
      %get3A_337 = tpu.vector_load %arg6[%get3A_334, %get3A_335, %get3A_336] {strides = array<i32>} : memref<2x49x128xi32, #tpu.memory_space<vmem>>, vector<16xi32>,
      %shift_right_logical3A_338 = arith.constant 7 : i32
      %shift_right_logical3A_339 = vector.broadcast %shift_right_logical3A_338 : i32 to vector<16xi32>
      %shift_right_logical3A_340 = arith.shrui %get3A_337, %shift_right_logical3A_339 : vector<16xi32>
      %and3A_341 = arith.constant 127 : i32
      %and3A_342 = vector.broadcast %and3A_341 : i32 to vector<16xi32>
      %and3A_343 = arith.andi %get3A_337, %and3A_342 : vector<16xi32>
      tpu.vector_store_idx %arg5[%shift_right_logical3A_340, %broadcast_in_dim3A_5, %and3A_343], %broadcast_in_dim3A_3 {add = true} : memref<782x1x128xf32, #tpu.memory_space<vmem>>[vector<16xi32>, vector<16xi32>, vector<16xi32>], vector<16xf32>,
      %get3A_344 = arith.constant 0 : i32
      %get3A_345 = arith.index_cast %get3A_344 : i32 to index
      %get3A_346 = arith.index_cast %scan3A_302 : i32 to index
      %get3A_347 = arith.constant 64 : index
      %get3A_348 = tpu.vector_load %arg6[%get3A_345, %get3A_346, %get3A_347] {strides = array<i32>} : memref<2x49x128xi32, #tpu.memory_space<vmem>>, vector<16xi32>,
      %shift_right_logical3A_349 = arith.constant 7 : i32
      %shift_right_logical3A_350 = vector.broadcast %shift_right_logical3A_349 : i32 to vector<16xi32>
      %shift_right_logical3A_351 = arith.shrui %get3A_348, %shift_right_logical3A_350 : vector<16xi32>
      %and3A_352 = arith.constant 127 : i32
      %and3A_353 = vector.broadcast %and3A_352 : i32 to vector<16xi32>
      %and3A_354 = arith.andi %get3A_348, %and3A_353 : vector<16xi32>
      tpu.vector_store_idx %arg5[%shift_right_logical3A_351, %broadcast_in_dim3A_5, %and3A_354], %broadcast_in_dim3A_3 {add = true} : memref<782x1x128xf32, #tpu.memory_space<vmem>>[vector<16xi32>, vector<16xi32>, vector<16xi32>], vector<16xf32>,
      %get3A_355 = arith.constant 0 : i32
      %get3A_356 = arith.index_cast %get3A_355 : i32 to index
      %get3A_357 = arith.index_cast %scan3A_302 : i32 to index
      %get3A_358 = arith.constant 80 : index
      %get3A_359 = tpu.vector_load %arg6[%get3A_356, %get3A_357, %get3A_358] {strides = array<i32>} : memref<2x49x128xi32, #tpu.memory_space<vmem>>, vector<16xi32>,
      %shift_right_logical3A_360 = arith.constant 7 : i32
      %shift_right_logical3A_361 = vector.broadcast %shift_right_logical3A_360 : i32 to vector<16xi32>
      %shift_right_logical3A_362 = arith.shrui %get3A_359, %shift_right_logical3A_361 : vector<16xi32>
      %and3A_363 = arith.constant 127 : i32
      %and3A_364 = vector.broadcast %and3A_363 : i32 to vector<16xi32>
      %and3A_365 = arith.andi %get3A_359, %and3A_364 : vector<16xi32>
      tpu.vector_store_idx %arg5[%shift_right_logical3A_362, %broadcast_in_dim3A_5, %and3A_365], %broadcast_in_dim3A_3 {add = true} : memref<782x1x128xf32, #tpu.memory_space<vmem>>[vector<16xi32>, vector<16xi32>, vector<16xi32>], vector<16xf32>,
      %get3A_366 = arith.constant 0 : i32
      %get3A_367 = arith.index_cast %get3A_366 : i32 to index
      %get3A_368 = arith.index_cast %scan3A_302 : i32 to index
      %get3A_369 = arith.constant 96 : index
      %get3A_370 = tpu.vector_load %arg6[%get3A_367, %get3A_368, %get3A_369] {strides = array<i32>} : memref<2x49x128xi32, #tpu.memory_space<vmem>>, vector<16xi32>,
      %shift_right_logical3A_371 = arith.constant 7 : i32
      %shift_right_logical3A_372 = vector.broadcast %shift_right_logical3A_371 : i32 to vector<16xi32>
      %shift_right_logical3A_373 = arith.shrui %get3A_370, %shift_right_logical3A_372 : vector<16xi32>
      %and3A_374 = arith.constant 127 : i32
      %and3A_375 = vector.broadcast %and3A_374 : i32 to vector<16xi32>
      %and3A_376 = arith.andi %get3A_370, %and3A_375 : vector<16xi32>
      tpu.vector_store_idx %arg5[%shift_right_logical3A_373, %broadcast_in_dim3A_5, %and3A_376], %broadcast_in_dim3A_3 {add = true} : memref<782x1x128xf32, #tpu.memory_space<vmem>>[vector<16xi32>, vector<16xi32>, vector<16xi32>], vector<16xf32>,
      %get3A_377 = arith.constant 0 : i32
      %get3A_378 = arith.index_cast %get3A_377 : i32 to index
      %get3A_379 = arith.index_cast %scan3A_302 : i32 to index
      %get3A_380 = arith.constant 112 : index
      %get3A_381 = tpu.vector_load %arg6[%get3A_378, %get3A_379, %get3A_380] {strides = array<i32>} : memref<2x49x128xi32, #tpu.memory_space<vmem>>, vector<16xi32>,
      %shift_right_logical3A_382 = arith.constant 7 : i32
      %shift_right_logical3A_383 = vector.broadcast %shift_right_logical3A_382 : i32 to vector<16xi32>
      %shift_right_logical3A_384 = arith.shrui %get3A_381, %shift_right_logical3A_383 : vector<16xi32>
      %and3A_385 = arith.constant 127 : i32
      %and3A_386 = vector.broadcast %and3A_385 : i32 to vector<16xi32>
      %and3A_387 = arith.andi %get3A_381, %and3A_386 : vector<16xi32>
      tpu.vector_store_idx %arg5[%shift_right_logical3A_384, %broadcast_in_dim3A_5, %and3A_387], %broadcast_in_dim3A_3 {add = true} : memref<782x1x128xf32, #tpu.memory_space<vmem>>[vector<16xi32>, vector<16xi32>, vector<16xi32>], vector<16xf32>,
    }
    %scan3A_20 = arith.constant 49 : i32
    %add3A_21 = arith.constant 32 : i32
    %add3A_22 = arith.addi %add3A, %add3A_21 : i32
    %lt3A = arith.constant 48 : i32
    %lt3A_23 = arith.cmpi slt, %add3A_22, %lt3A : i32
    %convert_element_type3A = arith.extui %lt3A_23 : i1 to i32
    %cond3A = arith.constant 0 : i32
    %cond3A_24 = arith.cmpi ne, %convert_element_type3A, %cond3A : i32
    scf.if %cond3A_24 {
      %mul3A_302 = arith.constant 49 : i32
      %mul3A_303 = arith.muli %add3A_22, %mul3A_302 : i32
      %run_scoped3A_304 = arith.constant 0 : i32
      "tpu.region"() ({
        %run_scoped3A_311 = tpu.sem_alloc : memref<!tpu.dma_semaphore, #tpu.memory_space<semaphore_mem>>
        %dma_start3A_312 = arith.constant 0 : i32
        %dma_start3A_313 = arith.constant 0 : i32
        %dma_start3A_314 = tpu.memref_slice %arg6[%run_scoped3A_304, %dma_start3A_312, %dma_start3A_313] : memref<2x49x128xi32, #tpu.memory_space<vmem>> -> memref<1x49x128xi32, #tpu.memory_space<vmem>>
        %dma_start3A_315 = tpu.memref_squeeze %dma_start3A_314 : memref<1x49x128xi32, #tpu.memory_space<vmem>> -> memref<49x128xi32, #tpu.memory_space<vmem>>
        %dma_start3A_316 = arith.constant 0 : i32
        %dma_start3A_317 = tpu.memref_slice %arg3[%mul3A_303, %dma_start3A_316] : memref<2352x128xi32, #tpu.memory_space<hbm>> -> memref<49x128xi32, #tpu.memory_space<hbm>>
        %dma_start3A_318 = arith.constant 0 : i32
        %dma_start3A_319 = arith.constant 0 : i32
        %dma_start3A_320 = tpu.memref_slice %arg6[%run_scoped3A_304, %dma_start3A_318, %dma_start3A_319] : memref<2x49x128xi32, #tpu.memory_space<vmem>> -> memref<1x49x128xi32, #tpu.memory_space<vmem>>
        %dma_start3A_321 = tpu.memref_squeeze %dma_start3A_320 : memref<1x49x128xi32, #tpu.memory_space<vmem>> -> memref<49x128xi32, #tpu.memory_space<vmem>>
        %dma_start3A_322 = arith.constant 0 : i32
        %dma_start3A_323 = tpu.memref_slice %arg3[%mul3A_303, %dma_start3A_322] : memref<2352x128xi32, #tpu.memory_space<hbm>> -> memref<49x128xi32, #tpu.memory_space<hbm>>
        tpu.enqueue_dma source(%dma_start3A_323 : memref<49x128xi32, #tpu.memory_space<hbm>>) target(%dma_start3A_321 : memref<49x128xi32, #tpu.memory_space<vmem>>) target_semaphore(%run_scoped3A_311 : memref<!tpu.dma_semaphore, #tpu.memory_space<semaphore_mem>>)
        %dma_wait3A = arith.constant 0 : i32
        %dma_wait3A_324 = arith.constant 0 : i32
        %dma_wait3A_325 = tpu.memref_slice %arg6[%run_scoped3A_304, %dma_wait3A, %dma_wait3A_324] : memref<2x49x128xi32, #tpu.memory_space<vmem>> -> memref<1x49x128xi32, #tpu.memory_space<vmem>>
        %dma_wait3A_326 = tpu.memref_squeeze %dma_wait3A_325 : memref<1x49x128xi32, #tpu.memory_space<vmem>> -> memref<49x128xi32, #tpu.memory_space<vmem>>
        %dma_wait3A_327 = arith.constant 0 : i32
        %dma_wait3A_328 = tpu.memref_slice %arg3[%mul3A_303, %dma_wait3A_327] : memref<2352x128xi32, #tpu.memory_space<hbm>> -> memref<49x128xi32, #tpu.memory_space<hbm>>
        %dma_wait3A_329 = arith.constant 0 : i32
        %dma_wait3A_330 = arith.constant 0 : i32
        %dma_wait3A_331 = tpu.memref_slice %arg6[%run_scoped3A_304, %dma_wait3A_329, %dma_wait3A_330] : memref<2x49x128xi32, #tpu.memory_space<vmem>> -> memref<1x49x128xi32, #tpu.memory_space<vmem>>
        %dma_wait3A_332 = tpu.memref_squeeze %dma_wait3A_331 : memref<1x49x128xi32, #tpu.memory_space<vmem>> -> memref<49x128xi32, #tpu.memory_space<vmem>>
        %dma_wait3A_333 = arith.constant 0 : i32
        %dma_wait3A_334 = tpu.memref_slice %arg3[%mul3A_303, %dma_wait3A_333] : memref<2352x128xi32, #tpu.memory_space<hbm>> -> memref<49x128xi32, #tpu.memory_space<hbm>>
        tpu.wait_dma2 semaphore(%run_scoped3A_311 : memref<!tpu.dma_semaphore, #tpu.memory_space<semaphore_mem>>) src(%dma_wait3A_334 : memref<49x128xi32, #tpu.memory_space<hbm>>) dst(%dma_wait3A_332 : memref<49x128xi32, #tpu.memory_space<vmem>>)
        tpu.yield
      }) : () -> ()
      %scan3A_305 = arith.constant 0 : i32
      %scan3A_306 = arith.constant 0 : i32
      %scan3A_307 = arith.constant 49 : i32
      %scan3A_308 = arith.addi %scan3A_306, %scan3A_307 : i32
      %scan3A_309 = arith.constant 1 : i32
      scf.for %scan3A_311 = %scan3A_306 to %scan3A_308 step %scan3A_309  : i32 {
        %get3A = arith.constant 0 : i32
        %get3A_312 = arith.index_cast %get3A : i32 to index
        %get3A_313 = arith.index_cast %scan3A_311 : i32 to index
        %get3A_314 = arith.constant 0 : index
        %get3A_315 = tpu.vector_load %arg6[%get3A_312, %get3A_313, %get3A_314] {strides = array<i32>} : memref<2x49x128xi32, #tpu.memory_space<vmem>>, vector<16xi32>,
        %shift_right_logical3A = arith.constant 7 : i32
        %shift_right_logical3A_316 = vector.broadcast %shift_right_logical3A : i32 to vector<16xi32>
        %shift_right_logical3A_317 = arith.shrui %get3A_315, %shift_right_logical3A_316 : vector<16xi32>
        %and3A = arith.constant 127 : i32
        %and3A_318 = vector.broadcast %and3A : i32 to vector<16xi32>
        %and3A_319 = arith.andi %get3A_315, %and3A_318 : vector<16xi32>
        tpu.vector_store_idx %arg5[%shift_right_logical3A_317, %broadcast_in_dim3A_5, %and3A_319], %broadcast_in_dim3A_3 {add = true} : memref<782x1x128xf32, #tpu.memory_space<vmem>>[vector<16xi32>, vector<16xi32>, vector<16xi32>], vector<16xf32>,
        %get3A_320 = arith.constant 0 : i32
        %get3A_321 = arith.index_cast %get3A_320 : i32 to index
        %get3A_322 = arith.index_cast %scan3A_311 : i32 to index
        %get3A_323 = arith.constant 16 : index
        %get3A_324 = tpu.vector_load %arg6[%get3A_321, %get3A_322, %get3A_323] {strides = array<i32>} : memref<2x49x128xi32, #tpu.memory_space<vmem>>, vector<16xi32>,
        %shift_right_logical3A_325 = arith.constant 7 : i32
        %shift_right_logical3A_326 = vector.broadcast %shift_right_logical3A_325 : i32 to vector<16xi32>
        %shift_right_logical3A_327 = arith.shrui %get3A_324, %shift_right_logical3A_326 : vector<16xi32>
        %and3A_328 = arith.constant 127 : i32
        %and3A_329 = vector.broadcast %and3A_328 : i32 to vector<16xi32>
        %and3A_330 = arith.andi %get3A_324, %and3A_329 : vector<16xi32>
        tpu.vector_store_idx %arg5[%shift_right_logical3A_327, %broadcast_in_dim3A_5, %and3A_330], %broadcast_in_dim3A_3 {add = true} : memref<782x1x128xf32, #tpu.memory_space<vmem>>[vector<16xi32>, vector<16xi32>, vector<16xi32>], vector<16xf32>,
        %get3A_331 = arith.constant 0 : i32
        %get3A_332 = arith.index_cast %get3A_331 : i32 to index
        %get3A_333 = arith.index_cast %scan3A_311 : i32 to index
        %get3A_334 = arith.constant 32 : index
        %get3A_335 = tpu.vector_load %arg6[%get3A_332, %get3A_333, %get3A_334] {strides = array<i32>} : memref<2x49x128xi32, #tpu.memory_space<vmem>>, vector<16xi32>,
        %shift_right_logical3A_336 = arith.constant 7 : i32
        %shift_right_logical3A_337 = vector.broadcast %shift_right_logical3A_336 : i32 to vector<16xi32>
        %shift_right_logical3A_338 = arith.shrui %get3A_335, %shift_right_logical3A_337 : vector<16xi32>
        %and3A_339 = arith.constant 127 : i32
        %and3A_340 = vector.broadcast %and3A_339 : i32 to vector<16xi32>
        %and3A_341 = arith.andi %get3A_335, %and3A_340 : vector<16xi32>
        tpu.vector_store_idx %arg5[%shift_right_logical3A_338, %broadcast_in_dim3A_5, %and3A_341], %broadcast_in_dim3A_3 {add = true} : memref<782x1x128xf32, #tpu.memory_space<vmem>>[vector<16xi32>, vector<16xi32>, vector<16xi32>], vector<16xf32>,
        %get3A_342 = arith.constant 0 : i32
        %get3A_343 = arith.index_cast %get3A_342 : i32 to index
        %get3A_344 = arith.index_cast %scan3A_311 : i32 to index
        %get3A_345 = arith.constant 48 : index
        %get3A_346 = tpu.vector_load %arg6[%get3A_343, %get3A_344, %get3A_345] {strides = array<i32>} : memref<2x49x128xi32, #tpu.memory_space<vmem>>, vector<16xi32>,
        %shift_right_logical3A_347 = arith.constant 7 : i32
        %shift_right_logical3A_348 = vector.broadcast %shift_right_logical3A_347 : i32 to vector<16xi32>
        %shift_right_logical3A_349 = arith.shrui %get3A_346, %shift_right_logical3A_348 : vector<16xi32>
        %and3A_350 = arith.constant 127 : i32
        %and3A_351 = vector.broadcast %and3A_350 : i32 to vector<16xi32>
        %and3A_352 = arith.andi %get3A_346, %and3A_351 : vector<16xi32>
        tpu.vector_store_idx %arg5[%shift_right_logical3A_349, %broadcast_in_dim3A_5, %and3A_352], %broadcast_in_dim3A_3 {add = true} : memref<782x1x128xf32, #tpu.memory_space<vmem>>[vector<16xi32>, vector<16xi32>, vector<16xi32>], vector<16xf32>,
        %get3A_353 = arith.constant 0 : i32
        %get3A_354 = arith.index_cast %get3A_353 : i32 to index
        %get3A_355 = arith.index_cast %scan3A_311 : i32 to index
        %get3A_356 = arith.constant 64 : index
        %get3A_357 = tpu.vector_load %arg6[%get3A_354, %get3A_355, %get3A_356] {strides = array<i32>} : memref<2x49x128xi32, #tpu.memory_space<vmem>>, vector<16xi32>,
        %shift_right_logical3A_358 = arith.constant 7 : i32
        %shift_right_logical3A_359 = vector.broadcast %shift_right_logical3A_358 : i32 to vector<16xi32>
        %shift_right_logical3A_360 = arith.shrui %get3A_357, %shift_right_logical3A_359 : vector<16xi32>
        %and3A_361 = arith.constant 127 : i32
        %and3A_362 = vector.broadcast %and3A_361 : i32 to vector<16xi32>
        %and3A_363 = arith.andi %get3A_357, %and3A_362 : vector<16xi32>
        tpu.vector_store_idx %arg5[%shift_right_logical3A_360, %broadcast_in_dim3A_5, %and3A_363], %broadcast_in_dim3A_3 {add = true} : memref<782x1x128xf32, #tpu.memory_space<vmem>>[vector<16xi32>, vector<16xi32>, vector<16xi32>], vector<16xf32>,
        %get3A_364 = arith.constant 0 : i32
        %get3A_365 = arith.index_cast %get3A_364 : i32 to index
        %get3A_366 = arith.index_cast %scan3A_311 : i32 to index
        %get3A_367 = arith.constant 80 : index
        %get3A_368 = tpu.vector_load %arg6[%get3A_365, %get3A_366, %get3A_367] {strides = array<i32>} : memref<2x49x128xi32, #tpu.memory_space<vmem>>, vector<16xi32>,
        %shift_right_logical3A_369 = arith.constant 7 : i32
        %shift_right_logical3A_370 = vector.broadcast %shift_right_logical3A_369 : i32 to vector<16xi32>
        %shift_right_logical3A_371 = arith.shrui %get3A_368, %shift_right_logical3A_370 : vector<16xi32>
        %and3A_372 = arith.constant 127 : i32
        %and3A_373 = vector.broadcast %and3A_372 : i32 to vector<16xi32>
        %and3A_374 = arith.andi %get3A_368, %and3A_373 : vector<16xi32>
        tpu.vector_store_idx %arg5[%shift_right_logical3A_371, %broadcast_in_dim3A_5, %and3A_374], %broadcast_in_dim3A_3 {add = true} : memref<782x1x128xf32, #tpu.memory_space<vmem>>[vector<16xi32>, vector<16xi32>, vector<16xi32>], vector<16xf32>,
        %get3A_375 = arith.constant 0 : i32
        %get3A_376 = arith.index_cast %get3A_375 : i32 to index
        %get3A_377 = arith.index_cast %scan3A_311 : i32 to index
        %get3A_378 = arith.constant 96 : index
        %get3A_379 = tpu.vector_load %arg6[%get3A_376, %get3A_377, %get3A_378] {strides = array<i32>} : memref<2x49x128xi32, #tpu.memory_space<vmem>>, vector<16xi32>,
        %shift_right_logical3A_380 = arith.constant 7 : i32
        %shift_right_logical3A_381 = vector.broadcast %shift_right_logical3A_380 : i32 to vector<16xi32>
        %shift_right_logical3A_382 = arith.shrui %get3A_379, %shift_right_logical3A_381 : vector<16xi32>
        %and3A_383 = arith.constant 127 : i32
        %and3A_384 = vector.broadcast %and3A_383 : i32 to vector<16xi32>
        %and3A_385 = arith.andi %get3A_379, %and3A_384 : vector<16xi32>
        tpu.vector_store_idx %arg5[%shift_right_logical3A_382, %broadcast_in_dim3A_5, %and3A_385], %broadcast_in_dim3A_3 {add = true} : memref<782x1x128xf32, #tpu.memory_space<vmem>>[vector<16xi32>, vector<16xi32>, vector<16xi32>], vector<16xf32>,
        %get3A_386 = arith.constant 0 : i32
        %get3A_387 = arith.index_cast %get3A_386 : i32 to index
        %get3A_388 = arith.index_cast %scan3A_311 : i32 to index
        %get3A_389 = arith.constant 112 : index
        %get3A_390 = tpu.vector_load %arg6[%get3A_387, %get3A_388, %get3A_389] {strides = array<i32>} : memref<2x49x128xi32, #tpu.memory_space<vmem>>, vector<16xi32>,
        %shift_right_logical3A_391 = arith.constant 7 : i32
        %shift_right_logical3A_392 = vector.broadcast %shift_right_logical3A_391 : i32 to vector<16xi32>
        %shift_right_logical3A_393 = arith.shrui %get3A_390, %shift_right_logical3A_392 : vector<16xi32>
        %and3A_394 = arith.constant 127 : i32
        %and3A_395 = vector.broadcast %and3A_394 : i32 to vector<16xi32>
        %and3A_396 = arith.andi %get3A_390, %and3A_395 : vector<16xi32>
        tpu.vector_store_idx %arg5[%shift_right_logical3A_393, %broadcast_in_dim3A_5, %and3A_396], %broadcast_in_dim3A_3 {add = true} : memref<782x1x128xf32, #tpu.memory_space<vmem>>[vector<16xi32>, vector<16xi32>, vector<16xi32>], vector<16xf32>,
      }
      %scan3A_310 = arith.constant 49 : i32
    } else {
    }
    %add3A_25 = arith.constant 96 : i32
    %add3A_26 = arith.addi %add3A_25, %add3A : i32
    "tpu.region"() ({
      %run_scoped3A_302 = tpu.sem_alloc : memref<!tpu.dma_semaphore, #tpu.memory_space<semaphore_mem>>
      %dma_start3A_303 = arith.constant 0 : i32
      %dma_start3A_304 = arith.constant 0 : i32
      %dma_start3A_305 = tpu.memref_slice %arg4[%dma_start3A_303, %add3A_26, %dma_start3A_304] : memref<782x128x128xf32, #tpu.memory_space<hbm>> -> memref<782x1x128xf32, #tpu.memory_space<hbm>>
      %dma_start3A_306 = arith.constant 0 : i32
      %dma_start3A_307 = arith.constant 0 : i32
      %dma_start3A_308 = tpu.memref_slice %arg4[%dma_start3A_306, %add3A_26, %dma_start3A_307] : memref<782x128x128xf32, #tpu.memory_space<hbm>> -> memref<782x1x128xf32, #tpu.memory_space<hbm>>
      tpu.enqueue_dma source(%arg5 : memref<782x1x128xf32, #tpu.memory_space<vmem>>) target(%dma_start3A_308 : memref<782x1x128xf32, #tpu.memory_space<hbm>>) target_semaphore(%run_scoped3A_302 : memref<!tpu.dma_semaphore, #tpu.memory_space<semaphore_mem>>)
      %dma_wait3A = arith.constant 0 : i32
      %dma_wait3A_309 = arith.constant 0 : i32
      %dma_wait3A_310 = tpu.memref_slice %arg4[%dma_wait3A, %add3A_26, %dma_wait3A_309] : memref<782x128x128xf32, #tpu.memory_space<hbm>> -> memref<782x1x128xf32, #tpu.memory_space<hbm>>
      %dma_wait3A_311 = arith.constant 0 : i32
      %dma_wait3A_312 = arith.constant 0 : i32
      %dma_wait3A_313 = tpu.memref_slice %arg4[%dma_wait3A_311, %add3A_26, %dma_wait3A_312] : memref<782x128x128xf32, #tpu.memory_space<hbm>> -> memref<782x1x128xf32, #tpu.memory_space<hbm>>
      tpu.wait_dma2 semaphore(%run_scoped3A_302 : memref<!tpu.dma_semaphore, #tpu.memory_space<semaphore_mem>>) src(%arg5 : memref<782x1x128xf32, #tpu.memory_space<vmem>>) dst(%dma_wait3A_313 : memref<782x1x128xf32, #tpu.memory_space<hbm>>)
      tpu.yield
    }) : () -> ()
    %mul3A_27 = arith.constant 3 : i32
    %mul3A_28 = arith.muli %add3A, %mul3A_27 : i32
    %add3A_29 = arith.constant 0 : i32
    %add3A_30 = arith.addi %mul3A_28, %add3A_29 : i32
    %scan3A_31 = arith.constant 0 : i32
    %scan3A_32 = arith.constant 0 : i32
    %scan3A_33 = arith.constant 782 : i32
    %scan3A_34 = arith.addi %scan3A_32, %scan3A_33 : i32
    %scan3A_35 = arith.constant 1 : i32
    scf.for %scan3A_302 = %scan3A_32 to %scan3A_34 step %scan3A_35  : i32 {
      %swap3A = arith.constant 0 : i32
      %swap3A_303 = arith.index_cast %scan3A_302 : i32 to index
      %swap3A_304 = arith.index_cast %swap3A : i32 to index
      %swap3A_305 = arith.constant 0 : index
      %swap3A_306 = tpu.vector_load %arg5[%swap3A_303, %swap3A_304, %swap3A_305] {strides = array<i32>} : memref<782x1x128xf32, #tpu.memory_space<vmem>>, vector<16xf32>,
      tpu.vector_store %arg5[%swap3A_303, %swap3A_304, %swap3A_305], %broadcast_in_dim3A_1 {strides = array<i32>} : memref<782x1x128xf32, #tpu.memory_space<vmem>>, vector<16xf32>,
      %swap3A_307 = arith.constant 0 : i32
      %swap3A_308 = arith.index_cast %scan3A_302 : i32 to index
      %swap3A_309 = arith.index_cast %swap3A_307 : i32 to index
      %swap3A_310 = arith.constant 16 : index
      %swap3A_311 = tpu.vector_load %arg5[%swap3A_308, %swap3A_309, %swap3A_310] {strides = array<i32>} : memref<782x1x128xf32, #tpu.memory_space<vmem>>, vector<16xf32>,
      tpu.vector_store %arg5[%swap3A_308, %swap3A_309, %swap3A_310], %broadcast_in_dim3A_1 {strides = array<i32>} : memref<782x1x128xf32, #tpu.memory_space<vmem>>, vector<16xf32>,
      %swap3A_312 = arith.constant 0 : i32
      %swap3A_313 = arith.index_cast %scan3A_302 : i32 to index
      %swap3A_314 = arith.index_cast %swap3A_312 : i32 to index
      %swap3A_315 = arith.constant 32 : index
      %swap3A_316 = tpu.vector_load %arg5[%swap3A_313, %swap3A_314, %swap3A_315] {strides = array<i32>} : memref<782x1x128xf32, #tpu.memory_space<vmem>>, vector<16xf32>,
      tpu.vector_store %arg5[%swap3A_313, %swap3A_314, %swap3A_315], %broadcast_in_dim3A_1 {strides = array<i32>} : memref<782x1x128xf32, #tpu.memory_space<vmem>>, vector<16xf32>,
      %swap3A_317 = arith.constant 0 : i32
      %swap3A_318 = arith.index_cast %scan3A_302 : i32 to index
      %swap3A_319 = arith.index_cast %swap3A_317 : i32 to index
      %swap3A_320 = arith.constant 48 : index
      %swap3A_321 = tpu.vector_load %arg5[%swap3A_318, %swap3A_319, %swap3A_320] {strides = array<i32>} : memref<782x1x128xf32, #tpu.memory_space<vmem>>, vector<16xf32>,
      tpu.vector_store %arg5[%swap3A_318, %swap3A_319, %swap3A_320], %broadcast_in_dim3A_1 {strides = array<i32>} : memref<782x1x128xf32, #tpu.memory_space<vmem>>, vector<16xf32>,
      %swap3A_322 = arith.constant 0 : i32
      %swap3A_323 = arith.index_cast %scan3A_302 : i32 to index
      %swap3A_324 = arith.index_cast %swap3A_322 : i32 to index
      %swap3A_325 = arith.constant 64 : index
      %swap3A_326 = tpu.vector_load %arg5[%swap3A_323, %swap3A_324, %swap3A_325] {strides = array<i32>} : memref<782x1x128xf32, #tpu.memory_space<vmem>>, vector<16xf32>,
      tpu.vector_store %arg5[%swap3A_323, %swap3A_324, %swap3A_325], %broadcast_in_dim3A_1 {strides = array<i32>} : memref<782x1x128xf32, #tpu.memory_space<vmem>>, vector<16xf32>,
      %swap3A_327 = arith.constant 0 : i32
      %swap3A_328 = arith.index_cast %scan3A_302 : i32 to index
      %swap3A_329 = arith.index_cast %swap3A_327 : i32 to index
      %swap3A_330 = arith.constant 80 : index
      %swap3A_331 = tpu.vector_load %arg5[%swap3A_328, %swap3A_329, %swap3A_330] {strides = array<i32>} : memref<782x1x128xf32, #tpu.memory_space<vmem>>, vector<16xf32>,
      tpu.vector_store %arg5[%swap3A_328, %swap3A_329, %swap3A_330], %broadcast_in_dim3A_1 {strides = array<i32>} : memref<782x1x128xf32, #tpu.memory_space<vmem>>, vector<16xf32>,
      %swap3A_332 = arith.constant 0 : i32
      %swap3A_333 = arith.index_cast %scan3A_302 : i32 to index
      %swap3A_334 = arith.index_cast %swap3A_332 : i32 to index
      %swap3A_335 = arith.constant 96 : index
      %swap3A_336 = tpu.vector_load %arg5[%swap3A_333, %swap3A_334, %swap3A_335] {strides = array<i32>} : memref<782x1x128xf32, #tpu.memory_space<vmem>>, vector<16xf32>,
      tpu.vector_store %arg5[%swap3A_333, %swap3A_334, %swap3A_335], %broadcast_in_dim3A_1 {strides = array<i32>} : memref<782x1x128xf32, #tpu.memory_space<vmem>>, vector<16xf32>,
      %swap3A_337 = arith.constant 0 : i32
      %swap3A_338 = arith.index_cast %scan3A_302 : i32 to index
      %swap3A_339 = arith.index_cast %swap3A_337 : i32 to index
      %swap3A_340 = arith.constant 112 : index
      %swap3A_341 = tpu.vector_load %arg5[%swap3A_338, %swap3A_339, %swap3A_340] {strides = array<i32>} : memref<782x1x128xf32, #tpu.memory_space<vmem>>, vector<16xf32>,
      tpu.vector_store %arg5[%swap3A_338, %swap3A_339, %swap3A_340], %broadcast_in_dim3A_1 {strides = array<i32>} : memref<782x1x128xf32, #tpu.memory_space<vmem>>, vector<16xf32>,
    }
    %scan3A_36 = arith.constant 782 : i32
    %dma_start3A = arith.constant 0 : i32
    %dma_start3A_37 = arith.constant 0 : i32
    %dma_start3A_38 = arith.constant 0 : i32
    %dma_start3A_39 = arith.constant 0 : i32
    %dma_start3A_40 = tpu.memref_slice %arg6[%dma_start3A, %dma_start3A_38, %dma_start3A_39] : memref<2x49x128xi32, #tpu.memory_space<vmem>> -> memref<1x49x128xi32, #tpu.memory_space<vmem>>
    %dma_start3A_41 = tpu.memref_squeeze %dma_start3A_40 : memref<1x49x128xi32, #tpu.memory_space<vmem>> -> memref<49x128xi32, #tpu.memory_space<vmem>>
    %dma_start3A_42 = arith.constant 0 : i32
    %dma_start3A_43 = arith.constant 0 : i32
    %dma_start3A_44 = tpu.memref_slice %arg3[%dma_start3A_42, %dma_start3A_43] : memref<2352x128xi32, #tpu.memory_space<hbm>> -> memref<49x128xi32, #tpu.memory_space<hbm>>
    %dma_start3A_45 = tpu.memref_slice %arg8[%dma_start3A_37] : memref<4x!tpu.dma_semaphore, #tpu.memory_space<semaphore_mem>> -> memref<1x!tpu.dma_semaphore, #tpu.memory_space<semaphore_mem>>
    %dma_start3A_46 = tpu.memref_squeeze %dma_start3A_45 : memref<1x!tpu.dma_semaphore, #tpu.memory_space<semaphore_mem>> -> memref<!tpu.dma_semaphore, #tpu.memory_space<semaphore_mem>>
    %dma_start3A_47 = arith.constant 0 : i32
    %dma_start3A_48 = arith.constant 0 : i32
    %dma_start3A_49 = tpu.memref_slice %arg6[%dma_start3A, %dma_start3A_47, %dma_start3A_48] : memref<2x49x128xi32, #tpu.memory_space<vmem>> -> memref<1x49x128xi32, #tpu.memory_space<vmem>>
    %dma_start3A_50 = tpu.memref_squeeze %dma_start3A_49 : memref<1x49x128xi32, #tpu.memory_space<vmem>> -> memref<49x128xi32, #tpu.memory_space<vmem>>
    %dma_start3A_51 = arith.constant 0 : i32
    %dma_start3A_52 = arith.constant 0 : i32
    %dma_start3A_53 = tpu.memref_slice %arg3[%dma_start3A_51, %dma_start3A_52] : memref<2352x128xi32, #tpu.memory_space<hbm>> -> memref<49x128xi32, #tpu.memory_space<hbm>>
    tpu.enqueue_dma source(%dma_start3A_53 : memref<49x128xi32, #tpu.memory_space<hbm>>) target(%dma_start3A_50 : memref<49x128xi32, #tpu.memory_space<vmem>>) target_semaphore(%dma_start3A_46 : memref<!tpu.dma_semaphore, #tpu.memory_space<semaphore_mem>>)
    %mul3A_54 = arith.constant 392 : i32
    %mul3A_55 = arith.muli %add3A_30, %mul3A_54 : i32
    %add3A_56 = arith.constant 0 : i32
    %add3A_57 = arith.addi %mul3A_55, %add3A_56 : i32
    %dma_start3A_58 = arith.constant 0 : i32
    %dma_start3A_59 = arith.constant 2 : i32
    %dma_start3A_60 = arith.constant 0 : i32
    %dma_start3A_61 = arith.constant 0 : i32
    %dma_start3A_62 = tpu.memref_slice %arg7[%dma_start3A_58, %dma_start3A_60, %dma_start3A_61] : memref<2x49x128xf32, #tpu.memory_space<vmem>> -> memref<1x49x128xf32, #tpu.memory_space<vmem>>
    %dma_start3A_63 = tpu.memref_squeeze %dma_start3A_62 : memref<1x49x128xf32, #tpu.memory_space<vmem>> -> memref<49x128xf32, #tpu.memory_space<vmem>>
    %dma_start3A_64 = arith.constant 0 : i32
    %dma_start3A_65 = tpu.memref_slice %arg2[%add3A_57, %dma_start3A_64] : memref<225792x128xf32, #tpu.memory_space<hbm>> -> memref<49x128xf32, #tpu.memory_space<hbm>>
    %dma_start3A_66 = tpu.memref_slice %arg8[%dma_start3A_59] : memref<4x!tpu.dma_semaphore, #tpu.memory_space<semaphore_mem>> -> memref<1x!tpu.dma_semaphore, #tpu.memory_space<semaphore_mem>>
    %dma_start3A_67 = tpu.memref_squeeze %dma_start3A_66 : memref<1x!tpu.dma_semaphore, #tpu.memory_space<semaphore_mem>> -> memref<!tpu.dma_semaphore, #tpu.memory_space<semaphore_mem>>
    %dma_start3A_68 = arith.constant 0 : i32
    %dma_start3A_69 = arith.constant 0 : i32
    %dma_start3A_70 = tpu.memref_slice %arg7[%dma_start3A_58, %dma_start3A_68, %dma_start3A_69] : memref<2x49x128xf32, #tpu.memory_space<vmem>> -> memref<1x49x128xf32, #tpu.memory_space<vmem>>
    %dma_start3A_71 = tpu.memref_squeeze %dma_start3A_70 : memref<1x49x128xf32, #tpu.memory_space<vmem>> -> memref<49x128xf32, #tpu.memory_space<vmem>>
    %dma_start3A_72 = arith.constant 0 : i32
    %dma_start3A_73 = tpu.memref_slice %arg2[%add3A_57, %dma_start3A_72] : memref<225792x128xf32, #tpu.memory_space<hbm>> -> memref<49x128xf32, #tpu.memory_space<hbm>>
    tpu.enqueue_dma source(%dma_start3A_73 : memref<49x128xf32, #tpu.memory_space<hbm>>) target(%dma_start3A_71 : memref<49x128xf32, #tpu.memory_space<vmem>>) target_semaphore(%dma_start3A_67 : memref<!tpu.dma_semaphore, #tpu.memory_space<semaphore_mem>>)
    %dma_start3A_74 = arith.constant 1 : i32
    %dma_start3A_75 = arith.constant 1 : i32
    %dma_start3A_76 = arith.constant 0 : i32
    %dma_start3A_77 = arith.constant 0 : i32
    %dma_start3A_78 = tpu.memref_slice %arg6[%dma_start3A_74, %dma_start3A_76, %dma_start3A_77] : memref<2x49x128xi32, #tpu.memory_space<vmem>> -> memref<1x49x128xi32, #tpu.memory_space<vmem>>
    %dma_start3A_79 = tpu.memref_squeeze %dma_start3A_78 : memref<1x49x128xi32, #tpu.memory_space<vmem>> -> memref<49x128xi32, #tpu.memory_space<vmem>>
    %dma_start3A_80 = arith.constant 49 : i32
    %dma_start3A_81 = arith.constant 0 : i32
    %dma_start3A_82 = tpu.memref_slice %arg3[%dma_start3A_80, %dma_start3A_81] : memref<2352x128xi32, #tpu.memory_space<hbm>> -> memref<49x128xi32, #tpu.memory_space<hbm>>
    %dma_start3A_83 = tpu.memref_slice %arg8[%dma_start3A_75] : memref<4x!tpu.dma_semaphore, #tpu.memory_space<semaphore_mem>> -> memref<1x!tpu.dma_semaphore, #tpu.memory_space<semaphore_mem>>
    %dma_start3A_84 = tpu.memref_squeeze %dma_start3A_83 : memref<1x!tpu.dma_semaphore, #tpu.memory_space<semaphore_mem>> -> memref<!tpu.dma_semaphore, #tpu.memory_space<semaphore_mem>>
    %dma_start3A_85 = arith.constant 0 : i32
    %dma_start3A_86 = arith.constant 0 : i32
    %dma_start3A_87 = tpu.memref_slice %arg6[%dma_start3A_74, %dma_start3A_85, %dma_start3A_86] : memref<2x49x128xi32, #tpu.memory_space<vmem>> -> memref<1x49x128xi32, #tpu.memory_space<vmem>>
    %dma_start3A_88 = tpu.memref_squeeze %dma_start3A_87 : memref<1x49x128xi32, #tpu.memory_space<vmem>> -> memref<49x128xi32, #tpu.memory_space<vmem>>
    %dma_start3A_89 = arith.constant 49 : i32
    %dma_start3A_90 = arith.constant 0 : i32
    %dma_start3A_91 = tpu.memref_slice %arg3[%dma_start3A_89, %dma_start3A_90] : memref<2352x128xi32, #tpu.memory_space<hbm>> -> memref<49x128xi32, #tpu.memory_space<hbm>>
    tpu.enqueue_dma source(%dma_start3A_91 : memref<49x128xi32, #tpu.memory_space<hbm>>) target(%dma_start3A_88 : memref<49x128xi32, #tpu.memory_space<vmem>>) target_semaphore(%dma_start3A_84 : memref<!tpu.dma_semaphore, #tpu.memory_space<semaphore_mem>>)
    %mul3A_92 = arith.constant 392 : i32
    %mul3A_93 = arith.muli %add3A_30, %mul3A_92 : i32
    %add3A_94 = arith.constant 49 : i32
    %add3A_95 = arith.addi %mul3A_93, %add3A_94 : i32
    %dma_start3A_96 = arith.constant 1 : i32
    %dma_start3A_97 = arith.constant 3 : i32
    %dma_start3A_98 = arith.constant 0 : i32
    %dma_start3A_99 = arith.constant 0 : i32
    %dma_start3A_100 = tpu.memref_slice %arg7[%dma_start3A_96, %dma_start3A_98, %dma_start3A_99] : memref<2x49x128xf32, #tpu.memory_space<vmem>> -> memref<1x49x128xf32, #tpu.memory_space<vmem>>
    %dma_start3A_101 = tpu.memref_squeeze %dma_start3A_100 : memref<1x49x128xf32, #tpu.memory_space<vmem>> -> memref<49x128xf32, #tpu.memory_space<vmem>>
    %dma_start3A_102 = arith.constant 0 : i32
    %dma_start3A_103 = tpu.memref_slice %arg2[%add3A_95, %dma_start3A_102] : memref<225792x128xf32, #tpu.memory_space<hbm>> -> memref<49x128xf32, #tpu.memory_space<hbm>>
    %dma_start3A_104 = tpu.memref_slice %arg8[%dma_start3A_97] : memref<4x!tpu.dma_semaphore, #tpu.memory_space<semaphore_mem>> -> memref<1x!tpu.dma_semaphore, #tpu.memory_space<semaphore_mem>>
    %dma_start3A_105 = tpu.memref_squeeze %dma_start3A_104 : memref<1x!tpu.dma_semaphore, #tpu.memory_space<semaphore_mem>> -> memref<!tpu.dma_semaphore, #tpu.memory_space<semaphore_mem>>
    %dma_start3A_106 = arith.constant 0 : i32
    %dma_start3A_107 = arith.constant 0 : i32
    %dma_start3A_108 = tpu.memref_slice %arg7[%dma_start3A_96, %dma_start3A_106, %dma_start3A_107] : memref<2x49x128xf32, #tpu.memory_space<vmem>> -> memref<1x49x128xf32, #tpu.memory_space<vmem>>
    %dma_start3A_109 = tpu.memref_squeeze %dma_start3A_108 : memref<1x49x128xf32, #tpu.memory_space<vmem>> -> memref<49x128xf32, #tpu.memory_space<vmem>>
    %dma_start3A_110 = arith.constant 0 : i32
    %dma_start3A_111 = tpu.memref_slice %arg2[%add3A_95, %dma_start3A_110] : memref<225792x128xf32, #tpu.memory_space<hbm>> -> memref<49x128xf32, #tpu.memory_space<hbm>>
    tpu.enqueue_dma source(%dma_start3A_111 : memref<49x128xf32, #tpu.memory_space<hbm>>) target(%dma_start3A_109 : memref<49x128xf32, #tpu.memory_space<vmem>>) target_semaphore(%dma_start3A_105 : memref<!tpu.dma_semaphore, #tpu.memory_space<semaphore_mem>>)
    %scan3A_112 = arith.constant 0 : i32
    %scan3A_113 = arith.constant 0 : i32
    %scan3A_114 = arith.constant 24 : i32
    %scan3A_115 = arith.addi %scan3A_113, %scan3A_114 : i32
    %scan3A_116 = arith.constant 1 : i32
    scf.for %scan3A_302 = %scan3A_113 to %scan3A_115 step %scan3A_116  : i32 {
      %mul3A_303 = arith.constant 2 : i32
      %mul3A_304 = arith.muli %mul3A_303, %scan3A_302 : i32
      %add3A_305 = arith.constant 0 : i32
      %add3A_306 = arith.addi %mul3A_304, %add3A_305 : i32
      %dma_wait3A = arith.constant 0 : i32
      %dma_wait3A_307 = arith.constant 0 : i32
      %dma_wait3A_308 = arith.constant 0 : i32
      %dma_wait3A_309 = arith.constant 0 : i32
      %dma_wait3A_310 = tpu.memref_slice %arg6[%dma_wait3A, %dma_wait3A_308, %dma_wait3A_309] : memref<2x49x128xi32, #tpu.memory_space<vmem>> -> memref<1x49x128xi32, #tpu.memory_space<vmem>>
      %dma_wait3A_311 = tpu.memref_squeeze %dma_wait3A_310 : memref<1x49x128xi32, #tpu.memory_space<vmem>> -> memref<49x128xi32, #tpu.memory_space<vmem>>
      %dma_wait3A_312 = arith.constant 0 : i32
      %dma_wait3A_313 = arith.constant 0 : i32
      %dma_wait3A_314 = tpu.memref_slice %arg3[%dma_wait3A_312, %dma_wait3A_313] : memref<2352x128xi32, #tpu.memory_space<hbm>> -> memref<49x128xi32, #tpu.memory_space<hbm>>
      %dma_wait3A_315 = tpu.memref_slice %arg8[%dma_wait3A_307] : memref<4x!tpu.dma_semaphore, #tpu.memory_space<semaphore_mem>> -> memref<1x!tpu.dma_semaphore, #tpu.memory_space<semaphore_mem>>
      %dma_wait3A_316 = tpu.memref_squeeze %dma_wait3A_315 : memref<1x!tpu.dma_semaphore, #tpu.memory_space<semaphore_mem>> -> memref<!tpu.dma_semaphore, #tpu.memory_space<semaphore_mem>>
      %dma_wait3A_317 = arith.constant 0 : i32
      %dma_wait3A_318 = arith.constant 0 : i32
      %dma_wait3A_319 = tpu.memref_slice %arg6[%dma_wait3A, %dma_wait3A_317, %dma_wait3A_318] : memref<2x49x128xi32, #tpu.memory_space<vmem>> -> memref<1x49x128xi32, #tpu.memory_space<vmem>>
      %dma_wait3A_320 = tpu.memref_squeeze %dma_wait3A_319 : memref<1x49x128xi32, #tpu.memory_space<vmem>> -> memref<49x128xi32, #tpu.memory_space<vmem>>
      %dma_wait3A_321 = arith.constant 0 : i32
      %dma_wait3A_322 = arith.constant 0 : i32
      %dma_wait3A_323 = tpu.memref_slice %arg3[%dma_wait3A_321, %dma_wait3A_322] : memref<2352x128xi32, #tpu.memory_space<hbm>> -> memref<49x128xi32, #tpu.memory_space<hbm>>
      tpu.wait_dma2 semaphore(%dma_wait3A_316 : memref<!tpu.dma_semaphore, #tpu.memory_space<semaphore_mem>>) src(%dma_wait3A_323 : memref<49x128xi32, #tpu.memory_space<hbm>>) dst(%dma_wait3A_320 : memref<49x128xi32, #tpu.memory_space<vmem>>)
      %dma_wait3A_324 = arith.constant 0 : i32
      %dma_wait3A_325 = arith.constant 2 : i32
      %dma_wait3A_326 = arith.constant 0 : i32
      %dma_wait3A_327 = arith.constant 0 : i32
      %dma_wait3A_328 = tpu.memref_slice %arg7[%dma_wait3A_324, %dma_wait3A_326, %dma_wait3A_327] : memref<2x49x128xf32, #tpu.memory_space<vmem>> -> memref<1x49x128xf32, #tpu.memory_space<vmem>>
      %dma_wait3A_329 = tpu.memref_squeeze %dma_wait3A_328 : memref<1x49x128xf32, #tpu.memory_space<vmem>> -> memref<49x128xf32, #tpu.memory_space<vmem>>
      %dma_wait3A_330 = arith.constant 0 : i32
      %dma_wait3A_331 = arith.constant 0 : i32
      %dma_wait3A_332 = tpu.memref_slice %arg2[%dma_wait3A_330, %dma_wait3A_331] : memref<225792x128xf32, #tpu.memory_space<hbm>> -> memref<49x128xf32, #tpu.memory_space<hbm>>
      %dma_wait3A_333 = tpu.memref_slice %arg8[%dma_wait3A_325] : memref<4x!tpu.dma_semaphore, #tpu.memory_space<semaphore_mem>> -> memref<1x!tpu.dma_semaphore, #tpu.memory_space<semaphore_mem>>
      %dma_wait3A_334 = tpu.memref_squeeze %dma_wait3A_333 : memref<1x!tpu.dma_semaphore, #tpu.memory_space<semaphore_mem>> -> memref<!tpu.dma_semaphore, #tpu.memory_space<semaphore_mem>>
      %dma_wait3A_335 = arith.constant 0 : i32
      %dma_wait3A_336 = arith.constant 0 : i32
      %dma_wait3A_337 = tpu.memref_slice %arg7[%dma_wait3A_324, %dma_wait3A_335, %dma_wait3A_336] : memref<2x49x128xf32, #tpu.memory_space<vmem>> -> memref<1x49x128xf32, #tpu.memory_space<vmem>>
      %dma_wait3A_338 = tpu.memref_squeeze %dma_wait3A_337 : memref<1x49x128xf32, #tpu.memory_space<vmem>> -> memref<49x128xf32, #tpu.memory_space<vmem>>
      %dma_wait3A_339 = arith.constant 0 : i32
      %dma_wait3A_340 = arith.constant 0 : i32
      %dma_wait3A_341 = tpu.memref_slice %arg2[%dma_wait3A_339, %dma_wait3A_340] : memref<225792x128xf32, #tpu.memory_space<hbm>> -> memref<49x128xf32, #tpu.memory_space<hbm>>
      tpu.wait_dma2 semaphore(%dma_wait3A_334 : memref<!tpu.dma_semaphore, #tpu.memory_space<semaphore_mem>>) src(%dma_wait3A_341 : memref<49x128xf32, #tpu.memory_space<hbm>>) dst(%dma_wait3A_338 : memref<49x128xf32, #tpu.memory_space<vmem>>)
      %scan3A_342 = arith.constant 0 : i32
      %scan3A_343 = arith.constant 0 : i32
      %scan3A_344 = arith.constant 49 : i32
      %scan3A_345 = arith.addi %scan3A_343, %scan3A_344 : i32
      %scan3A_346 = arith.constant 1 : i32
      scf.for %scan3A_408 = %scan3A_343 to %scan3A_345 step %scan3A_346  : i32 {
        %get3A = arith.constant 0 : i32
        %get3A_409 = arith.index_cast %get3A : i32 to index
        %get3A_410 = arith.index_cast %scan3A_408 : i32 to index
        %get3A_411 = arith.constant 0 : index
        %get3A_412 = tpu.vector_load %arg6[%get3A_409, %get3A_410, %get3A_411] {strides = array<i32>} : memref<2x49x128xi32, #tpu.memory_space<vmem>>, vector<16xi32>,
        %shift_right_logical3A = arith.constant 7 : i32
        %shift_right_logical3A_413 = vector.broadcast %shift_right_logical3A : i32 to vector<16xi32>
        %shift_right_logical3A_414 = arith.shrui %get3A_412, %shift_right_logical3A_413 : vector<16xi32>
        %and3A = arith.constant 127 : i32
        %and3A_415 = vector.broadcast %and3A : i32 to vector<16xi32>
        %and3A_416 = arith.andi %get3A_412, %and3A_415 : vector<16xi32>
        %get3A_417 = arith.constant 0 : i32
        %get3A_418 = arith.index_cast %get3A_417 : i32 to index
        %get3A_419 = arith.index_cast %scan3A_408 : i32 to index
        %get3A_420 = arith.constant 0 : index
        %get3A_421 = tpu.vector_load %arg7[%get3A_418, %get3A_419, %get3A_420] {strides = array<i32>} : memref<2x49x128xf32, #tpu.memory_space<vmem>>, vector<16xf32>,
        tpu.vector_store_idx %arg5[%shift_right_logical3A_414, %broadcast_in_dim3A_5, %and3A_416], %get3A_421 {add = true} : memref<782x1x128xf32, #tpu.memory_space<vmem>>[vector<16xi32>, vector<16xi32>, vector<16xi32>], vector<16xf32>,
        %get3A_422 = arith.constant 0 : i32
        %get3A_423 = arith.index_cast %get3A_422 : i32 to index
        %get3A_424 = arith.index_cast %scan3A_408 : i32 to index
        %get3A_425 = arith.constant 16 : index
        %get3A_426 = tpu.vector_load %arg6[%get3A_423, %get3A_424, %get3A_425] {strides = array<i32>} : memref<2x49x128xi32, #tpu.memory_space<vmem>>, vector<16xi32>,
        %shift_right_logical3A_427 = arith.constant 7 : i32
        %shift_right_logical3A_428 = vector.broadcast %shift_right_logical3A_427 : i32 to vector<16xi32>
        %shift_right_logical3A_429 = arith.shrui %get3A_426, %shift_right_logical3A_428 : vector<16xi32>
        %and3A_430 = arith.constant 127 : i32
        %and3A_431 = vector.broadcast %and3A_430 : i32 to vector<16xi32>
        %and3A_432 = arith.andi %get3A_426, %and3A_431 : vector<16xi32>
        %get3A_433 = arith.constant 0 : i32
        %get3A_434 = arith.index_cast %get3A_433 : i32 to index
        %get3A_435 = arith.index_cast %scan3A_408 : i32 to index
        %get3A_436 = arith.constant 16 : index
        %get3A_437 = tpu.vector_load %arg7[%get3A_434, %get3A_435, %get3A_436] {strides = array<i32>} : memref<2x49x128xf32, #tpu.memory_space<vmem>>, vector<16xf32>,
        tpu.vector_store_idx %arg5[%shift_right_logical3A_429, %broadcast_in_dim3A_5, %and3A_432], %get3A_437 {add = true} : memref<782x1x128xf32, #tpu.memory_space<vmem>>[vector<16xi32>, vector<16xi32>, vector<16xi32>], vector<16xf32>,
        %get3A_438 = arith.constant 0 : i32
        %get3A_439 = arith.index_cast %get3A_438 : i32 to index
        %get3A_440 = arith.index_cast %scan3A_408 : i32 to index
        %get3A_441 = arith.constant 32 : index
        %get3A_442 = tpu.vector_load %arg6[%get3A_439, %get3A_440, %get3A_441] {strides = array<i32>} : memref<2x49x128xi32, #tpu.memory_space<vmem>>, vector<16xi32>,
        %shift_right_logical3A_443 = arith.constant 7 : i32
        %shift_right_logical3A_444 = vector.broadcast %shift_right_logical3A_443 : i32 to vector<16xi32>
        %shift_right_logical3A_445 = arith.shrui %get3A_442, %shift_right_logical3A_444 : vector<16xi32>
        %and3A_446 = arith.constant 127 : i32
        %and3A_447 = vector.broadcast %and3A_446 : i32 to vector<16xi32>
        %and3A_448 = arith.andi %get3A_442, %and3A_447 : vector<16xi32>
        %get3A_449 = arith.constant 0 : i32
        %get3A_450 = arith.index_cast %get3A_449 : i32 to index
        %get3A_451 = arith.index_cast %scan3A_408 : i32 to index
        %get3A_452 = arith.constant 32 : index
        %get3A_453 = tpu.vector_load %arg7[%get3A_450, %get3A_451, %get3A_452] {strides = array<i32>} : memref<2x49x128xf32, #tpu.memory_space<vmem>>, vector<16xf32>,
        tpu.vector_store_idx %arg5[%shift_right_logical3A_445, %broadcast_in_dim3A_5, %and3A_448], %get3A_453 {add = true} : memref<782x1x128xf32, #tpu.memory_space<vmem>>[vector<16xi32>, vector<16xi32>, vector<16xi32>], vector<16xf32>,
        %get3A_454 = arith.constant 0 : i32
        %get3A_455 = arith.index_cast %get3A_454 : i32 to index
        %get3A_456 = arith.index_cast %scan3A_408 : i32 to index
        %get3A_457 = arith.constant 48 : index
        %get3A_458 = tpu.vector_load %arg6[%get3A_455, %get3A_456, %get3A_457] {strides = array<i32>} : memref<2x49x128xi32, #tpu.memory_space<vmem>>, vector<16xi32>,
        %shift_right_logical3A_459 = arith.constant 7 : i32
        %shift_right_logical3A_460 = vector.broadcast %shift_right_logical3A_459 : i32 to vector<16xi32>
        %shift_right_logical3A_461 = arith.shrui %get3A_458, %shift_right_logical3A_460 : vector<16xi32>
        %and3A_462 = arith.constant 127 : i32
        %and3A_463 = vector.broadcast %and3A_462 : i32 to vector<16xi32>
        %and3A_464 = arith.andi %get3A_458, %and3A_463 : vector<16xi32>
        %get3A_465 = arith.constant 0 : i32
        %get3A_466 = arith.index_cast %get3A_465 : i32 to index
        %get3A_467 = arith.index_cast %scan3A_408 : i32 to index
        %get3A_468 = arith.constant 48 : index
        %get3A_469 = tpu.vector_load %arg7[%get3A_466, %get3A_467, %get3A_468] {strides = array<i32>} : memref<2x49x128xf32, #tpu.memory_space<vmem>>, vector<16xf32>,
        tpu.vector_store_idx %arg5[%shift_right_logical3A_461, %broadcast_in_dim3A_5, %and3A_464], %get3A_469 {add = true} : memref<782x1x128xf32, #tpu.memory_space<vmem>>[vector<16xi32>, vector<16xi32>, vector<16xi32>], vector<16xf32>,
        %get3A_470 = arith.constant 0 : i32
        %get3A_471 = arith.index_cast %get3A_470 : i32 to index
        %get3A_472 = arith.index_cast %scan3A_408 : i32 to index
        %get3A_473 = arith.constant 64 : index
        %get3A_474 = tpu.vector_load %arg6[%get3A_471, %get3A_472, %get3A_473] {strides = array<i32>} : memref<2x49x128xi32, #tpu.memory_space<vmem>>, vector<16xi32>,
        %shift_right_logical3A_475 = arith.constant 7 : i32
        %shift_right_logical3A_476 = vector.broadcast %shift_right_logical3A_475 : i32 to vector<16xi32>
        %shift_right_logical3A_477 = arith.shrui %get3A_474, %shift_right_logical3A_476 : vector<16xi32>
        %and3A_478 = arith.constant 127 : i32
        %and3A_479 = vector.broadcast %and3A_478 : i32 to vector<16xi32>
        %and3A_480 = arith.andi %get3A_474, %and3A_479 : vector<16xi32>
        %get3A_481 = arith.constant 0 : i32
        %get3A_482 = arith.index_cast %get3A_481 : i32 to index
        %get3A_483 = arith.index_cast %scan3A_408 : i32 to index
        %get3A_484 = arith.constant 64 : index
        %get3A_485 = tpu.vector_load %arg7[%get3A_482, %get3A_483, %get3A_484] {strides = array<i32>} : memref<2x49x128xf32, #tpu.memory_space<vmem>>, vector<16xf32>,
        tpu.vector_store_idx %arg5[%shift_right_logical3A_477, %broadcast_in_dim3A_5, %and3A_480], %get3A_485 {add = true} : memref<782x1x128xf32, #tpu.memory_space<vmem>>[vector<16xi32>, vector<16xi32>, vector<16xi32>], vector<16xf32>,
        %get3A_486 = arith.constant 0 : i32
        %get3A_487 = arith.index_cast %get3A_486 : i32 to index
        %get3A_488 = arith.index_cast %scan3A_408 : i32 to index
        %get3A_489 = arith.constant 80 : index
        %get3A_490 = tpu.vector_load %arg6[%get3A_487, %get3A_488, %get3A_489] {strides = array<i32>} : memref<2x49x128xi32, #tpu.memory_space<vmem>>, vector<16xi32>,
        %shift_right_logical3A_491 = arith.constant 7 : i32
        %shift_right_logical3A_492 = vector.broadcast %shift_right_logical3A_491 : i32 to vector<16xi32>
        %shift_right_logical3A_493 = arith.shrui %get3A_490, %shift_right_logical3A_492 : vector<16xi32>
        %and3A_494 = arith.constant 127 : i32
        %and3A_495 = vector.broadcast %and3A_494 : i32 to vector<16xi32>
        %and3A_496 = arith.andi %get3A_490, %and3A_495 : vector<16xi32>
        %get3A_497 = arith.constant 0 : i32
        %get3A_498 = arith.index_cast %get3A_497 : i32 to index
        %get3A_499 = arith.index_cast %scan3A_408 : i32 to index
        %get3A_500 = arith.constant 80 : index
        %get3A_501 = tpu.vector_load %arg7[%get3A_498, %get3A_499, %get3A_500] {strides = array<i32>} : memref<2x49x128xf32, #tpu.memory_space<vmem>>, vector<16xf32>,
        tpu.vector_store_idx %arg5[%shift_right_logical3A_493, %broadcast_in_dim3A_5, %and3A_496], %get3A_501 {add = true} : memref<782x1x128xf32, #tpu.memory_space<vmem>>[vector<16xi32>, vector<16xi32>, vector<16xi32>], vector<16xf32>,
        %get3A_502 = arith.constant 0 : i32
        %get3A_503 = arith.index_cast %get3A_502 : i32 to index
        %get3A_504 = arith.index_cast %scan3A_408 : i32 to index
        %get3A_505 = arith.constant 96 : index
        %get3A_506 = tpu.vector_load %arg6[%get3A_503, %get3A_504, %get3A_505] {strides = array<i32>} : memref<2x49x128xi32, #tpu.memory_space<vmem>>, vector<16xi32>,
        %shift_right_logical3A_507 = arith.constant 7 : i32
        %shift_right_logical3A_508 = vector.broadcast %shift_right_logical3A_507 : i32 to vector<16xi32>
        %shift_right_logical3A_509 = arith.shrui %get3A_506, %shift_right_logical3A_508 : vector<16xi32>
        %and3A_510 = arith.constant 127 : i32
        %and3A_511 = vector.broadcast %and3A_510 : i32 to vector<16xi32>
        %and3A_512 = arith.andi %get3A_506, %and3A_511 : vector<16xi32>
        %get3A_513 = arith.constant 0 : i32
        %get3A_514 = arith.index_cast %get3A_513 : i32 to index
        %get3A_515 = arith.index_cast %scan3A_408 : i32 to index
        %get3A_516 = arith.constant 96 : index
        %get3A_517 = tpu.vector_load %arg7[%get3A_514, %get3A_515, %get3A_516] {strides = array<i32>} : memref<2x49x128xf32, #tpu.memory_space<vmem>>, vector<16xf32>,
        tpu.vector_store_idx %arg5[%shift_right_logical3A_509, %broadcast_in_dim3A_5, %and3A_512], %get3A_517 {add = true} : memref<782x1x128xf32, #tpu.memory_space<vmem>>[vector<16xi32>, vector<16xi32>, vector<16xi32>], vector<16xf32>,
        %get3A_518 = arith.constant 0 : i32
        %get3A_519 = arith.index_cast %get3A_518 : i32 to index
        %get3A_520 = arith.index_cast %scan3A_408 : i32 to index
        %get3A_521 = arith.constant 112 : index
        %get3A_522 = tpu.vector_load %arg6[%get3A_519, %get3A_520, %get3A_521] {strides = array<i32>} : memref<2x49x128xi32, #tpu.memory_space<vmem>>, vector<16xi32>,
        %shift_right_logical3A_523 = arith.constant 7 : i32
        %shift_right_logical3A_524 = vector.broadcast %shift_right_logical3A_523 : i32 to vector<16xi32>
        %shift_right_logical3A_525 = arith.shrui %get3A_522, %shift_right_logical3A_524 : vector<16xi32>
        %and3A_526 = arith.constant 127 : i32
        %and3A_527 = vector.broadcast %and3A_526 : i32 to vector<16xi32>
        %and3A_528 = arith.andi %get3A_522, %and3A_527 : vector<16xi32>
        %get3A_529 = arith.constant 0 : i32
        %get3A_530 = arith.index_cast %get3A_529 : i32 to index
        %get3A_531 = arith.index_cast %scan3A_408 : i32 to index
        %get3A_532 = arith.constant 112 : index
        %get3A_533 = tpu.vector_load %arg7[%get3A_530, %get3A_531, %get3A_532] {strides = array<i32>} : memref<2x49x128xf32, #tpu.memory_space<vmem>>, vector<16xf32>,
        tpu.vector_store_idx %arg5[%shift_right_logical3A_525, %broadcast_in_dim3A_5, %and3A_528], %get3A_533 {add = true} : memref<782x1x128xf32, #tpu.memory_space<vmem>>[vector<16xi32>, vector<16xi32>, vector<16xi32>], vector<16xf32>,
      }
      %scan3A_347 = arith.constant 49 : i32
      %add3A_348 = arith.constant 2 : i32
      %add3A_349 = arith.addi %add3A_306, %add3A_348 : i32
      %lt3A_350 = arith.constant 48 : i32
      %lt3A_351 = arith.cmpi slt, %add3A_349, %lt3A_350 : i32
      %convert_element_type3A_352 = arith.extui %lt3A_351 : i1 to i32
      %cond3A_353 = arith.constant 0 : i32
      %cond3A_354 = arith.cmpi ne, %convert_element_type3A_352, %cond3A_353 : i32
      scf.if %cond3A_354 {
        %shift_right_logical3A = arith.constant 3 : i32
        %shift_right_logical3A_408 = arith.shrui %add3A_349, %shift_right_logical3A : i32
        %and3A = arith.constant 7 : i32
        %and3A_409 = arith.andi %add3A_349, %and3A : i32
        %mul3A_410 = arith.constant 392 : i32
        %mul3A_411 = arith.muli %shift_right_logical3A_408, %mul3A_410 : i32
        %mul3A_412 = arith.constant 49 : i32
        %mul3A_413 = arith.muli %and3A_409, %mul3A_412 : i32
        %add3A_414 = arith.addi %mul3A_411, %mul3A_413 : i32
        %dma_start3A_415 = arith.constant 0 : i32
        %dma_start3A_416 = arith.constant 0 : i32
        %dma_start3A_417 = arith.constant 0 : i32
        %dma_start3A_418 = arith.constant 0 : i32
        %dma_start3A_419 = tpu.memref_slice %arg6[%dma_start3A_415, %dma_start3A_417, %dma_start3A_418] : memref<2x49x128xi32, #tpu.memory_space<vmem>> -> memref<1x49x128xi32, #tpu.memory_space<vmem>>
        %dma_start3A_420 = tpu.memref_squeeze %dma_start3A_419 : memref<1x49x128xi32, #tpu.memory_space<vmem>> -> memref<49x128xi32, #tpu.memory_space<vmem>>
        %dma_start3A_421 = arith.constant 0 : i32
        %dma_start3A_422 = tpu.memref_slice %arg3[%add3A_414, %dma_start3A_421] : memref<2352x128xi32, #tpu.memory_space<hbm>> -> memref<49x128xi32, #tpu.memory_space<hbm>>
        %dma_start3A_423 = tpu.memref_slice %arg8[%dma_start3A_416] : memref<4x!tpu.dma_semaphore, #tpu.memory_space<semaphore_mem>> -> memref<1x!tpu.dma_semaphore, #tpu.memory_space<semaphore_mem>>
        %dma_start3A_424 = tpu.memref_squeeze %dma_start3A_423 : memref<1x!tpu.dma_semaphore, #tpu.memory_space<semaphore_mem>> -> memref<!tpu.dma_semaphore, #tpu.memory_space<semaphore_mem>>
        %dma_start3A_425 = arith.constant 0 : i32
        %dma_start3A_426 = arith.constant 0 : i32
        %dma_start3A_427 = tpu.memref_slice %arg6[%dma_start3A_415, %dma_start3A_425, %dma_start3A_426] : memref<2x49x128xi32, #tpu.memory_space<vmem>> -> memref<1x49x128xi32, #tpu.memory_space<vmem>>
        %dma_start3A_428 = tpu.memref_squeeze %dma_start3A_427 : memref<1x49x128xi32, #tpu.memory_space<vmem>> -> memref<49x128xi32, #tpu.memory_space<vmem>>
        %dma_start3A_429 = arith.constant 0 : i32
        %dma_start3A_430 = tpu.memref_slice %arg3[%add3A_414, %dma_start3A_429] : memref<2352x128xi32, #tpu.memory_space<hbm>> -> memref<49x128xi32, #tpu.memory_space<hbm>>
        tpu.enqueue_dma source(%dma_start3A_430 : memref<49x128xi32, #tpu.memory_space<hbm>>) target(%dma_start3A_428 : memref<49x128xi32, #tpu.memory_space<vmem>>) target_semaphore(%dma_start3A_424 : memref<!tpu.dma_semaphore, #tpu.memory_space<semaphore_mem>>)
        %mul3A_431 = arith.constant 96 : i32
        %mul3A_432 = arith.muli %shift_right_logical3A_408, %mul3A_431 : i32
        %add3A_433 = arith.addi %mul3A_432, %add3A_30 : i32
        %mul3A_434 = arith.constant 392 : i32
        %mul3A_435 = arith.muli %add3A_433, %mul3A_434 : i32
        %mul3A_436 = arith.constant 49 : i32
        %mul3A_437 = arith.muli %and3A_409, %mul3A_436 : i32
        %add3A_438 = arith.addi %mul3A_435, %mul3A_437 : i32
        %dma_start3A_439 = arith.constant 0 : i32
        %dma_start3A_440 = arith.constant 2 : i32
        %dma_start3A_441 = arith.constant 0 : i32
        %dma_start3A_442 = arith.constant 0 : i32
        %dma_start3A_443 = tpu.memref_slice %arg7[%dma_start3A_439, %dma_start3A_441, %dma_start3A_442] : memref<2x49x128xf32, #tpu.memory_space<vmem>> -> memref<1x49x128xf32, #tpu.memory_space<vmem>>
        %dma_start3A_444 = tpu.memref_squeeze %dma_start3A_443 : memref<1x49x128xf32, #tpu.memory_space<vmem>> -> memref<49x128xf32, #tpu.memory_space<vmem>>
        %dma_start3A_445 = arith.constant 0 : i32
        %dma_start3A_446 = tpu.memref_slice %arg2[%add3A_438, %dma_start3A_445] : memref<225792x128xf32, #tpu.memory_space<hbm>> -> memref<49x128xf32, #tpu.memory_space<hbm>>
        %dma_start3A_447 = tpu.memref_slice %arg8[%dma_start3A_440] : memref<4x!tpu.dma_semaphore, #tpu.memory_space<semaphore_mem>> -> memref<1x!tpu.dma_semaphore, #tpu.memory_space<semaphore_mem>>
        %dma_start3A_448 = tpu.memref_squeeze %dma_start3A_447 : memref<1x!tpu.dma_semaphore, #tpu.memory_space<semaphore_mem>> -> memref<!tpu.dma_semaphore, #tpu.memory_space<semaphore_mem>>
        %dma_start3A_449 = arith.constant 0 : i32
        %dma_start3A_450 = arith.constant 0 : i32
        %dma_start3A_451 = tpu.memref_slice %arg7[%dma_start3A_439, %dma_start3A_449, %dma_start3A_450] : memref<2x49x128xf32, #tpu.memory_space<vmem>> -> memref<1x49x128xf32, #tpu.memory_space<vmem>>
        %dma_start3A_452 = tpu.memref_squeeze %dma_start3A_451 : memref<1x49x128xf32, #tpu.memory_space<vmem>> -> memref<49x128xf32, #tpu.memory_space<vmem>>
        %dma_start3A_453 = arith.constant 0 : i32
        %dma_start3A_454 = tpu.memref_slice %arg2[%add3A_438, %dma_start3A_453] : memref<225792x128xf32, #tpu.memory_space<hbm>> -> memref<49x128xf32, #tpu.memory_space<hbm>>
        tpu.enqueue_dma source(%dma_start3A_454 : memref<49x128xf32, #tpu.memory_space<hbm>>) target(%dma_start3A_452 : memref<49x128xf32, #tpu.memory_space<vmem>>) target_semaphore(%dma_start3A_448 : memref<!tpu.dma_semaphore, #tpu.memory_space<semaphore_mem>>)
      } else {
      }
      %mul3A_355 = arith.constant 2 : i32
      %mul3A_356 = arith.muli %mul3A_355, %scan3A_302 : i32
      %add3A_357 = arith.constant 1 : i32
      %add3A_358 = arith.addi %mul3A_356, %add3A_357 : i32
      %dma_wait3A_359 = arith.constant 1 : i32
      %dma_wait3A_360 = arith.constant 1 : i32
      %dma_wait3A_361 = arith.constant 0 : i32
      %dma_wait3A_362 = arith.constant 0 : i32
      %dma_wait3A_363 = tpu.memref_slice %arg6[%dma_wait3A_359, %dma_wait3A_361, %dma_wait3A_362] : memref<2x49x128xi32, #tpu.memory_space<vmem>> -> memref<1x49x128xi32, #tpu.memory_space<vmem>>
      %dma_wait3A_364 = tpu.memref_squeeze %dma_wait3A_363 : memref<1x49x128xi32, #tpu.memory_space<vmem>> -> memref<49x128xi32, #tpu.memory_space<vmem>>
      %dma_wait3A_365 = arith.constant 0 : i32
      %dma_wait3A_366 = arith.constant 0 : i32
      %dma_wait3A_367 = tpu.memref_slice %arg3[%dma_wait3A_365, %dma_wait3A_366] : memref<2352x128xi32, #tpu.memory_space<hbm>> -> memref<49x128xi32, #tpu.memory_space<hbm>>
      %dma_wait3A_368 = tpu.memref_slice %arg8[%dma_wait3A_360] : memref<4x!tpu.dma_semaphore, #tpu.memory_space<semaphore_mem>> -> memref<1x!tpu.dma_semaphore, #tpu.memory_space<semaphore_mem>>
      %dma_wait3A_369 = tpu.memref_squeeze %dma_wait3A_368 : memref<1x!tpu.dma_semaphore, #tpu.memory_space<semaphore_mem>> -> memref<!tpu.dma_semaphore, #tpu.memory_space<semaphore_mem>>
      %dma_wait3A_370 = arith.constant 0 : i32
      %dma_wait3A_371 = arith.constant 0 : i32
      %dma_wait3A_372 = tpu.memref_slice %arg6[%dma_wait3A_359, %dma_wait3A_370, %dma_wait3A_371] : memref<2x49x128xi32, #tpu.memory_space<vmem>> -> memref<1x49x128xi32, #tpu.memory_space<vmem>>
      %dma_wait3A_373 = tpu.memref_squeeze %dma_wait3A_372 : memref<1x49x128xi32, #tpu.memory_space<vmem>> -> memref<49x128xi32, #tpu.memory_space<vmem>>
      %dma_wait3A_374 = arith.constant 0 : i32
      %dma_wait3A_375 = arith.constant 0 : i32
      %dma_wait3A_376 = tpu.memref_slice %arg3[%dma_wait3A_374, %dma_wait3A_375] : memref<2352x128xi32, #tpu.memory_space<hbm>> -> memref<49x128xi32, #tpu.memory_space<hbm>>
      tpu.wait_dma2 semaphore(%dma_wait3A_369 : memref<!tpu.dma_semaphore, #tpu.memory_space<semaphore_mem>>) src(%dma_wait3A_376 : memref<49x128xi32, #tpu.memory_space<hbm>>) dst(%dma_wait3A_373 : memref<49x128xi32, #tpu.memory_space<vmem>>)
      %dma_wait3A_377 = arith.constant 1 : i32
      %dma_wait3A_378 = arith.constant 3 : i32
      %dma_wait3A_379 = arith.constant 0 : i32
      %dma_wait3A_380 = arith.constant 0 : i32
      %dma_wait3A_381 = tpu.memref_slice %arg7[%dma_wait3A_377, %dma_wait3A_379, %dma_wait3A_380] : memref<2x49x128xf32, #tpu.memory_space<vmem>> -> memref<1x49x128xf32, #tpu.memory_space<vmem>>
      %dma_wait3A_382 = tpu.memref_squeeze %dma_wait3A_381 : memref<1x49x128xf32, #tpu.memory_space<vmem>> -> memref<49x128xf32, #tpu.memory_space<vmem>>
      %dma_wait3A_383 = arith.constant 0 : i32
      %dma_wait3A_384 = arith.constant 0 : i32
      %dma_wait3A_385 = tpu.memref_slice %arg2[%dma_wait3A_383, %dma_wait3A_384] : memref<225792x128xf32, #tpu.memory_space<hbm>> -> memref<49x128xf32, #tpu.memory_space<hbm>>
      %dma_wait3A_386 = tpu.memref_slice %arg8[%dma_wait3A_378] : memref<4x!tpu.dma_semaphore, #tpu.memory_space<semaphore_mem>> -> memref<1x!tpu.dma_semaphore, #tpu.memory_space<semaphore_mem>>
      %dma_wait3A_387 = tpu.memref_squeeze %dma_wait3A_386 : memref<1x!tpu.dma_semaphore, #tpu.memory_space<semaphore_mem>> -> memref<!tpu.dma_semaphore, #tpu.memory_space<semaphore_mem>>
      %dma_wait3A_388 = arith.constant 0 : i32
      %dma_wait3A_389 = arith.constant 0 : i32
      %dma_wait3A_390 = tpu.memref_slice %arg7[%dma_wait3A_377, %dma_wait3A_388, %dma_wait3A_389] : memref<2x49x128xf32, #tpu.memory_space<vmem>> -> memref<1x49x128xf32, #tpu.memory_space<vmem>>
      %dma_wait3A_391 = tpu.memref_squeeze %dma_wait3A_390 : memref<1x49x128xf32, #tpu.memory_space<vmem>> -> memref<49x128xf32, #tpu.memory_space<vmem>>
      %dma_wait3A_392 = arith.constant 0 : i32
      %dma_wait3A_393 = arith.constant 0 : i32
      %dma_wait3A_394 = tpu.memref_slice %arg2[%dma_wait3A_392, %dma_wait3A_393] : memref<225792x128xf32, #tpu.memory_space<hbm>> -> memref<49x128xf32, #tpu.memory_space<hbm>>
      tpu.wait_dma2 semaphore(%dma_wait3A_387 : memref<!tpu.dma_semaphore, #tpu.memory_space<semaphore_mem>>) src(%dma_wait3A_394 : memref<49x128xf32, #tpu.memory_space<hbm>>) dst(%dma_wait3A_391 : memref<49x128xf32, #tpu.memory_space<vmem>>)
      %scan3A_395 = arith.constant 0 : i32
      %scan3A_396 = arith.constant 0 : i32
      %scan3A_397 = arith.constant 49 : i32
      %scan3A_398 = arith.addi %scan3A_396, %scan3A_397 : i32
      %scan3A_399 = arith.constant 1 : i32
      scf.for %scan3A_408 = %scan3A_396 to %scan3A_398 step %scan3A_399  : i32 {
        %get3A = arith.constant 1 : i32
        %get3A_409 = arith.index_cast %get3A : i32 to index
        %get3A_410 = arith.index_cast %scan3A_408 : i32 to index
        %get3A_411 = arith.constant 0 : index
        %get3A_412 = tpu.vector_load %arg6[%get3A_409, %get3A_410, %get3A_411] {strides = array<i32>} : memref<2x49x128xi32, #tpu.memory_space<vmem>>, vector<16xi32>,
        %shift_right_logical3A = arith.constant 7 : i32
        %shift_right_logical3A_413 = vector.broadcast %shift_right_logical3A : i32 to vector<16xi32>
        %shift_right_logical3A_414 = arith.shrui %get3A_412, %shift_right_logical3A_413 : vector<16xi32>
        %and3A = arith.constant 127 : i32
        %and3A_415 = vector.broadcast %and3A : i32 to vector<16xi32>
        %and3A_416 = arith.andi %get3A_412, %and3A_415 : vector<16xi32>
        %get3A_417 = arith.constant 1 : i32
        %get3A_418 = arith.index_cast %get3A_417 : i32 to index
        %get3A_419 = arith.index_cast %scan3A_408 : i32 to index
        %get3A_420 = arith.constant 0 : index
        %get3A_421 = tpu.vector_load %arg7[%get3A_418, %get3A_419, %get3A_420] {strides = array<i32>} : memref<2x49x128xf32, #tpu.memory_space<vmem>>, vector<16xf32>,
        tpu.vector_store_idx %arg5[%shift_right_logical3A_414, %broadcast_in_dim3A_5, %and3A_416], %get3A_421 {add = true} : memref<782x1x128xf32, #tpu.memory_space<vmem>>[vector<16xi32>, vector<16xi32>, vector<16xi32>], vector<16xf32>,
        %get3A_422 = arith.constant 1 : i32
        %get3A_423 = arith.index_cast %get3A_422 : i32 to index
        %get3A_424 = arith.index_cast %scan3A_408 : i32 to index
        %get3A_425 = arith.constant 16 : index
        %get3A_426 = tpu.vector_load %arg6[%get3A_423, %get3A_424, %get3A_425] {strides = array<i32>} : memref<2x49x128xi32, #tpu.memory_space<vmem>>, vector<16xi32>,
        %shift_right_logical3A_427 = arith.constant 7 : i32
        %shift_right_logical3A_428 = vector.broadcast %shift_right_logical3A_427 : i32 to vector<16xi32>
        %shift_right_logical3A_429 = arith.shrui %get3A_426, %shift_right_logical3A_428 : vector<16xi32>
        %and3A_430 = arith.constant 127 : i32
        %and3A_431 = vector.broadcast %and3A_430 : i32 to vector<16xi32>
        %and3A_432 = arith.andi %get3A_426, %and3A_431 : vector<16xi32>
        %get3A_433 = arith.constant 1 : i32
        %get3A_434 = arith.index_cast %get3A_433 : i32 to index
        %get3A_435 = arith.index_cast %scan3A_408 : i32 to index
        %get3A_436 = arith.constant 16 : index
        %get3A_437 = tpu.vector_load %arg7[%get3A_434, %get3A_435, %get3A_436] {strides = array<i32>} : memref<2x49x128xf32, #tpu.memory_space<vmem>>, vector<16xf32>,
        tpu.vector_store_idx %arg5[%shift_right_logical3A_429, %broadcast_in_dim3A_5, %and3A_432], %get3A_437 {add = true} : memref<782x1x128xf32, #tpu.memory_space<vmem>>[vector<16xi32>, vector<16xi32>, vector<16xi32>], vector<16xf32>,
        %get3A_438 = arith.constant 1 : i32
        %get3A_439 = arith.index_cast %get3A_438 : i32 to index
        %get3A_440 = arith.index_cast %scan3A_408 : i32 to index
        %get3A_441 = arith.constant 32 : index
        %get3A_442 = tpu.vector_load %arg6[%get3A_439, %get3A_440, %get3A_441] {strides = array<i32>} : memref<2x49x128xi32, #tpu.memory_space<vmem>>, vector<16xi32>,
        %shift_right_logical3A_443 = arith.constant 7 : i32
        %shift_right_logical3A_444 = vector.broadcast %shift_right_logical3A_443 : i32 to vector<16xi32>
        %shift_right_logical3A_445 = arith.shrui %get3A_442, %shift_right_logical3A_444 : vector<16xi32>
        %and3A_446 = arith.constant 127 : i32
        %and3A_447 = vector.broadcast %and3A_446 : i32 to vector<16xi32>
        %and3A_448 = arith.andi %get3A_442, %and3A_447 : vector<16xi32>
        %get3A_449 = arith.constant 1 : i32
        %get3A_450 = arith.index_cast %get3A_449 : i32 to index
        %get3A_451 = arith.index_cast %scan3A_408 : i32 to index
        %get3A_452 = arith.constant 32 : index
        %get3A_453 = tpu.vector_load %arg7[%get3A_450, %get3A_451, %get3A_452] {strides = array<i32>} : memref<2x49x128xf32, #tpu.memory_space<vmem>>, vector<16xf32>,
        tpu.vector_store_idx %arg5[%shift_right_logical3A_445, %broadcast_in_dim3A_5, %and3A_448], %get3A_453 {add = true} : memref<782x1x128xf32, #tpu.memory_space<vmem>>[vector<16xi32>, vector<16xi32>, vector<16xi32>], vector<16xf32>,
        %get3A_454 = arith.constant 1 : i32
        %get3A_455 = arith.index_cast %get3A_454 : i32 to index
        %get3A_456 = arith.index_cast %scan3A_408 : i32 to index
        %get3A_457 = arith.constant 48 : index
        %get3A_458 = tpu.vector_load %arg6[%get3A_455, %get3A_456, %get3A_457] {strides = array<i32>} : memref<2x49x128xi32, #tpu.memory_space<vmem>>, vector<16xi32>,
        %shift_right_logical3A_459 = arith.constant 7 : i32
        %shift_right_logical3A_460 = vector.broadcast %shift_right_logical3A_459 : i32 to vector<16xi32>
        %shift_right_logical3A_461 = arith.shrui %get3A_458, %shift_right_logical3A_460 : vector<16xi32>
        %and3A_462 = arith.constant 127 : i32
        %and3A_463 = vector.broadcast %and3A_462 : i32 to vector<16xi32>
        %and3A_464 = arith.andi %get3A_458, %and3A_463 : vector<16xi32>
        %get3A_465 = arith.constant 1 : i32
        %get3A_466 = arith.index_cast %get3A_465 : i32 to index
        %get3A_467 = arith.index_cast %scan3A_408 : i32 to index
        %get3A_468 = arith.constant 48 : index
        %get3A_469 = tpu.vector_load %arg7[%get3A_466, %get3A_467, %get3A_468] {strides = array<i32>} : memref<2x49x128xf32, #tpu.memory_space<vmem>>, vector<16xf32>,
        tpu.vector_store_idx %arg5[%shift_right_logical3A_461, %broadcast_in_dim3A_5, %and3A_464], %get3A_469 {add = true} : memref<782x1x128xf32, #tpu.memory_space<vmem>>[vector<16xi32>, vector<16xi32>, vector<16xi32>], vector<16xf32>,
        %get3A_470 = arith.constant 1 : i32
        %get3A_471 = arith.index_cast %get3A_470 : i32 to index
        %get3A_472 = arith.index_cast %scan3A_408 : i32 to index
        %get3A_473 = arith.constant 64 : index
        %get3A_474 = tpu.vector_load %arg6[%get3A_471, %get3A_472, %get3A_473] {strides = array<i32>} : memref<2x49x128xi32, #tpu.memory_space<vmem>>, vector<16xi32>,
        %shift_right_logical3A_475 = arith.constant 7 : i32
        %shift_right_logical3A_476 = vector.broadcast %shift_right_logical3A_475 : i32 to vector<16xi32>
        %shift_right_logical3A_477 = arith.shrui %get3A_474, %shift_right_logical3A_476 : vector<16xi32>
        %and3A_478 = arith.constant 127 : i32
        %and3A_479 = vector.broadcast %and3A_478 : i32 to vector<16xi32>
        %and3A_480 = arith.andi %get3A_474, %and3A_479 : vector<16xi32>
        %get3A_481 = arith.constant 1 : i32
        %get3A_482 = arith.index_cast %get3A_481 : i32 to index
        %get3A_483 = arith.index_cast %scan3A_408 : i32 to index
        %get3A_484 = arith.constant 64 : index
        %get3A_485 = tpu.vector_load %arg7[%get3A_482, %get3A_483, %get3A_484] {strides = array<i32>} : memref<2x49x128xf32, #tpu.memory_space<vmem>>, vector<16xf32>,
        tpu.vector_store_idx %arg5[%shift_right_logical3A_477, %broadcast_in_dim3A_5, %and3A_480], %get3A_485 {add = true} : memref<782x1x128xf32, #tpu.memory_space<vmem>>[vector<16xi32>, vector<16xi32>, vector<16xi32>], vector<16xf32>,
        %get3A_486 = arith.constant 1 : i32
        %get3A_487 = arith.index_cast %get3A_486 : i32 to index
        %get3A_488 = arith.index_cast %scan3A_408 : i32 to index
        %get3A_489 = arith.constant 80 : index
        %get3A_490 = tpu.vector_load %arg6[%get3A_487, %get3A_488, %get3A_489] {strides = array<i32>} : memref<2x49x128xi32, #tpu.memory_space<vmem>>, vector<16xi32>,
        %shift_right_logical3A_491 = arith.constant 7 : i32
        %shift_right_logical3A_492 = vector.broadcast %shift_right_logical3A_491 : i32 to vector<16xi32>
        %shift_right_logical3A_493 = arith.shrui %get3A_490, %shift_right_logical3A_492 : vector<16xi32>
        %and3A_494 = arith.constant 127 : i32
        %and3A_495 = vector.broadcast %and3A_494 : i32 to vector<16xi32>
        %and3A_496 = arith.andi %get3A_490, %and3A_495 : vector<16xi32>
        %get3A_497 = arith.constant 1 : i32
        %get3A_498 = arith.index_cast %get3A_497 : i32 to index
        %get3A_499 = arith.index_cast %scan3A_408 : i32 to index
        %get3A_500 = arith.constant 80 : index
        %get3A_501 = tpu.vector_load %arg7[%get3A_498, %get3A_499, %get3A_500] {strides = array<i32>} : memref<2x49x128xf32, #tpu.memory_space<vmem>>, vector<16xf32>,
        tpu.vector_store_idx %arg5[%shift_right_logical3A_493, %broadcast_in_dim3A_5, %and3A_496], %get3A_501 {add = true} : memref<782x1x128xf32, #tpu.memory_space<vmem>>[vector<16xi32>, vector<16xi32>, vector<16xi32>], vector<16xf32>,
        %get3A_502 = arith.constant 1 : i32
        %get3A_503 = arith.index_cast %get3A_502 : i32 to index
        %get3A_504 = arith.index_cast %scan3A_408 : i32 to index
        %get3A_505 = arith.constant 96 : index
        %get3A_506 = tpu.vector_load %arg6[%get3A_503, %get3A_504, %get3A_505] {strides = array<i32>} : memref<2x49x128xi32, #tpu.memory_space<vmem>>, vector<16xi32>,
        %shift_right_logical3A_507 = arith.constant 7 : i32
        %shift_right_logical3A_508 = vector.broadcast %shift_right_logical3A_507 : i32 to vector<16xi32>
        %shift_right_logical3A_509 = arith.shrui %get3A_506, %shift_right_logical3A_508 : vector<16xi32>
        %and3A_510 = arith.constant 127 : i32
        %and3A_511 = vector.broadcast %and3A_510 : i32 to vector<16xi32>
        %and3A_512 = arith.andi %get3A_506, %and3A_511 : vector<16xi32>
        %get3A_513 = arith.constant 1 : i32
        %get3A_514 = arith.index_cast %get3A_513 : i32 to index
        %get3A_515 = arith.index_cast %scan3A_408 : i32 to index
        %get3A_516 = arith.constant 96 : index
        %get3A_517 = tpu.vector_load %arg7[%get3A_514, %get3A_515, %get3A_516] {strides = array<i32>} : memref<2x49x128xf32, #tpu.memory_space<vmem>>, vector<16xf32>,
        tpu.vector_store_idx %arg5[%shift_right_logical3A_509, %broadcast_in_dim3A_5, %and3A_512], %get3A_517 {add = true} : memref<782x1x128xf32, #tpu.memory_space<vmem>>[vector<16xi32>, vector<16xi32>, vector<16xi32>], vector<16xf32>,
        %get3A_518 = arith.constant 1 : i32
        %get3A_519 = arith.index_cast %get3A_518 : i32 to index
        %get3A_520 = arith.index_cast %scan3A_408 : i32 to index
        %get3A_521 = arith.constant 112 : index
        %get3A_522 = tpu.vector_load %arg6[%get3A_519, %get3A_520, %get3A_521] {strides = array<i32>} : memref<2x49x128xi32, #tpu.memory_space<vmem>>, vector<16xi32>,
        %shift_right_logical3A_523 = arith.constant 7 : i32
        %shift_right_logical3A_524 = vector.broadcast %shift_right_logical3A_523 : i32 to vector<16xi32>
        %shift_right_logical3A_525 = arith.shrui %get3A_522, %shift_right_logical3A_524 : vector<16xi32>
        %and3A_526 = arith.constant 127 : i32
        %and3A_527 = vector.broadcast %and3A_526 : i32 to vector<16xi32>
        %and3A_528 = arith.andi %get3A_522, %and3A_527 : vector<16xi32>
        %get3A_529 = arith.constant 1 : i32
        %get3A_530 = arith.index_cast %get3A_529 : i32 to index
        %get3A_531 = arith.index_cast %scan3A_408 : i32 to index
        %get3A_532 = arith.constant 112 : index
        %get3A_533 = tpu.vector_load %arg7[%get3A_530, %get3A_531, %get3A_532] {strides = array<i32>} : memref<2x49x128xf32, #tpu.memory_space<vmem>>, vector<16xf32>,
        tpu.vector_store_idx %arg5[%shift_right_logical3A_525, %broadcast_in_dim3A_5, %and3A_528], %get3A_533 {add = true} : memref<782x1x128xf32, #tpu.memory_space<vmem>>[vector<16xi32>, vector<16xi32>, vector<16xi32>], vector<16xf32>,
      }
      %scan3A_400 = arith.constant 49 : i32
      %add3A_401 = arith.constant 2 : i32
      %add3A_402 = arith.addi %add3A_358, %add3A_401 : i32
      %lt3A_403 = arith.constant 48 : i32
      %lt3A_404 = arith.cmpi slt, %add3A_402, %lt3A_403 : i32
      %convert_element_type3A_405 = arith.extui %lt3A_404 : i1 to i32
      %cond3A_406 = arith.constant 0 : i32
      %cond3A_407 = arith.cmpi ne, %convert_element_type3A_405, %cond3A_406 : i32
      scf.if %cond3A_407 {
        %shift_right_logical3A = arith.constant 3 : i32
        %shift_right_logical3A_408 = arith.shrui %add3A_402, %shift_right_logical3A : i32
        %and3A = arith.constant 7 : i32
        %and3A_409 = arith.andi %add3A_402, %and3A : i32
        %mul3A_410 = arith.constant 392 : i32
        %mul3A_411 = arith.muli %shift_right_logical3A_408, %mul3A_410 : i32
        %mul3A_412 = arith.constant 49 : i32
        %mul3A_413 = arith.muli %and3A_409, %mul3A_412 : i32
        %add3A_414 = arith.addi %mul3A_411, %mul3A_413 : i32
        %dma_start3A_415 = arith.constant 1 : i32
        %dma_start3A_416 = arith.constant 1 : i32
        %dma_start3A_417 = arith.constant 0 : i32
        %dma_start3A_418 = arith.constant 0 : i32
        %dma_start3A_419 = tpu.memref_slice %arg6[%dma_start3A_415, %dma_start3A_417, %dma_start3A_418] : memref<2x49x128xi32, #tpu.memory_space<vmem>> -> memref<1x49x128xi32, #tpu.memory_space<vmem>>
        %dma_start3A_420 = tpu.memref_squeeze %dma_start3A_419 : memref<1x49x128xi32, #tpu.memory_space<vmem>> -> memref<49x128xi32, #tpu.memory_space<vmem>>
        %dma_start3A_421 = arith.constant 0 : i32
        %dma_start3A_422 = tpu.memref_slice %arg3[%add3A_414, %dma_start3A_421] : memref<2352x128xi32, #tpu.memory_space<hbm>> -> memref<49x128xi32, #tpu.memory_space<hbm>>
        %dma_start3A_423 = tpu.memref_slice %arg8[%dma_start3A_416] : memref<4x!tpu.dma_semaphore, #tpu.memory_space<semaphore_mem>> -> memref<1x!tpu.dma_semaphore, #tpu.memory_space<semaphore_mem>>
        %dma_start3A_424 = tpu.memref_squeeze %dma_start3A_423 : memref<1x!tpu.dma_semaphore, #tpu.memory_space<semaphore_mem>> -> memref<!tpu.dma_semaphore, #tpu.memory_space<semaphore_mem>>
        %dma_start3A_425 = arith.constant 0 : i32
        %dma_start3A_426 = arith.constant 0 : i32
        %dma_start3A_427 = tpu.memref_slice %arg6[%dma_start3A_415, %dma_start3A_425, %dma_start3A_426] : memref<2x49x128xi32, #tpu.memory_space<vmem>> -> memref<1x49x128xi32, #tpu.memory_space<vmem>>
        %dma_start3A_428 = tpu.memref_squeeze %dma_start3A_427 : memref<1x49x128xi32, #tpu.memory_space<vmem>> -> memref<49x128xi32, #tpu.memory_space<vmem>>
        %dma_start3A_429 = arith.constant 0 : i32
        %dma_start3A_430 = tpu.memref_slice %arg3[%add3A_414, %dma_start3A_429] : memref<2352x128xi32, #tpu.memory_space<hbm>> -> memref<49x128xi32, #tpu.memory_space<hbm>>
        tpu.enqueue_dma source(%dma_start3A_430 : memref<49x128xi32, #tpu.memory_space<hbm>>) target(%dma_start3A_428 : memref<49x128xi32, #tpu.memory_space<vmem>>) target_semaphore(%dma_start3A_424 : memref<!tpu.dma_semaphore, #tpu.memory_space<semaphore_mem>>)
        %mul3A_431 = arith.constant 96 : i32
        %mul3A_432 = arith.muli %shift_right_logical3A_408, %mul3A_431 : i32
        %add3A_433 = arith.addi %mul3A_432, %add3A_30 : i32
        %mul3A_434 = arith.constant 392 : i32
        %mul3A_435 = arith.muli %add3A_433, %mul3A_434 : i32
        %mul3A_436 = arith.constant 49 : i32
        %mul3A_437 = arith.muli %and3A_409, %mul3A_436 : i32
        %add3A_438 = arith.addi %mul3A_435, %mul3A_437 : i32
        %dma_start3A_439 = arith.constant 1 : i32
        %dma_start3A_440 = arith.constant 3 : i32
        %dma_start3A_441 = arith.constant 0 : i32
        %dma_start3A_442 = arith.constant 0 : i32
        %dma_start3A_443 = tpu.memref_slice %arg7[%dma_start3A_439, %dma_start3A_441, %dma_start3A_442] : memref<2x49x128xf32, #tpu.memory_space<vmem>> -> memref<1x49x128xf32, #tpu.memory_space<vmem>>
        %dma_start3A_444 = tpu.memref_squeeze %dma_start3A_443 : memref<1x49x128xf32, #tpu.memory_space<vmem>> -> memref<49x128xf32, #tpu.memory_space<vmem>>
        %dma_start3A_445 = arith.constant 0 : i32
        %dma_start3A_446 = tpu.memref_slice %arg2[%add3A_438, %dma_start3A_445] : memref<225792x128xf32, #tpu.memory_space<hbm>> -> memref<49x128xf32, #tpu.memory_space<hbm>>
        %dma_start3A_447 = tpu.memref_slice %arg8[%dma_start3A_440] : memref<4x!tpu.dma_semaphore, #tpu.memory_space<semaphore_mem>> -> memref<1x!tpu.dma_semaphore, #tpu.memory_space<semaphore_mem>>
        %dma_start3A_448 = tpu.memref_squeeze %dma_start3A_447 : memref<1x!tpu.dma_semaphore, #tpu.memory_space<semaphore_mem>> -> memref<!tpu.dma_semaphore, #tpu.memory_space<semaphore_mem>>
        %dma_start3A_449 = arith.constant 0 : i32
        %dma_start3A_450 = arith.constant 0 : i32
        %dma_start3A_451 = tpu.memref_slice %arg7[%dma_start3A_439, %dma_start3A_449, %dma_start3A_450] : memref<2x49x128xf32, #tpu.memory_space<vmem>> -> memref<1x49x128xf32, #tpu.memory_space<vmem>>
        %dma_start3A_452 = tpu.memref_squeeze %dma_start3A_451 : memref<1x49x128xf32, #tpu.memory_space<vmem>> -> memref<49x128xf32, #tpu.memory_space<vmem>>
        %dma_start3A_453 = arith.constant 0 : i32
        %dma_start3A_454 = tpu.memref_slice %arg2[%add3A_438, %dma_start3A_453] : memref<225792x128xf32, #tpu.memory_space<hbm>> -> memref<49x128xf32, #tpu.memory_space<hbm>>
        tpu.enqueue_dma source(%dma_start3A_454 : memref<49x128xf32, #tpu.memory_space<hbm>>) target(%dma_start3A_452 : memref<49x128xf32, #tpu.memory_space<vmem>>) target_semaphore(%dma_start3A_448 : memref<!tpu.dma_semaphore, #tpu.memory_space<semaphore_mem>>)
      } else {
      }
    }
    %scan3A_117 = arith.constant 24 : i32
    "tpu.region"() ({
      %run_scoped3A_302 = tpu.sem_alloc : memref<!tpu.dma_semaphore, #tpu.memory_space<semaphore_mem>>
      %dma_start3A_303 = arith.constant 0 : i32
      %dma_start3A_304 = arith.constant 0 : i32
      %dma_start3A_305 = tpu.memref_slice %arg4[%dma_start3A_303, %add3A_30, %dma_start3A_304] : memref<782x128x128xf32, #tpu.memory_space<hbm>> -> memref<782x1x128xf32, #tpu.memory_space<hbm>>
      %dma_start3A_306 = arith.constant 0 : i32
      %dma_start3A_307 = arith.constant 0 : i32
      %dma_start3A_308 = tpu.memref_slice %arg4[%dma_start3A_306, %add3A_30, %dma_start3A_307] : memref<782x128x128xf32, #tpu.memory_space<hbm>> -> memref<782x1x128xf32, #tpu.memory_space<hbm>>
      tpu.enqueue_dma source(%arg5 : memref<782x1x128xf32, #tpu.memory_space<vmem>>) target(%dma_start3A_308 : memref<782x1x128xf32, #tpu.memory_space<hbm>>) target_semaphore(%run_scoped3A_302 : memref<!tpu.dma_semaphore, #tpu.memory_space<semaphore_mem>>)
      %dma_wait3A = arith.constant 0 : i32
      %dma_wait3A_309 = arith.constant 0 : i32
      %dma_wait3A_310 = tpu.memref_slice %arg4[%dma_wait3A, %add3A_30, %dma_wait3A_309] : memref<782x128x128xf32, #tpu.memory_space<hbm>> -> memref<782x1x128xf32, #tpu.memory_space<hbm>>
      %dma_wait3A_311 = arith.constant 0 : i32
      %dma_wait3A_312 = arith.constant 0 : i32
      %dma_wait3A_313 = tpu.memref_slice %arg4[%dma_wait3A_311, %add3A_30, %dma_wait3A_312] : memref<782x128x128xf32, #tpu.memory_space<hbm>> -> memref<782x1x128xf32, #tpu.memory_space<hbm>>
      tpu.wait_dma2 semaphore(%run_scoped3A_302 : memref<!tpu.dma_semaphore, #tpu.memory_space<semaphore_mem>>) src(%arg5 : memref<782x1x128xf32, #tpu.memory_space<vmem>>) dst(%dma_wait3A_313 : memref<782x1x128xf32, #tpu.memory_space<hbm>>)
      tpu.yield
    }) : () -> ()
    %mul3A_118 = arith.constant 3 : i32
    %mul3A_119 = arith.muli %add3A, %mul3A_118 : i32
    %add3A_120 = arith.constant 1 : i32
    %add3A_121 = arith.addi %mul3A_119, %add3A_120 : i32
    %scan3A_122 = arith.constant 0 : i32
    %scan3A_123 = arith.constant 0 : i32
    %scan3A_124 = arith.constant 782 : i32
    %scan3A_125 = arith.addi %scan3A_123, %scan3A_124 : i32
    %scan3A_126 = arith.constant 1 : i32
    scf.for %scan3A_302 = %scan3A_123 to %scan3A_125 step %scan3A_126  : i32 {
      %swap3A = arith.constant 0 : i32
      %swap3A_303 = arith.index_cast %scan3A_302 : i32 to index
      %swap3A_304 = arith.index_cast %swap3A : i32 to index
      %swap3A_305 = arith.constant 0 : index
      %swap3A_306 = tpu.vector_load %arg5[%swap3A_303, %swap3A_304, %swap3A_305] {strides = array<i32>} : memref<782x1x128xf32, #tpu.memory_space<vmem>>, vector<16xf32>,
      tpu.vector_store %arg5[%swap3A_303, %swap3A_304, %swap3A_305], %broadcast_in_dim3A_1 {strides = array<i32>} : memref<782x1x128xf32, #tpu.memory_space<vmem>>, vector<16xf32>,
      %swap3A_307 = arith.constant 0 : i32
      %swap3A_308 = arith.index_cast %scan3A_302 : i32 to index
      %swap3A_309 = arith.index_cast %swap3A_307 : i32 to index
      %swap3A_310 = arith.constant 16 : index
      %swap3A_311 = tpu.vector_load %arg5[%swap3A_308, %swap3A_309, %swap3A_310] {strides = array<i32>} : memref<782x1x128xf32, #tpu.memory_space<vmem>>, vector<16xf32>,
      tpu.vector_store %arg5[%swap3A_308, %swap3A_309, %swap3A_310], %broadcast_in_dim3A_1 {strides = array<i32>} : memref<782x1x128xf32, #tpu.memory_space<vmem>>, vector<16xf32>,
      %swap3A_312 = arith.constant 0 : i32
      %swap3A_313 = arith.index_cast %scan3A_302 : i32 to index
      %swap3A_314 = arith.index_cast %swap3A_312 : i32 to index
      %swap3A_315 = arith.constant 32 : index
      %swap3A_316 = tpu.vector_load %arg5[%swap3A_313, %swap3A_314, %swap3A_315] {strides = array<i32>} : memref<782x1x128xf32, #tpu.memory_space<vmem>>, vector<16xf32>,
      tpu.vector_store %arg5[%swap3A_313, %swap3A_314, %swap3A_315], %broadcast_in_dim3A_1 {strides = array<i32>} : memref<782x1x128xf32, #tpu.memory_space<vmem>>, vector<16xf32>,
      %swap3A_317 = arith.constant 0 : i32
      %swap3A_318 = arith.index_cast %scan3A_302 : i32 to index
      %swap3A_319 = arith.index_cast %swap3A_317 : i32 to index
      %swap3A_320 = arith.constant 48 : index
      %swap3A_321 = tpu.vector_load %arg5[%swap3A_318, %swap3A_319, %swap3A_320] {strides = array<i32>} : memref<782x1x128xf32, #tpu.memory_space<vmem>>, vector<16xf32>,
      tpu.vector_store %arg5[%swap3A_318, %swap3A_319, %swap3A_320], %broadcast_in_dim3A_1 {strides = array<i32>} : memref<782x1x128xf32, #tpu.memory_space<vmem>>, vector<16xf32>,
      %swap3A_322 = arith.constant 0 : i32
      %swap3A_323 = arith.index_cast %scan3A_302 : i32 to index
      %swap3A_324 = arith.index_cast %swap3A_322 : i32 to index
      %swap3A_325 = arith.constant 64 : index
      %swap3A_326 = tpu.vector_load %arg5[%swap3A_323, %swap3A_324, %swap3A_325] {strides = array<i32>} : memref<782x1x128xf32, #tpu.memory_space<vmem>>, vector<16xf32>,
      tpu.vector_store %arg5[%swap3A_323, %swap3A_324, %swap3A_325], %broadcast_in_dim3A_1 {strides = array<i32>} : memref<782x1x128xf32, #tpu.memory_space<vmem>>, vector<16xf32>,
      %swap3A_327 = arith.constant 0 : i32
      %swap3A_328 = arith.index_cast %scan3A_302 : i32 to index
      %swap3A_329 = arith.index_cast %swap3A_327 : i32 to index
      %swap3A_330 = arith.constant 80 : index
      %swap3A_331 = tpu.vector_load %arg5[%swap3A_328, %swap3A_329, %swap3A_330] {strides = array<i32>} : memref<782x1x128xf32, #tpu.memory_space<vmem>>, vector<16xf32>,
      tpu.vector_store %arg5[%swap3A_328, %swap3A_329, %swap3A_330], %broadcast_in_dim3A_1 {strides = array<i32>} : memref<782x1x128xf32, #tpu.memory_space<vmem>>, vector<16xf32>,
      %swap3A_332 = arith.constant 0 : i32
      %swap3A_333 = arith.index_cast %scan3A_302 : i32 to index
      %swap3A_334 = arith.index_cast %swap3A_332 : i32 to index
      %swap3A_335 = arith.constant 96 : index
      %swap3A_336 = tpu.vector_load %arg5[%swap3A_333, %swap3A_334, %swap3A_335] {strides = array<i32>} : memref<782x1x128xf32, #tpu.memory_space<vmem>>, vector<16xf32>,
      tpu.vector_store %arg5[%swap3A_333, %swap3A_334, %swap3A_335], %broadcast_in_dim3A_1 {strides = array<i32>} : memref<782x1x128xf32, #tpu.memory_space<vmem>>, vector<16xf32>,
      %swap3A_337 = arith.constant 0 : i32
      %swap3A_338 = arith.index_cast %scan3A_302 : i32 to index
      %swap3A_339 = arith.index_cast %swap3A_337 : i32 to index
      %swap3A_340 = arith.constant 112 : index
      %swap3A_341 = tpu.vector_load %arg5[%swap3A_338, %swap3A_339, %swap3A_340] {strides = array<i32>} : memref<782x1x128xf32, #tpu.memory_space<vmem>>, vector<16xf32>,
      tpu.vector_store %arg5[%swap3A_338, %swap3A_339, %swap3A_340], %broadcast_in_dim3A_1 {strides = array<i32>} : memref<782x1x128xf32, #tpu.memory_space<vmem>>, vector<16xf32>,
    }
    %scan3A_127 = arith.constant 782 : i32
    %dma_start3A_128 = arith.constant 0 : i32
    %dma_start3A_129 = arith.constant 0 : i32
    %dma_start3A_130 = arith.constant 0 : i32
    %dma_start3A_131 = arith.constant 0 : i32
    %dma_start3A_132 = tpu.memref_slice %arg6[%dma_start3A_128, %dma_start3A_130, %dma_start3A_131] : memref<2x49x128xi32, #tpu.memory_space<vmem>> -> memref<1x49x128xi32, #tpu.memory_space<vmem>>
    %dma_start3A_133 = tpu.memref_squeeze %dma_start3A_132 : memref<1x49x128xi32, #tpu.memory_space<vmem>> -> memref<49x128xi32, #tpu.memory_space<vmem>>
    %dma_start3A_134 = arith.constant 0 : i32
    %dma_start3A_135 = arith.constant 0 : i32
    %dma_start3A_136 = tpu.memref_slice %arg3[%dma_start3A_134, %dma_start3A_135] : memref<2352x128xi32, #tpu.memory_space<hbm>> -> memref<49x128xi32, #tpu.memory_space<hbm>>
    %dma_start3A_137 = tpu.memref_slice %arg8[%dma_start3A_129] : memref<4x!tpu.dma_semaphore, #tpu.memory_space<semaphore_mem>> -> memref<1x!tpu.dma_semaphore, #tpu.memory_space<semaphore_mem>>
    %dma_start3A_138 = tpu.memref_squeeze %dma_start3A_137 : memref<1x!tpu.dma_semaphore, #tpu.memory_space<semaphore_mem>> -> memref<!tpu.dma_semaphore, #tpu.memory_space<semaphore_mem>>
    %dma_start3A_139 = arith.constant 0 : i32
    %dma_start3A_140 = arith.constant 0 : i32
    %dma_start3A_141 = tpu.memref_slice %arg6[%dma_start3A_128, %dma_start3A_139, %dma_start3A_140] : memref<2x49x128xi32, #tpu.memory_space<vmem>> -> memref<1x49x128xi32, #tpu.memory_space<vmem>>
    %dma_start3A_142 = tpu.memref_squeeze %dma_start3A_141 : memref<1x49x128xi32, #tpu.memory_space<vmem>> -> memref<49x128xi32, #tpu.memory_space<vmem>>
    %dma_start3A_143 = arith.constant 0 : i32
    %dma_start3A_144 = arith.constant 0 : i32
    %dma_start3A_145 = tpu.memref_slice %arg3[%dma_start3A_143, %dma_start3A_144] : memref<2352x128xi32, #tpu.memory_space<hbm>> -> memref<49x128xi32, #tpu.memory_space<hbm>>
    tpu.enqueue_dma source(%dma_start3A_145 : memref<49x128xi32, #tpu.memory_space<hbm>>) target(%dma_start3A_142 : memref<49x128xi32, #tpu.memory_space<vmem>>) target_semaphore(%dma_start3A_138 : memref<!tpu.dma_semaphore, #tpu.memory_space<semaphore_mem>>)
    %mul3A_146 = arith.constant 392 : i32
    %mul3A_147 = arith.muli %add3A_121, %mul3A_146 : i32
    %add3A_148 = arith.constant 0 : i32
    %add3A_149 = arith.addi %mul3A_147, %add3A_148 : i32
    %dma_start3A_150 = arith.constant 0 : i32
    %dma_start3A_151 = arith.constant 2 : i32
    %dma_start3A_152 = arith.constant 0 : i32
    %dma_start3A_153 = arith.constant 0 : i32
    %dma_start3A_154 = tpu.memref_slice %arg7[%dma_start3A_150, %dma_start3A_152, %dma_start3A_153] : memref<2x49x128xf32, #tpu.memory_space<vmem>> -> memref<1x49x128xf32, #tpu.memory_space<vmem>>
    %dma_start3A_155 = tpu.memref_squeeze %dma_start3A_154 : memref<1x49x128xf32, #tpu.memory_space<vmem>> -> memref<49x128xf32, #tpu.memory_space<vmem>>
    %dma_start3A_156 = arith.constant 0 : i32
    %dma_start3A_157 = tpu.memref_slice %arg2[%add3A_149, %dma_start3A_156] : memref<225792x128xf32, #tpu.memory_space<hbm>> -> memref<49x128xf32, #tpu.memory_space<hbm>>
    %dma_start3A_158 = tpu.memref_slice %arg8[%dma_start3A_151] : memref<4x!tpu.dma_semaphore, #tpu.memory_space<semaphore_mem>> -> memref<1x!tpu.dma_semaphore, #tpu.memory_space<semaphore_mem>>
    %dma_start3A_159 = tpu.memref_squeeze %dma_start3A_158 : memref<1x!tpu.dma_semaphore, #tpu.memory_space<semaphore_mem>> -> memref<!tpu.dma_semaphore, #tpu.memory_space<semaphore_mem>>
    %dma_start3A_160 = arith.constant 0 : i32
    %dma_start3A_161 = arith.constant 0 : i32
    %dma_start3A_162 = tpu.memref_slice %arg7[%dma_start3A_150, %dma_start3A_160, %dma_start3A_161] : memref<2x49x128xf32, #tpu.memory_space<vmem>> -> memref<1x49x128xf32, #tpu.memory_space<vmem>>
    %dma_start3A_163 = tpu.memref_squeeze %dma_start3A_162 : memref<1x49x128xf32, #tpu.memory_space<vmem>> -> memref<49x128xf32, #tpu.memory_space<vmem>>
    %dma_start3A_164 = arith.constant 0 : i32
    %dma_start3A_165 = tpu.memref_slice %arg2[%add3A_149, %dma_start3A_164] : memref<225792x128xf32, #tpu.memory_space<hbm>> -> memref<49x128xf32, #tpu.memory_space<hbm>>
    tpu.enqueue_dma source(%dma_start3A_165 : memref<49x128xf32, #tpu.memory_space<hbm>>) target(%dma_start3A_163 : memref<49x128xf32, #tpu.memory_space<vmem>>) target_semaphore(%dma_start3A_159 : memref<!tpu.dma_semaphore, #tpu.memory_space<semaphore_mem>>)
    %dma_start3A_166 = arith.constant 1 : i32
    %dma_start3A_167 = arith.constant 1 : i32
    %dma_start3A_168 = arith.constant 0 : i32
    %dma_start3A_169 = arith.constant 0 : i32
    %dma_start3A_170 = tpu.memref_slice %arg6[%dma_start3A_166, %dma_start3A_168, %dma_start3A_169] : memref<2x49x128xi32, #tpu.memory_space<vmem>> -> memref<1x49x128xi32, #tpu.memory_space<vmem>>
    %dma_start3A_171 = tpu.memref_squeeze %dma_start3A_170 : memref<1x49x128xi32, #tpu.memory_space<vmem>> -> memref<49x128xi32, #tpu.memory_space<vmem>>
    %dma_start3A_172 = arith.constant 49 : i32
    %dma_start3A_173 = arith.constant 0 : i32
    %dma_start3A_174 = tpu.memref_slice %arg3[%dma_start3A_172, %dma_start3A_173] : memref<2352x128xi32, #tpu.memory_space<hbm>> -> memref<49x128xi32, #tpu.memory_space<hbm>>
    %dma_start3A_175 = tpu.memref_slice %arg8[%dma_start3A_167] : memref<4x!tpu.dma_semaphore, #tpu.memory_space<semaphore_mem>> -> memref<1x!tpu.dma_semaphore, #tpu.memory_space<semaphore_mem>>
    %dma_start3A_176 = tpu.memref_squeeze %dma_start3A_175 : memref<1x!tpu.dma_semaphore, #tpu.memory_space<semaphore_mem>> -> memref<!tpu.dma_semaphore, #tpu.memory_space<semaphore_mem>>
    %dma_start3A_177 = arith.constant 0 : i32
    %dma_start3A_178 = arith.constant 0 : i32
    %dma_start3A_179 = tpu.memref_slice %arg6[%dma_start3A_166, %dma_start3A_177, %dma_start3A_178] : memref<2x49x128xi32, #tpu.memory_space<vmem>> -> memref<1x49x128xi32, #tpu.memory_space<vmem>>
    %dma_start3A_180 = tpu.memref_squeeze %dma_start3A_179 : memref<1x49x128xi32, #tpu.memory_space<vmem>> -> memref<49x128xi32, #tpu.memory_space<vmem>>
    %dma_start3A_181 = arith.constant 49 : i32
    %dma_start3A_182 = arith.constant 0 : i32
    %dma_start3A_183 = tpu.memref_slice %arg3[%dma_start3A_181, %dma_start3A_182] : memref<2352x128xi32, #tpu.memory_space<hbm>> -> memref<49x128xi32, #tpu.memory_space<hbm>>
    tpu.enqueue_dma source(%dma_start3A_183 : memref<49x128xi32, #tpu.memory_space<hbm>>) target(%dma_start3A_180 : memref<49x128xi32, #tpu.memory_space<vmem>>) target_semaphore(%dma_start3A_176 : memref<!tpu.dma_semaphore, #tpu.memory_space<semaphore_mem>>)
    %mul3A_184 = arith.constant 392 : i32
    %mul3A_185 = arith.muli %add3A_121, %mul3A_184 : i32
    %add3A_186 = arith.constant 49 : i32
    %add3A_187 = arith.addi %mul3A_185, %add3A_186 : i32
    %dma_start3A_188 = arith.constant 1 : i32
    %dma_start3A_189 = arith.constant 3 : i32
    %dma_start3A_190 = arith.constant 0 : i32
    %dma_start3A_191 = arith.constant 0 : i32
    %dma_start3A_192 = tpu.memref_slice %arg7[%dma_start3A_188, %dma_start3A_190, %dma_start3A_191] : memref<2x49x128xf32, #tpu.memory_space<vmem>> -> memref<1x49x128xf32, #tpu.memory_space<vmem>>
    %dma_start3A_193 = tpu.memref_squeeze %dma_start3A_192 : memref<1x49x128xf32, #tpu.memory_space<vmem>> -> memref<49x128xf32, #tpu.memory_space<vmem>>
    %dma_start3A_194 = arith.constant 0 : i32
    %dma_start3A_195 = tpu.memref_slice %arg2[%add3A_187, %dma_start3A_194] : memref<225792x128xf32, #tpu.memory_space<hbm>> -> memref<49x128xf32, #tpu.memory_space<hbm>>
    %dma_start3A_196 = tpu.memref_slice %arg8[%dma_start3A_189] : memref<4x!tpu.dma_semaphore, #tpu.memory_space<semaphore_mem>> -> memref<1x!tpu.dma_semaphore, #tpu.memory_space<semaphore_mem>>
    %dma_start3A_197 = tpu.memref_squeeze %dma_start3A_196 : memref<1x!tpu.dma_semaphore, #tpu.memory_space<semaphore_mem>> -> memref<!tpu.dma_semaphore, #tpu.memory_space<semaphore_mem>>
    %dma_start3A_198 = arith.constant 0 : i32
    %dma_start3A_199 = arith.constant 0 : i32
    %dma_start3A_200 = tpu.memref_slice %arg7[%dma_start3A_188, %dma_start3A_198, %dma_start3A_199] : memref<2x49x128xf32, #tpu.memory_space<vmem>> -> memref<1x49x128xf32, #tpu.memory_space<vmem>>
    %dma_start3A_201 = tpu.memref_squeeze %dma_start3A_200 : memref<1x49x128xf32, #tpu.memory_space<vmem>> -> memref<49x128xf32, #tpu.memory_space<vmem>>
    %dma_start3A_202 = arith.constant 0 : i32
    %dma_start3A_203 = tpu.memref_slice %arg2[%add3A_187, %dma_start3A_202] : memref<225792x128xf32, #tpu.memory_space<hbm>> -> memref<49x128xf32, #tpu.memory_space<hbm>>
    tpu.enqueue_dma source(%dma_start3A_203 : memref<49x128xf32, #tpu.memory_space<hbm>>) target(%dma_start3A_201 : memref<49x128xf32, #tpu.memory_space<vmem>>) target_semaphore(%dma_start3A_197 : memref<!tpu.dma_semaphore, #tpu.memory_space<semaphore_mem>>)
    %scan3A_204 = arith.constant 0 : i32
    %scan3A_205 = arith.constant 0 : i32
    %scan3A_206 = arith.constant 24 : i32
    %scan3A_207 = arith.addi %scan3A_205, %scan3A_206 : i32
    %scan3A_208 = arith.constant 1 : i32
    scf.for %scan3A_302 = %scan3A_205 to %scan3A_207 step %scan3A_208  : i32 {
      %mul3A_303 = arith.constant 2 : i32
      %mul3A_304 = arith.muli %mul3A_303, %scan3A_302 : i32
      %add3A_305 = arith.constant 0 : i32
      %add3A_306 = arith.addi %mul3A_304, %add3A_305 : i32
      %dma_wait3A = arith.constant 0 : i32
      %dma_wait3A_307 = arith.constant 0 : i32
      %dma_wait3A_308 = arith.constant 0 : i32
      %dma_wait3A_309 = arith.constant 0 : i32
      %dma_wait3A_310 = tpu.memref_slice %arg6[%dma_wait3A, %dma_wait3A_308, %dma_wait3A_309] : memref<2x49x128xi32, #tpu.memory_space<vmem>> -> memref<1x49x128xi32, #tpu.memory_space<vmem>>
      %dma_wait3A_311 = tpu.memref_squeeze %dma_wait3A_310 : memref<1x49x128xi32, #tpu.memory_space<vmem>> -> memref<49x128xi32, #tpu.memory_space<vmem>>
      %dma_wait3A_312 = arith.constant 0 : i32
      %dma_wait3A_313 = arith.constant 0 : i32
      %dma_wait3A_314 = tpu.memref_slice %arg3[%dma_wait3A_312, %dma_wait3A_313] : memref<2352x128xi32, #tpu.memory_space<hbm>> -> memref<49x128xi32, #tpu.memory_space<hbm>>
      %dma_wait3A_315 = tpu.memref_slice %arg8[%dma_wait3A_307] : memref<4x!tpu.dma_semaphore, #tpu.memory_space<semaphore_mem>> -> memref<1x!tpu.dma_semaphore, #tpu.memory_space<semaphore_mem>>
      %dma_wait3A_316 = tpu.memref_squeeze %dma_wait3A_315 : memref<1x!tpu.dma_semaphore, #tpu.memory_space<semaphore_mem>> -> memref<!tpu.dma_semaphore, #tpu.memory_space<semaphore_mem>>
      %dma_wait3A_317 = arith.constant 0 : i32
      %dma_wait3A_318 = arith.constant 0 : i32
      %dma_wait3A_319 = tpu.memref_slice %arg6[%dma_wait3A, %dma_wait3A_317, %dma_wait3A_318] : memref<2x49x128xi32, #tpu.memory_space<vmem>> -> memref<1x49x128xi32, #tpu.memory_space<vmem>>
      %dma_wait3A_320 = tpu.memref_squeeze %dma_wait3A_319 : memref<1x49x128xi32, #tpu.memory_space<vmem>> -> memref<49x128xi32, #tpu.memory_space<vmem>>
      %dma_wait3A_321 = arith.constant 0 : i32
      %dma_wait3A_322 = arith.constant 0 : i32
      %dma_wait3A_323 = tpu.memref_slice %arg3[%dma_wait3A_321, %dma_wait3A_322] : memref<2352x128xi32, #tpu.memory_space<hbm>> -> memref<49x128xi32, #tpu.memory_space<hbm>>
      tpu.wait_dma2 semaphore(%dma_wait3A_316 : memref<!tpu.dma_semaphore, #tpu.memory_space<semaphore_mem>>) src(%dma_wait3A_323 : memref<49x128xi32, #tpu.memory_space<hbm>>) dst(%dma_wait3A_320 : memref<49x128xi32, #tpu.memory_space<vmem>>)
      %dma_wait3A_324 = arith.constant 0 : i32
      %dma_wait3A_325 = arith.constant 2 : i32
      %dma_wait3A_326 = arith.constant 0 : i32
      %dma_wait3A_327 = arith.constant 0 : i32
      %dma_wait3A_328 = tpu.memref_slice %arg7[%dma_wait3A_324, %dma_wait3A_326, %dma_wait3A_327] : memref<2x49x128xf32, #tpu.memory_space<vmem>> -> memref<1x49x128xf32, #tpu.memory_space<vmem>>
      %dma_wait3A_329 = tpu.memref_squeeze %dma_wait3A_328 : memref<1x49x128xf32, #tpu.memory_space<vmem>> -> memref<49x128xf32, #tpu.memory_space<vmem>>
      %dma_wait3A_330 = arith.constant 0 : i32
      %dma_wait3A_331 = arith.constant 0 : i32
      %dma_wait3A_332 = tpu.memref_slice %arg2[%dma_wait3A_330, %dma_wait3A_331] : memref<225792x128xf32, #tpu.memory_space<hbm>> -> memref<49x128xf32, #tpu.memory_space<hbm>>
      %dma_wait3A_333 = tpu.memref_slice %arg8[%dma_wait3A_325] : memref<4x!tpu.dma_semaphore, #tpu.memory_space<semaphore_mem>> -> memref<1x!tpu.dma_semaphore, #tpu.memory_space<semaphore_mem>>
      %dma_wait3A_334 = tpu.memref_squeeze %dma_wait3A_333 : memref<1x!tpu.dma_semaphore, #tpu.memory_space<semaphore_mem>> -> memref<!tpu.dma_semaphore, #tpu.memory_space<semaphore_mem>>
      %dma_wait3A_335 = arith.constant 0 : i32
      %dma_wait3A_336 = arith.constant 0 : i32
      %dma_wait3A_337 = tpu.memref_slice %arg7[%dma_wait3A_324, %dma_wait3A_335, %dma_wait3A_336] : memref<2x49x128xf32, #tpu.memory_space<vmem>> -> memref<1x49x128xf32, #tpu.memory_space<vmem>>
      %dma_wait3A_338 = tpu.memref_squeeze %dma_wait3A_337 : memref<1x49x128xf32, #tpu.memory_space<vmem>> -> memref<49x128xf32, #tpu.memory_space<vmem>>
      %dma_wait3A_339 = arith.constant 0 : i32
      %dma_wait3A_340 = arith.constant 0 : i32
      %dma_wait3A_341 = tpu.memref_slice %arg2[%dma_wait3A_339, %dma_wait3A_340] : memref<225792x128xf32, #tpu.memory_space<hbm>> -> memref<49x128xf32, #tpu.memory_space<hbm>>
      tpu.wait_dma2 semaphore(%dma_wait3A_334 : memref<!tpu.dma_semaphore, #tpu.memory_space<semaphore_mem>>) src(%dma_wait3A_341 : memref<49x128xf32, #tpu.memory_space<hbm>>) dst(%dma_wait3A_338 : memref<49x128xf32, #tpu.memory_space<vmem>>)
      %scan3A_342 = arith.constant 0 : i32
      %scan3A_343 = arith.constant 0 : i32
      %scan3A_344 = arith.constant 49 : i32
      %scan3A_345 = arith.addi %scan3A_343, %scan3A_344 : i32
      %scan3A_346 = arith.constant 1 : i32
      scf.for %scan3A_408 = %scan3A_343 to %scan3A_345 step %scan3A_346  : i32 {
        %get3A = arith.constant 0 : i32
        %get3A_409 = arith.index_cast %get3A : i32 to index
        %get3A_410 = arith.index_cast %scan3A_408 : i32 to index
        %get3A_411 = arith.constant 0 : index
        %get3A_412 = tpu.vector_load %arg6[%get3A_409, %get3A_410, %get3A_411] {strides = array<i32>} : memref<2x49x128xi32, #tpu.memory_space<vmem>>, vector<16xi32>,
        %shift_right_logical3A = arith.constant 7 : i32
        %shift_right_logical3A_413 = vector.broadcast %shift_right_logical3A : i32 to vector<16xi32>
        %shift_right_logical3A_414 = arith.shrui %get3A_412, %shift_right_logical3A_413 : vector<16xi32>
        %and3A = arith.constant 127 : i32
        %and3A_415 = vector.broadcast %and3A : i32 to vector<16xi32>
        %and3A_416 = arith.andi %get3A_412, %and3A_415 : vector<16xi32>
        %get3A_417 = arith.constant 0 : i32
        %get3A_418 = arith.index_cast %get3A_417 : i32 to index
        %get3A_419 = arith.index_cast %scan3A_408 : i32 to index
        %get3A_420 = arith.constant 0 : index
        %get3A_421 = tpu.vector_load %arg7[%get3A_418, %get3A_419, %get3A_420] {strides = array<i32>} : memref<2x49x128xf32, #tpu.memory_space<vmem>>, vector<16xf32>,
        tpu.vector_store_idx %arg5[%shift_right_logical3A_414, %broadcast_in_dim3A_5, %and3A_416], %get3A_421 {add = true} : memref<782x1x128xf32, #tpu.memory_space<vmem>>[vector<16xi32>, vector<16xi32>, vector<16xi32>], vector<16xf32>,
        %get3A_422 = arith.constant 0 : i32
        %get3A_423 = arith.index_cast %get3A_422 : i32 to index
        %get3A_424 = arith.index_cast %scan3A_408 : i32 to index
        %get3A_425 = arith.constant 16 : index
        %get3A_426 = tpu.vector_load %arg6[%get3A_423, %get3A_424, %get3A_425] {strides = array<i32>} : memref<2x49x128xi32, #tpu.memory_space<vmem>>, vector<16xi32>,
        %shift_right_logical3A_427 = arith.constant 7 : i32
        %shift_right_logical3A_428 = vector.broadcast %shift_right_logical3A_427 : i32 to vector<16xi32>
        %shift_right_logical3A_429 = arith.shrui %get3A_426, %shift_right_logical3A_428 : vector<16xi32>
        %and3A_430 = arith.constant 127 : i32
        %and3A_431 = vector.broadcast %and3A_430 : i32 to vector<16xi32>
        %and3A_432 = arith.andi %get3A_426, %and3A_431 : vector<16xi32>
        %get3A_433 = arith.constant 0 : i32
        %get3A_434 = arith.index_cast %get3A_433 : i32 to index
        %get3A_435 = arith.index_cast %scan3A_408 : i32 to index
        %get3A_436 = arith.constant 16 : index
        %get3A_437 = tpu.vector_load %arg7[%get3A_434, %get3A_435, %get3A_436] {strides = array<i32>} : memref<2x49x128xf32, #tpu.memory_space<vmem>>, vector<16xf32>,
        tpu.vector_store_idx %arg5[%shift_right_logical3A_429, %broadcast_in_dim3A_5, %and3A_432], %get3A_437 {add = true} : memref<782x1x128xf32, #tpu.memory_space<vmem>>[vector<16xi32>, vector<16xi32>, vector<16xi32>], vector<16xf32>,
        %get3A_438 = arith.constant 0 : i32
        %get3A_439 = arith.index_cast %get3A_438 : i32 to index
        %get3A_440 = arith.index_cast %scan3A_408 : i32 to index
        %get3A_441 = arith.constant 32 : index
        %get3A_442 = tpu.vector_load %arg6[%get3A_439, %get3A_440, %get3A_441] {strides = array<i32>} : memref<2x49x128xi32, #tpu.memory_space<vmem>>, vector<16xi32>,
        %shift_right_logical3A_443 = arith.constant 7 : i32
        %shift_right_logical3A_444 = vector.broadcast %shift_right_logical3A_443 : i32 to vector<16xi32>
        %shift_right_logical3A_445 = arith.shrui %get3A_442, %shift_right_logical3A_444 : vector<16xi32>
        %and3A_446 = arith.constant 127 : i32
        %and3A_447 = vector.broadcast %and3A_446 : i32 to vector<16xi32>
        %and3A_448 = arith.andi %get3A_442, %and3A_447 : vector<16xi32>
        %get3A_449 = arith.constant 0 : i32
        %get3A_450 = arith.index_cast %get3A_449 : i32 to index
        %get3A_451 = arith.index_cast %scan3A_408 : i32 to index
        %get3A_452 = arith.constant 32 : index
        %get3A_453 = tpu.vector_load %arg7[%get3A_450, %get3A_451, %get3A_452] {strides = array<i32>} : memref<2x49x128xf32, #tpu.memory_space<vmem>>, vector<16xf32>,
        tpu.vector_store_idx %arg5[%shift_right_logical3A_445, %broadcast_in_dim3A_5, %and3A_448], %get3A_453 {add = true} : memref<782x1x128xf32, #tpu.memory_space<vmem>>[vector<16xi32>, vector<16xi32>, vector<16xi32>], vector<16xf32>,
        %get3A_454 = arith.constant 0 : i32
        %get3A_455 = arith.index_cast %get3A_454 : i32 to index
        %get3A_456 = arith.index_cast %scan3A_408 : i32 to index
        %get3A_457 = arith.constant 48 : index
        %get3A_458 = tpu.vector_load %arg6[%get3A_455, %get3A_456, %get3A_457] {strides = array<i32>} : memref<2x49x128xi32, #tpu.memory_space<vmem>>, vector<16xi32>,
        %shift_right_logical3A_459 = arith.constant 7 : i32
        %shift_right_logical3A_460 = vector.broadcast %shift_right_logical3A_459 : i32 to vector<16xi32>
        %shift_right_logical3A_461 = arith.shrui %get3A_458, %shift_right_logical3A_460 : vector<16xi32>
        %and3A_462 = arith.constant 127 : i32
        %and3A_463 = vector.broadcast %and3A_462 : i32 to vector<16xi32>
        %and3A_464 = arith.andi %get3A_458, %and3A_463 : vector<16xi32>
        %get3A_465 = arith.constant 0 : i32
        %get3A_466 = arith.index_cast %get3A_465 : i32 to index
        %get3A_467 = arith.index_cast %scan3A_408 : i32 to index
        %get3A_468 = arith.constant 48 : index
        %get3A_469 = tpu.vector_load %arg7[%get3A_466, %get3A_467, %get3A_468] {strides = array<i32>} : memref<2x49x128xf32, #tpu.memory_space<vmem>>, vector<16xf32>,
        tpu.vector_store_idx %arg5[%shift_right_logical3A_461, %broadcast_in_dim3A_5, %and3A_464], %get3A_469 {add = true} : memref<782x1x128xf32, #tpu.memory_space<vmem>>[vector<16xi32>, vector<16xi32>, vector<16xi32>], vector<16xf32>,
        %get3A_470 = arith.constant 0 : i32
        %get3A_471 = arith.index_cast %get3A_470 : i32 to index
        %get3A_472 = arith.index_cast %scan3A_408 : i32 to index
        %get3A_473 = arith.constant 64 : index
        %get3A_474 = tpu.vector_load %arg6[%get3A_471, %get3A_472, %get3A_473] {strides = array<i32>} : memref<2x49x128xi32, #tpu.memory_space<vmem>>, vector<16xi32>,
        %shift_right_logical3A_475 = arith.constant 7 : i32
        %shift_right_logical3A_476 = vector.broadcast %shift_right_logical3A_475 : i32 to vector<16xi32>
        %shift_right_logical3A_477 = arith.shrui %get3A_474, %shift_right_logical3A_476 : vector<16xi32>
        %and3A_478 = arith.constant 127 : i32
        %and3A_479 = vector.broadcast %and3A_478 : i32 to vector<16xi32>
        %and3A_480 = arith.andi %get3A_474, %and3A_479 : vector<16xi32>
        %get3A_481 = arith.constant 0 : i32
        %get3A_482 = arith.index_cast %get3A_481 : i32 to index
        %get3A_483 = arith.index_cast %scan3A_408 : i32 to index
        %get3A_484 = arith.constant 64 : index
        %get3A_485 = tpu.vector_load %arg7[%get3A_482, %get3A_483, %get3A_484] {strides = array<i32>} : memref<2x49x128xf32, #tpu.memory_space<vmem>>, vector<16xf32>,
        tpu.vector_store_idx %arg5[%shift_right_logical3A_477, %broadcast_in_dim3A_5, %and3A_480], %get3A_485 {add = true} : memref<782x1x128xf32, #tpu.memory_space<vmem>>[vector<16xi32>, vector<16xi32>, vector<16xi32>], vector<16xf32>,
        %get3A_486 = arith.constant 0 : i32
        %get3A_487 = arith.index_cast %get3A_486 : i32 to index
        %get3A_488 = arith.index_cast %scan3A_408 : i32 to index
        %get3A_489 = arith.constant 80 : index
        %get3A_490 = tpu.vector_load %arg6[%get3A_487, %get3A_488, %get3A_489] {strides = array<i32>} : memref<2x49x128xi32, #tpu.memory_space<vmem>>, vector<16xi32>,
        %shift_right_logical3A_491 = arith.constant 7 : i32
        %shift_right_logical3A_492 = vector.broadcast %shift_right_logical3A_491 : i32 to vector<16xi32>
        %shift_right_logical3A_493 = arith.shrui %get3A_490, %shift_right_logical3A_492 : vector<16xi32>
        %and3A_494 = arith.constant 127 : i32
        %and3A_495 = vector.broadcast %and3A_494 : i32 to vector<16xi32>
        %and3A_496 = arith.andi %get3A_490, %and3A_495 : vector<16xi32>
        %get3A_497 = arith.constant 0 : i32
        %get3A_498 = arith.index_cast %get3A_497 : i32 to index
        %get3A_499 = arith.index_cast %scan3A_408 : i32 to index
        %get3A_500 = arith.constant 80 : index
        %get3A_501 = tpu.vector_load %arg7[%get3A_498, %get3A_499, %get3A_500] {strides = array<i32>} : memref<2x49x128xf32, #tpu.memory_space<vmem>>, vector<16xf32>,
        tpu.vector_store_idx %arg5[%shift_right_logical3A_493, %broadcast_in_dim3A_5, %and3A_496], %get3A_501 {add = true} : memref<782x1x128xf32, #tpu.memory_space<vmem>>[vector<16xi32>, vector<16xi32>, vector<16xi32>], vector<16xf32>,
        %get3A_502 = arith.constant 0 : i32
        %get3A_503 = arith.index_cast %get3A_502 : i32 to index
        %get3A_504 = arith.index_cast %scan3A_408 : i32 to index
        %get3A_505 = arith.constant 96 : index
        %get3A_506 = tpu.vector_load %arg6[%get3A_503, %get3A_504, %get3A_505] {strides = array<i32>} : memref<2x49x128xi32, #tpu.memory_space<vmem>>, vector<16xi32>,
        %shift_right_logical3A_507 = arith.constant 7 : i32
        %shift_right_logical3A_508 = vector.broadcast %shift_right_logical3A_507 : i32 to vector<16xi32>
        %shift_right_logical3A_509 = arith.shrui %get3A_506, %shift_right_logical3A_508 : vector<16xi32>
        %and3A_510 = arith.constant 127 : i32
        %and3A_511 = vector.broadcast %and3A_510 : i32 to vector<16xi32>
        %and3A_512 = arith.andi %get3A_506, %and3A_511 : vector<16xi32>
        %get3A_513 = arith.constant 0 : i32
        %get3A_514 = arith.index_cast %get3A_513 : i32 to index
        %get3A_515 = arith.index_cast %scan3A_408 : i32 to index
        %get3A_516 = arith.constant 96 : index
        %get3A_517 = tpu.vector_load %arg7[%get3A_514, %get3A_515, %get3A_516] {strides = array<i32>} : memref<2x49x128xf32, #tpu.memory_space<vmem>>, vector<16xf32>,
        tpu.vector_store_idx %arg5[%shift_right_logical3A_509, %broadcast_in_dim3A_5, %and3A_512], %get3A_517 {add = true} : memref<782x1x128xf32, #tpu.memory_space<vmem>>[vector<16xi32>, vector<16xi32>, vector<16xi32>], vector<16xf32>,
        %get3A_518 = arith.constant 0 : i32
        %get3A_519 = arith.index_cast %get3A_518 : i32 to index
        %get3A_520 = arith.index_cast %scan3A_408 : i32 to index
        %get3A_521 = arith.constant 112 : index
        %get3A_522 = tpu.vector_load %arg6[%get3A_519, %get3A_520, %get3A_521] {strides = array<i32>} : memref<2x49x128xi32, #tpu.memory_space<vmem>>, vector<16xi32>,
        %shift_right_logical3A_523 = arith.constant 7 : i32
        %shift_right_logical3A_524 = vector.broadcast %shift_right_logical3A_523 : i32 to vector<16xi32>
        %shift_right_logical3A_525 = arith.shrui %get3A_522, %shift_right_logical3A_524 : vector<16xi32>
        %and3A_526 = arith.constant 127 : i32
        %and3A_527 = vector.broadcast %and3A_526 : i32 to vector<16xi32>
        %and3A_528 = arith.andi %get3A_522, %and3A_527 : vector<16xi32>
        %get3A_529 = arith.constant 0 : i32
        %get3A_530 = arith.index_cast %get3A_529 : i32 to index
        %get3A_531 = arith.index_cast %scan3A_408 : i32 to index
        %get3A_532 = arith.constant 112 : index
        %get3A_533 = tpu.vector_load %arg7[%get3A_530, %get3A_531, %get3A_532] {strides = array<i32>} : memref<2x49x128xf32, #tpu.memory_space<vmem>>, vector<16xf32>,
        tpu.vector_store_idx %arg5[%shift_right_logical3A_525, %broadcast_in_dim3A_5, %and3A_528], %get3A_533 {add = true} : memref<782x1x128xf32, #tpu.memory_space<vmem>>[vector<16xi32>, vector<16xi32>, vector<16xi32>], vector<16xf32>,
      }
      %scan3A_347 = arith.constant 49 : i32
      %add3A_348 = arith.constant 2 : i32
      %add3A_349 = arith.addi %add3A_306, %add3A_348 : i32
      %lt3A_350 = arith.constant 48 : i32
      %lt3A_351 = arith.cmpi slt, %add3A_349, %lt3A_350 : i32
      %convert_element_type3A_352 = arith.extui %lt3A_351 : i1 to i32
      %cond3A_353 = arith.constant 0 : i32
      %cond3A_354 = arith.cmpi ne, %convert_element_type3A_352, %cond3A_353 : i32
      scf.if %cond3A_354 {
        %shift_right_logical3A = arith.constant 3 : i32
        %shift_right_logical3A_408 = arith.shrui %add3A_349, %shift_right_logical3A : i32
        %and3A = arith.constant 7 : i32
        %and3A_409 = arith.andi %add3A_349, %and3A : i32
        %mul3A_410 = arith.constant 392 : i32
        %mul3A_411 = arith.muli %shift_right_logical3A_408, %mul3A_410 : i32
        %mul3A_412 = arith.constant 49 : i32
        %mul3A_413 = arith.muli %and3A_409, %mul3A_412 : i32
        %add3A_414 = arith.addi %mul3A_411, %mul3A_413 : i32
        %dma_start3A_415 = arith.constant 0 : i32
        %dma_start3A_416 = arith.constant 0 : i32
        %dma_start3A_417 = arith.constant 0 : i32
        %dma_start3A_418 = arith.constant 0 : i32
        %dma_start3A_419 = tpu.memref_slice %arg6[%dma_start3A_415, %dma_start3A_417, %dma_start3A_418] : memref<2x49x128xi32, #tpu.memory_space<vmem>> -> memref<1x49x128xi32, #tpu.memory_space<vmem>>
        %dma_start3A_420 = tpu.memref_squeeze %dma_start3A_419 : memref<1x49x128xi32, #tpu.memory_space<vmem>> -> memref<49x128xi32, #tpu.memory_space<vmem>>
        %dma_start3A_421 = arith.constant 0 : i32
        %dma_start3A_422 = tpu.memref_slice %arg3[%add3A_414, %dma_start3A_421] : memref<2352x128xi32, #tpu.memory_space<hbm>> -> memref<49x128xi32, #tpu.memory_space<hbm>>
        %dma_start3A_423 = tpu.memref_slice %arg8[%dma_start3A_416] : memref<4x!tpu.dma_semaphore, #tpu.memory_space<semaphore_mem>> -> memref<1x!tpu.dma_semaphore, #tpu.memory_space<semaphore_mem>>
        %dma_start3A_424 = tpu.memref_squeeze %dma_start3A_423 : memref<1x!tpu.dma_semaphore, #tpu.memory_space<semaphore_mem>> -> memref<!tpu.dma_semaphore, #tpu.memory_space<semaphore_mem>>
        %dma_start3A_425 = arith.constant 0 : i32
        %dma_start3A_426 = arith.constant 0 : i32
        %dma_start3A_427 = tpu.memref_slice %arg6[%dma_start3A_415, %dma_start3A_425, %dma_start3A_426] : memref<2x49x128xi32, #tpu.memory_space<vmem>> -> memref<1x49x128xi32, #tpu.memory_space<vmem>>
        %dma_start3A_428 = tpu.memref_squeeze %dma_start3A_427 : memref<1x49x128xi32, #tpu.memory_space<vmem>> -> memref<49x128xi32, #tpu.memory_space<vmem>>
        %dma_start3A_429 = arith.constant 0 : i32
        %dma_start3A_430 = tpu.memref_slice %arg3[%add3A_414, %dma_start3A_429] : memref<2352x128xi32, #tpu.memory_space<hbm>> -> memref<49x128xi32, #tpu.memory_space<hbm>>
        tpu.enqueue_dma source(%dma_start3A_430 : memref<49x128xi32, #tpu.memory_space<hbm>>) target(%dma_start3A_428 : memref<49x128xi32, #tpu.memory_space<vmem>>) target_semaphore(%dma_start3A_424 : memref<!tpu.dma_semaphore, #tpu.memory_space<semaphore_mem>>)
        %mul3A_431 = arith.constant 96 : i32
        %mul3A_432 = arith.muli %shift_right_logical3A_408, %mul3A_431 : i32
        %add3A_433 = arith.addi %mul3A_432, %add3A_121 : i32
        %mul3A_434 = arith.constant 392 : i32
        %mul3A_435 = arith.muli %add3A_433, %mul3A_434 : i32
        %mul3A_436 = arith.constant 49 : i32
        %mul3A_437 = arith.muli %and3A_409, %mul3A_436 : i32
        %add3A_438 = arith.addi %mul3A_435, %mul3A_437 : i32
        %dma_start3A_439 = arith.constant 0 : i32
        %dma_start3A_440 = arith.constant 2 : i32
        %dma_start3A_441 = arith.constant 0 : i32
        %dma_start3A_442 = arith.constant 0 : i32
        %dma_start3A_443 = tpu.memref_slice %arg7[%dma_start3A_439, %dma_start3A_441, %dma_start3A_442] : memref<2x49x128xf32, #tpu.memory_space<vmem>> -> memref<1x49x128xf32, #tpu.memory_space<vmem>>
        %dma_start3A_444 = tpu.memref_squeeze %dma_start3A_443 : memref<1x49x128xf32, #tpu.memory_space<vmem>> -> memref<49x128xf32, #tpu.memory_space<vmem>>
        %dma_start3A_445 = arith.constant 0 : i32
        %dma_start3A_446 = tpu.memref_slice %arg2[%add3A_438, %dma_start3A_445] : memref<225792x128xf32, #tpu.memory_space<hbm>> -> memref<49x128xf32, #tpu.memory_space<hbm>>
        %dma_start3A_447 = tpu.memref_slice %arg8[%dma_start3A_440] : memref<4x!tpu.dma_semaphore, #tpu.memory_space<semaphore_mem>> -> memref<1x!tpu.dma_semaphore, #tpu.memory_space<semaphore_mem>>
        %dma_start3A_448 = tpu.memref_squeeze %dma_start3A_447 : memref<1x!tpu.dma_semaphore, #tpu.memory_space<semaphore_mem>> -> memref<!tpu.dma_semaphore, #tpu.memory_space<semaphore_mem>>
        %dma_start3A_449 = arith.constant 0 : i32
        %dma_start3A_450 = arith.constant 0 : i32
        %dma_start3A_451 = tpu.memref_slice %arg7[%dma_start3A_439, %dma_start3A_449, %dma_start3A_450] : memref<2x49x128xf32, #tpu.memory_space<vmem>> -> memref<1x49x128xf32, #tpu.memory_space<vmem>>
        %dma_start3A_452 = tpu.memref_squeeze %dma_start3A_451 : memref<1x49x128xf32, #tpu.memory_space<vmem>> -> memref<49x128xf32, #tpu.memory_space<vmem>>
        %dma_start3A_453 = arith.constant 0 : i32
        %dma_start3A_454 = tpu.memref_slice %arg2[%add3A_438, %dma_start3A_453] : memref<225792x128xf32, #tpu.memory_space<hbm>> -> memref<49x128xf32, #tpu.memory_space<hbm>>
        tpu.enqueue_dma source(%dma_start3A_454 : memref<49x128xf32, #tpu.memory_space<hbm>>) target(%dma_start3A_452 : memref<49x128xf32, #tpu.memory_space<vmem>>) target_semaphore(%dma_start3A_448 : memref<!tpu.dma_semaphore, #tpu.memory_space<semaphore_mem>>)
      } else {
      }
      %mul3A_355 = arith.constant 2 : i32
      %mul3A_356 = arith.muli %mul3A_355, %scan3A_302 : i32
      %add3A_357 = arith.constant 1 : i32
      %add3A_358 = arith.addi %mul3A_356, %add3A_357 : i32
      %dma_wait3A_359 = arith.constant 1 : i32
      %dma_wait3A_360 = arith.constant 1 : i32
      %dma_wait3A_361 = arith.constant 0 : i32
      %dma_wait3A_362 = arith.constant 0 : i32
      %dma_wait3A_363 = tpu.memref_slice %arg6[%dma_wait3A_359, %dma_wait3A_361, %dma_wait3A_362] : memref<2x49x128xi32, #tpu.memory_space<vmem>> -> memref<1x49x128xi32, #tpu.memory_space<vmem>>
      %dma_wait3A_364 = tpu.memref_squeeze %dma_wait3A_363 : memref<1x49x128xi32, #tpu.memory_space<vmem>> -> memref<49x128xi32, #tpu.memory_space<vmem>>
      %dma_wait3A_365 = arith.constant 0 : i32
      %dma_wait3A_366 = arith.constant 0 : i32
      %dma_wait3A_367 = tpu.memref_slice %arg3[%dma_wait3A_365, %dma_wait3A_366] : memref<2352x128xi32, #tpu.memory_space<hbm>> -> memref<49x128xi32, #tpu.memory_space<hbm>>
      %dma_wait3A_368 = tpu.memref_slice %arg8[%dma_wait3A_360] : memref<4x!tpu.dma_semaphore, #tpu.memory_space<semaphore_mem>> -> memref<1x!tpu.dma_semaphore, #tpu.memory_space<semaphore_mem>>
      %dma_wait3A_369 = tpu.memref_squeeze %dma_wait3A_368 : memref<1x!tpu.dma_semaphore, #tpu.memory_space<semaphore_mem>> -> memref<!tpu.dma_semaphore, #tpu.memory_space<semaphore_mem>>
      %dma_wait3A_370 = arith.constant 0 : i32
      %dma_wait3A_371 = arith.constant 0 : i32
      %dma_wait3A_372 = tpu.memref_slice %arg6[%dma_wait3A_359, %dma_wait3A_370, %dma_wait3A_371] : memref<2x49x128xi32, #tpu.memory_space<vmem>> -> memref<1x49x128xi32, #tpu.memory_space<vmem>>
      %dma_wait3A_373 = tpu.memref_squeeze %dma_wait3A_372 : memref<1x49x128xi32, #tpu.memory_space<vmem>> -> memref<49x128xi32, #tpu.memory_space<vmem>>
      %dma_wait3A_374 = arith.constant 0 : i32
      %dma_wait3A_375 = arith.constant 0 : i32
      %dma_wait3A_376 = tpu.memref_slice %arg3[%dma_wait3A_374, %dma_wait3A_375] : memref<2352x128xi32, #tpu.memory_space<hbm>> -> memref<49x128xi32, #tpu.memory_space<hbm>>
      tpu.wait_dma2 semaphore(%dma_wait3A_369 : memref<!tpu.dma_semaphore, #tpu.memory_space<semaphore_mem>>) src(%dma_wait3A_376 : memref<49x128xi32, #tpu.memory_space<hbm>>) dst(%dma_wait3A_373 : memref<49x128xi32, #tpu.memory_space<vmem>>)
      %dma_wait3A_377 = arith.constant 1 : i32
      %dma_wait3A_378 = arith.constant 3 : i32
      %dma_wait3A_379 = arith.constant 0 : i32
      %dma_wait3A_380 = arith.constant 0 : i32
      %dma_wait3A_381 = tpu.memref_slice %arg7[%dma_wait3A_377, %dma_wait3A_379, %dma_wait3A_380] : memref<2x49x128xf32, #tpu.memory_space<vmem>> -> memref<1x49x128xf32, #tpu.memory_space<vmem>>
      %dma_wait3A_382 = tpu.memref_squeeze %dma_wait3A_381 : memref<1x49x128xf32, #tpu.memory_space<vmem>> -> memref<49x128xf32, #tpu.memory_space<vmem>>
      %dma_wait3A_383 = arith.constant 0 : i32
      %dma_wait3A_384 = arith.constant 0 : i32
      %dma_wait3A_385 = tpu.memref_slice %arg2[%dma_wait3A_383, %dma_wait3A_384] : memref<225792x128xf32, #tpu.memory_space<hbm>> -> memref<49x128xf32, #tpu.memory_space<hbm>>
      %dma_wait3A_386 = tpu.memref_slice %arg8[%dma_wait3A_378] : memref<4x!tpu.dma_semaphore, #tpu.memory_space<semaphore_mem>> -> memref<1x!tpu.dma_semaphore, #tpu.memory_space<semaphore_mem>>
      %dma_wait3A_387 = tpu.memref_squeeze %dma_wait3A_386 : memref<1x!tpu.dma_semaphore, #tpu.memory_space<semaphore_mem>> -> memref<!tpu.dma_semaphore, #tpu.memory_space<semaphore_mem>>
      %dma_wait3A_388 = arith.constant 0 : i32
      %dma_wait3A_389 = arith.constant 0 : i32
      %dma_wait3A_390 = tpu.memref_slice %arg7[%dma_wait3A_377, %dma_wait3A_388, %dma_wait3A_389] : memref<2x49x128xf32, #tpu.memory_space<vmem>> -> memref<1x49x128xf32, #tpu.memory_space<vmem>>
      %dma_wait3A_391 = tpu.memref_squeeze %dma_wait3A_390 : memref<1x49x128xf32, #tpu.memory_space<vmem>> -> memref<49x128xf32, #tpu.memory_space<vmem>>
      %dma_wait3A_392 = arith.constant 0 : i32
      %dma_wait3A_393 = arith.constant 0 : i32
      %dma_wait3A_394 = tpu.memref_slice %arg2[%dma_wait3A_392, %dma_wait3A_393] : memref<225792x128xf32, #tpu.memory_space<hbm>> -> memref<49x128xf32, #tpu.memory_space<hbm>>
      tpu.wait_dma2 semaphore(%dma_wait3A_387 : memref<!tpu.dma_semaphore, #tpu.memory_space<semaphore_mem>>) src(%dma_wait3A_394 : memref<49x128xf32, #tpu.memory_space<hbm>>) dst(%dma_wait3A_391 : memref<49x128xf32, #tpu.memory_space<vmem>>)
      %scan3A_395 = arith.constant 0 : i32
      %scan3A_396 = arith.constant 0 : i32
      %scan3A_397 = arith.constant 49 : i32
      %scan3A_398 = arith.addi %scan3A_396, %scan3A_397 : i32
      %scan3A_399 = arith.constant 1 : i32
      scf.for %scan3A_408 = %scan3A_396 to %scan3A_398 step %scan3A_399  : i32 {
        %get3A = arith.constant 1 : i32
        %get3A_409 = arith.index_cast %get3A : i32 to index
        %get3A_410 = arith.index_cast %scan3A_408 : i32 to index
        %get3A_411 = arith.constant 0 : index
        %get3A_412 = tpu.vector_load %arg6[%get3A_409, %get3A_410, %get3A_411] {strides = array<i32>} : memref<2x49x128xi32, #tpu.memory_space<vmem>>, vector<16xi32>,
        %shift_right_logical3A = arith.constant 7 : i32
        %shift_right_logical3A_413 = vector.broadcast %shift_right_logical3A : i32 to vector<16xi32>
        %shift_right_logical3A_414 = arith.shrui %get3A_412, %shift_right_logical3A_413 : vector<16xi32>
        %and3A = arith.constant 127 : i32
        %and3A_415 = vector.broadcast %and3A : i32 to vector<16xi32>
        %and3A_416 = arith.andi %get3A_412, %and3A_415 : vector<16xi32>
        %get3A_417 = arith.constant 1 : i32
        %get3A_418 = arith.index_cast %get3A_417 : i32 to index
        %get3A_419 = arith.index_cast %scan3A_408 : i32 to index
        %get3A_420 = arith.constant 0 : index
        %get3A_421 = tpu.vector_load %arg7[%get3A_418, %get3A_419, %get3A_420] {strides = array<i32>} : memref<2x49x128xf32, #tpu.memory_space<vmem>>, vector<16xf32>,
        tpu.vector_store_idx %arg5[%shift_right_logical3A_414, %broadcast_in_dim3A_5, %and3A_416], %get3A_421 {add = true} : memref<782x1x128xf32, #tpu.memory_space<vmem>>[vector<16xi32>, vector<16xi32>, vector<16xi32>], vector<16xf32>,
        %get3A_422 = arith.constant 1 : i32
        %get3A_423 = arith.index_cast %get3A_422 : i32 to index
        %get3A_424 = arith.index_cast %scan3A_408 : i32 to index
        %get3A_425 = arith.constant 16 : index
        %get3A_426 = tpu.vector_load %arg6[%get3A_423, %get3A_424, %get3A_425] {strides = array<i32>} : memref<2x49x128xi32, #tpu.memory_space<vmem>>, vector<16xi32>,
        %shift_right_logical3A_427 = arith.constant 7 : i32
        %shift_right_logical3A_428 = vector.broadcast %shift_right_logical3A_427 : i32 to vector<16xi32>
        %shift_right_logical3A_429 = arith.shrui %get3A_426, %shift_right_logical3A_428 : vector<16xi32>
        %and3A_430 = arith.constant 127 : i32
        %and3A_431 = vector.broadcast %and3A_430 : i32 to vector<16xi32>
        %and3A_432 = arith.andi %get3A_426, %and3A_431 : vector<16xi32>
        %get3A_433 = arith.constant 1 : i32
        %get3A_434 = arith.index_cast %get3A_433 : i32 to index
        %get3A_435 = arith.index_cast %scan3A_408 : i32 to index
        %get3A_436 = arith.constant 16 : index
        %get3A_437 = tpu.vector_load %arg7[%get3A_434, %get3A_435, %get3A_436] {strides = array<i32>} : memref<2x49x128xf32, #tpu.memory_space<vmem>>, vector<16xf32>,
        tpu.vector_store_idx %arg5[%shift_right_logical3A_429, %broadcast_in_dim3A_5, %and3A_432], %get3A_437 {add = true} : memref<782x1x128xf32, #tpu.memory_space<vmem>>[vector<16xi32>, vector<16xi32>, vector<16xi32>], vector<16xf32>,
        %get3A_438 = arith.constant 1 : i32
        %get3A_439 = arith.index_cast %get3A_438 : i32 to index
        %get3A_440 = arith.index_cast %scan3A_408 : i32 to index
        %get3A_441 = arith.constant 32 : index
        %get3A_442 = tpu.vector_load %arg6[%get3A_439, %get3A_440, %get3A_441] {strides = array<i32>} : memref<2x49x128xi32, #tpu.memory_space<vmem>>, vector<16xi32>,
        %shift_right_logical3A_443 = arith.constant 7 : i32
        %shift_right_logical3A_444 = vector.broadcast %shift_right_logical3A_443 : i32 to vector<16xi32>
        %shift_right_logical3A_445 = arith.shrui %get3A_442, %shift_right_logical3A_444 : vector<16xi32>
        %and3A_446 = arith.constant 127 : i32
        %and3A_447 = vector.broadcast %and3A_446 : i32 to vector<16xi32>
        %and3A_448 = arith.andi %get3A_442, %and3A_447 : vector<16xi32>
        %get3A_449 = arith.constant 1 : i32
        %get3A_450 = arith.index_cast %get3A_449 : i32 to index
        %get3A_451 = arith.index_cast %scan3A_408 : i32 to index
        %get3A_452 = arith.constant 32 : index
        %get3A_453 = tpu.vector_load %arg7[%get3A_450, %get3A_451, %get3A_452] {strides = array<i32>} : memref<2x49x128xf32, #tpu.memory_space<vmem>>, vector<16xf32>,
        tpu.vector_store_idx %arg5[%shift_right_logical3A_445, %broadcast_in_dim3A_5, %and3A_448], %get3A_453 {add = true} : memref<782x1x128xf32, #tpu.memory_space<vmem>>[vector<16xi32>, vector<16xi32>, vector<16xi32>], vector<16xf32>,
        %get3A_454 = arith.constant 1 : i32
        %get3A_455 = arith.index_cast %get3A_454 : i32 to index
        %get3A_456 = arith.index_cast %scan3A_408 : i32 to index
        %get3A_457 = arith.constant 48 : index
        %get3A_458 = tpu.vector_load %arg6[%get3A_455, %get3A_456, %get3A_457] {strides = array<i32>} : memref<2x49x128xi32, #tpu.memory_space<vmem>>, vector<16xi32>,
        %shift_right_logical3A_459 = arith.constant 7 : i32
        %shift_right_logical3A_460 = vector.broadcast %shift_right_logical3A_459 : i32 to vector<16xi32>
        %shift_right_logical3A_461 = arith.shrui %get3A_458, %shift_right_logical3A_460 : vector<16xi32>
        %and3A_462 = arith.constant 127 : i32
        %and3A_463 = vector.broadcast %and3A_462 : i32 to vector<16xi32>
        %and3A_464 = arith.andi %get3A_458, %and3A_463 : vector<16xi32>
        %get3A_465 = arith.constant 1 : i32
        %get3A_466 = arith.index_cast %get3A_465 : i32 to index
        %get3A_467 = arith.index_cast %scan3A_408 : i32 to index
        %get3A_468 = arith.constant 48 : index
        %get3A_469 = tpu.vector_load %arg7[%get3A_466, %get3A_467, %get3A_468] {strides = array<i32>} : memref<2x49x128xf32, #tpu.memory_space<vmem>>, vector<16xf32>,
        tpu.vector_store_idx %arg5[%shift_right_logical3A_461, %broadcast_in_dim3A_5, %and3A_464], %get3A_469 {add = true} : memref<782x1x128xf32, #tpu.memory_space<vmem>>[vector<16xi32>, vector<16xi32>, vector<16xi32>], vector<16xf32>,
        %get3A_470 = arith.constant 1 : i32
        %get3A_471 = arith.index_cast %get3A_470 : i32 to index
        %get3A_472 = arith.index_cast %scan3A_408 : i32 to index
        %get3A_473 = arith.constant 64 : index
        %get3A_474 = tpu.vector_load %arg6[%get3A_471, %get3A_472, %get3A_473] {strides = array<i32>} : memref<2x49x128xi32, #tpu.memory_space<vmem>>, vector<16xi32>,
        %shift_right_logical3A_475 = arith.constant 7 : i32
        %shift_right_logical3A_476 = vector.broadcast %shift_right_logical3A_475 : i32 to vector<16xi32>
        %shift_right_logical3A_477 = arith.shrui %get3A_474, %shift_right_logical3A_476 : vector<16xi32>
        %and3A_478 = arith.constant 127 : i32
        %and3A_479 = vector.broadcast %and3A_478 : i32 to vector<16xi32>
        %and3A_480 = arith.andi %get3A_474, %and3A_479 : vector<16xi32>
        %get3A_481 = arith.constant 1 : i32
        %get3A_482 = arith.index_cast %get3A_481 : i32 to index
        %get3A_483 = arith.index_cast %scan3A_408 : i32 to index
        %get3A_484 = arith.constant 64 : index
        %get3A_485 = tpu.vector_load %arg7[%get3A_482, %get3A_483, %get3A_484] {strides = array<i32>} : memref<2x49x128xf32, #tpu.memory_space<vmem>>, vector<16xf32>,
        tpu.vector_store_idx %arg5[%shift_right_logical3A_477, %broadcast_in_dim3A_5, %and3A_480], %get3A_485 {add = true} : memref<782x1x128xf32, #tpu.memory_space<vmem>>[vector<16xi32>, vector<16xi32>, vector<16xi32>], vector<16xf32>,
        %get3A_486 = arith.constant 1 : i32
        %get3A_487 = arith.index_cast %get3A_486 : i32 to index
        %get3A_488 = arith.index_cast %scan3A_408 : i32 to index
        %get3A_489 = arith.constant 80 : index
        %get3A_490 = tpu.vector_load %arg6[%get3A_487, %get3A_488, %get3A_489] {strides = array<i32>} : memref<2x49x128xi32, #tpu.memory_space<vmem>>, vector<16xi32>,
        %shift_right_logical3A_491 = arith.constant 7 : i32
        %shift_right_logical3A_492 = vector.broadcast %shift_right_logical3A_491 : i32 to vector<16xi32>
        %shift_right_logical3A_493 = arith.shrui %get3A_490, %shift_right_logical3A_492 : vector<16xi32>
        %and3A_494 = arith.constant 127 : i32
        %and3A_495 = vector.broadcast %and3A_494 : i32 to vector<16xi32>
        %and3A_496 = arith.andi %get3A_490, %and3A_495 : vector<16xi32>
        %get3A_497 = arith.constant 1 : i32
        %get3A_498 = arith.index_cast %get3A_497 : i32 to index
        %get3A_499 = arith.index_cast %scan3A_408 : i32 to index
        %get3A_500 = arith.constant 80 : index
        %get3A_501 = tpu.vector_load %arg7[%get3A_498, %get3A_499, %get3A_500] {strides = array<i32>} : memref<2x49x128xf32, #tpu.memory_space<vmem>>, vector<16xf32>,
        tpu.vector_store_idx %arg5[%shift_right_logical3A_493, %broadcast_in_dim3A_5, %and3A_496], %get3A_501 {add = true} : memref<782x1x128xf32, #tpu.memory_space<vmem>>[vector<16xi32>, vector<16xi32>, vector<16xi32>], vector<16xf32>,
        %get3A_502 = arith.constant 1 : i32
        %get3A_503 = arith.index_cast %get3A_502 : i32 to index
        %get3A_504 = arith.index_cast %scan3A_408 : i32 to index
        %get3A_505 = arith.constant 96 : index
        %get3A_506 = tpu.vector_load %arg6[%get3A_503, %get3A_504, %get3A_505] {strides = array<i32>} : memref<2x49x128xi32, #tpu.memory_space<vmem>>, vector<16xi32>,
        %shift_right_logical3A_507 = arith.constant 7 : i32
        %shift_right_logical3A_508 = vector.broadcast %shift_right_logical3A_507 : i32 to vector<16xi32>
        %shift_right_logical3A_509 = arith.shrui %get3A_506, %shift_right_logical3A_508 : vector<16xi32>
        %and3A_510 = arith.constant 127 : i32
        %and3A_511 = vector.broadcast %and3A_510 : i32 to vector<16xi32>
        %and3A_512 = arith.andi %get3A_506, %and3A_511 : vector<16xi32>
        %get3A_513 = arith.constant 1 : i32
        %get3A_514 = arith.index_cast %get3A_513 : i32 to index
        %get3A_515 = arith.index_cast %scan3A_408 : i32 to index
        %get3A_516 = arith.constant 96 : index
        %get3A_517 = tpu.vector_load %arg7[%get3A_514, %get3A_515, %get3A_516] {strides = array<i32>} : memref<2x49x128xf32, #tpu.memory_space<vmem>>, vector<16xf32>,
        tpu.vector_store_idx %arg5[%shift_right_logical3A_509, %broadcast_in_dim3A_5, %and3A_512], %get3A_517 {add = true} : memref<782x1x128xf32, #tpu.memory_space<vmem>>[vector<16xi32>, vector<16xi32>, vector<16xi32>], vector<16xf32>,
        %get3A_518 = arith.constant 1 : i32
        %get3A_519 = arith.index_cast %get3A_518 : i32 to index
        %get3A_520 = arith.index_cast %scan3A_408 : i32 to index
        %get3A_521 = arith.constant 112 : index
        %get3A_522 = tpu.vector_load %arg6[%get3A_519, %get3A_520, %get3A_521] {strides = array<i32>} : memref<2x49x128xi32, #tpu.memory_space<vmem>>, vector<16xi32>,
        %shift_right_logical3A_523 = arith.constant 7 : i32
        %shift_right_logical3A_524 = vector.broadcast %shift_right_logical3A_523 : i32 to vector<16xi32>
        %shift_right_logical3A_525 = arith.shrui %get3A_522, %shift_right_logical3A_524 : vector<16xi32>
        %and3A_526 = arith.constant 127 : i32
        %and3A_527 = vector.broadcast %and3A_526 : i32 to vector<16xi32>
        %and3A_528 = arith.andi %get3A_522, %and3A_527 : vector<16xi32>
        %get3A_529 = arith.constant 1 : i32
        %get3A_530 = arith.index_cast %get3A_529 : i32 to index
        %get3A_531 = arith.index_cast %scan3A_408 : i32 to index
        %get3A_532 = arith.constant 112 : index
        %get3A_533 = tpu.vector_load %arg7[%get3A_530, %get3A_531, %get3A_532] {strides = array<i32>} : memref<2x49x128xf32, #tpu.memory_space<vmem>>, vector<16xf32>,
        tpu.vector_store_idx %arg5[%shift_right_logical3A_525, %broadcast_in_dim3A_5, %and3A_528], %get3A_533 {add = true} : memref<782x1x128xf32, #tpu.memory_space<vmem>>[vector<16xi32>, vector<16xi32>, vector<16xi32>], vector<16xf32>,
      }
      %scan3A_400 = arith.constant 49 : i32
      %add3A_401 = arith.constant 2 : i32
      %add3A_402 = arith.addi %add3A_358, %add3A_401 : i32
      %lt3A_403 = arith.constant 48 : i32
      %lt3A_404 = arith.cmpi slt, %add3A_402, %lt3A_403 : i32
      %convert_element_type3A_405 = arith.extui %lt3A_404 : i1 to i32
      %cond3A_406 = arith.constant 0 : i32
      %cond3A_407 = arith.cmpi ne, %convert_element_type3A_405, %cond3A_406 : i32
      scf.if %cond3A_407 {
        %shift_right_logical3A = arith.constant 3 : i32
        %shift_right_logical3A_408 = arith.shrui %add3A_402, %shift_right_logical3A : i32
        %and3A = arith.constant 7 : i32
        %and3A_409 = arith.andi %add3A_402, %and3A : i32
        %mul3A_410 = arith.constant 392 : i32
        %mul3A_411 = arith.muli %shift_right_logical3A_408, %mul3A_410 : i32
        %mul3A_412 = arith.constant 49 : i32
        %mul3A_413 = arith.muli %and3A_409, %mul3A_412 : i32
        %add3A_414 = arith.addi %mul3A_411, %mul3A_413 : i32
        %dma_start3A_415 = arith.constant 1 : i32
        %dma_start3A_416 = arith.constant 1 : i32
        %dma_start3A_417 = arith.constant 0 : i32
        %dma_start3A_418 = arith.constant 0 : i32
        %dma_start3A_419 = tpu.memref_slice %arg6[%dma_start3A_415, %dma_start3A_417, %dma_start3A_418] : memref<2x49x128xi32, #tpu.memory_space<vmem>> -> memref<1x49x128xi32, #tpu.memory_space<vmem>>
        %dma_start3A_420 = tpu.memref_squeeze %dma_start3A_419 : memref<1x49x128xi32, #tpu.memory_space<vmem>> -> memref<49x128xi32, #tpu.memory_space<vmem>>
        %dma_start3A_421 = arith.constant 0 : i32
        %dma_start3A_422 = tpu.memref_slice %arg3[%add3A_414, %dma_start3A_421] : memref<2352x128xi32, #tpu.memory_space<hbm>> -> memref<49x128xi32, #tpu.memory_space<hbm>>
        %dma_start3A_423 = tpu.memref_slice %arg8[%dma_start3A_416] : memref<4x!tpu.dma_semaphore, #tpu.memory_space<semaphore_mem>> -> memref<1x!tpu.dma_semaphore, #tpu.memory_space<semaphore_mem>>
        %dma_start3A_424 = tpu.memref_squeeze %dma_start3A_423 : memref<1x!tpu.dma_semaphore, #tpu.memory_space<semaphore_mem>> -> memref<!tpu.dma_semaphore, #tpu.memory_space<semaphore_mem>>
        %dma_start3A_425 = arith.constant 0 : i32
        %dma_start3A_426 = arith.constant 0 : i32
        %dma_start3A_427 = tpu.memref_slice %arg6[%dma_start3A_415, %dma_start3A_425, %dma_start3A_426] : memref<2x49x128xi32, #tpu.memory_space<vmem>> -> memref<1x49x128xi32, #tpu.memory_space<vmem>>
        %dma_start3A_428 = tpu.memref_squeeze %dma_start3A_427 : memref<1x49x128xi32, #tpu.memory_space<vmem>> -> memref<49x128xi32, #tpu.memory_space<vmem>>
        %dma_start3A_429 = arith.constant 0 : i32
        %dma_start3A_430 = tpu.memref_slice %arg3[%add3A_414, %dma_start3A_429] : memref<2352x128xi32, #tpu.memory_space<hbm>> -> memref<49x128xi32, #tpu.memory_space<hbm>>
        tpu.enqueue_dma source(%dma_start3A_430 : memref<49x128xi32, #tpu.memory_space<hbm>>) target(%dma_start3A_428 : memref<49x128xi32, #tpu.memory_space<vmem>>) target_semaphore(%dma_start3A_424 : memref<!tpu.dma_semaphore, #tpu.memory_space<semaphore_mem>>)
        %mul3A_431 = arith.constant 96 : i32
        %mul3A_432 = arith.muli %shift_right_logical3A_408, %mul3A_431 : i32
        %add3A_433 = arith.addi %mul3A_432, %add3A_121 : i32
        %mul3A_434 = arith.constant 392 : i32
        %mul3A_435 = arith.muli %add3A_433, %mul3A_434 : i32
        %mul3A_436 = arith.constant 49 : i32
        %mul3A_437 = arith.muli %and3A_409, %mul3A_436 : i32
        %add3A_438 = arith.addi %mul3A_435, %mul3A_437 : i32
        %dma_start3A_439 = arith.constant 1 : i32
        %dma_start3A_440 = arith.constant 3 : i32
        %dma_start3A_441 = arith.constant 0 : i32
        %dma_start3A_442 = arith.constant 0 : i32
        %dma_start3A_443 = tpu.memref_slice %arg7[%dma_start3A_439, %dma_start3A_441, %dma_start3A_442] : memref<2x49x128xf32, #tpu.memory_space<vmem>> -> memref<1x49x128xf32, #tpu.memory_space<vmem>>
        %dma_start3A_444 = tpu.memref_squeeze %dma_start3A_443 : memref<1x49x128xf32, #tpu.memory_space<vmem>> -> memref<49x128xf32, #tpu.memory_space<vmem>>
        %dma_start3A_445 = arith.constant 0 : i32
        %dma_start3A_446 = tpu.memref_slice %arg2[%add3A_438, %dma_start3A_445] : memref<225792x128xf32, #tpu.memory_space<hbm>> -> memref<49x128xf32, #tpu.memory_space<hbm>>
        %dma_start3A_447 = tpu.memref_slice %arg8[%dma_start3A_440] : memref<4x!tpu.dma_semaphore, #tpu.memory_space<semaphore_mem>> -> memref<1x!tpu.dma_semaphore, #tpu.memory_space<semaphore_mem>>
        %dma_start3A_448 = tpu.memref_squeeze %dma_start3A_447 : memref<1x!tpu.dma_semaphore, #tpu.memory_space<semaphore_mem>> -> memref<!tpu.dma_semaphore, #tpu.memory_space<semaphore_mem>>
        %dma_start3A_449 = arith.constant 0 : i32
        %dma_start3A_450 = arith.constant 0 : i32
        %dma_start3A_451 = tpu.memref_slice %arg7[%dma_start3A_439, %dma_start3A_449, %dma_start3A_450] : memref<2x49x128xf32, #tpu.memory_space<vmem>> -> memref<1x49x128xf32, #tpu.memory_space<vmem>>
        %dma_start3A_452 = tpu.memref_squeeze %dma_start3A_451 : memref<1x49x128xf32, #tpu.memory_space<vmem>> -> memref<49x128xf32, #tpu.memory_space<vmem>>
        %dma_start3A_453 = arith.constant 0 : i32
        %dma_start3A_454 = tpu.memref_slice %arg2[%add3A_438, %dma_start3A_453] : memref<225792x128xf32, #tpu.memory_space<hbm>> -> memref<49x128xf32, #tpu.memory_space<hbm>>
        tpu.enqueue_dma source(%dma_start3A_454 : memref<49x128xf32, #tpu.memory_space<hbm>>) target(%dma_start3A_452 : memref<49x128xf32, #tpu.memory_space<vmem>>) target_semaphore(%dma_start3A_448 : memref<!tpu.dma_semaphore, #tpu.memory_space<semaphore_mem>>)
      } else {
      }
    }
    %scan3A_209 = arith.constant 24 : i32
    "tpu.region"() ({
      %run_scoped3A_302 = tpu.sem_alloc : memref<!tpu.dma_semaphore, #tpu.memory_space<semaphore_mem>>
      %dma_start3A_303 = arith.constant 0 : i32
      %dma_start3A_304 = arith.constant 0 : i32
      %dma_start3A_305 = tpu.memref_slice %arg4[%dma_start3A_303, %add3A_121, %dma_start3A_304] : memref<782x128x128xf32, #tpu.memory_space<hbm>> -> memref<782x1x128xf32, #tpu.memory_space<hbm>>
      %dma_start3A_306 = arith.constant 0 : i32
      %dma_start3A_307 = arith.constant 0 : i32
      %dma_start3A_308 = tpu.memref_slice %arg4[%dma_start3A_306, %add3A_121, %dma_start3A_307] : memref<782x128x128xf32, #tpu.memory_space<hbm>> -> memref<782x1x128xf32, #tpu.memory_space<hbm>>
      tpu.enqueue_dma source(%arg5 : memref<782x1x128xf32, #tpu.memory_space<vmem>>) target(%dma_start3A_308 : memref<782x1x128xf32, #tpu.memory_space<hbm>>) target_semaphore(%run_scoped3A_302 : memref<!tpu.dma_semaphore, #tpu.memory_space<semaphore_mem>>)
      %dma_wait3A = arith.constant 0 : i32
      %dma_wait3A_309 = arith.constant 0 : i32
      %dma_wait3A_310 = tpu.memref_slice %arg4[%dma_wait3A, %add3A_121, %dma_wait3A_309] : memref<782x128x128xf32, #tpu.memory_space<hbm>> -> memref<782x1x128xf32, #tpu.memory_space<hbm>>
      %dma_wait3A_311 = arith.constant 0 : i32
      %dma_wait3A_312 = arith.constant 0 : i32
      %dma_wait3A_313 = tpu.memref_slice %arg4[%dma_wait3A_311, %add3A_121, %dma_wait3A_312] : memref<782x128x128xf32, #tpu.memory_space<hbm>> -> memref<782x1x128xf32, #tpu.memory_space<hbm>>
      tpu.wait_dma2 semaphore(%run_scoped3A_302 : memref<!tpu.dma_semaphore, #tpu.memory_space<semaphore_mem>>) src(%arg5 : memref<782x1x128xf32, #tpu.memory_space<vmem>>) dst(%dma_wait3A_313 : memref<782x1x128xf32, #tpu.memory_space<hbm>>)
      tpu.yield
    }) : () -> ()
    %mul3A_210 = arith.constant 3 : i32
    %mul3A_211 = arith.muli %add3A, %mul3A_210 : i32
    %add3A_212 = arith.constant 2 : i32
    %add3A_213 = arith.addi %mul3A_211, %add3A_212 : i32
    %scan3A_214 = arith.constant 0 : i32
    %scan3A_215 = arith.constant 0 : i32
    %scan3A_216 = arith.constant 782 : i32
    %scan3A_217 = arith.addi %scan3A_215, %scan3A_216 : i32
    %scan3A_218 = arith.constant 1 : i32
    scf.for %scan3A_302 = %scan3A_215 to %scan3A_217 step %scan3A_218  : i32 {
      %swap3A = arith.constant 0 : i32
      %swap3A_303 = arith.index_cast %scan3A_302 : i32 to index
      %swap3A_304 = arith.index_cast %swap3A : i32 to index
      %swap3A_305 = arith.constant 0 : index
      %swap3A_306 = tpu.vector_load %arg5[%swap3A_303, %swap3A_304, %swap3A_305] {strides = array<i32>} : memref<782x1x128xf32, #tpu.memory_space<vmem>>, vector<16xf32>,
      tpu.vector_store %arg5[%swap3A_303, %swap3A_304, %swap3A_305], %broadcast_in_dim3A_1 {strides = array<i32>} : memref<782x1x128xf32, #tpu.memory_space<vmem>>, vector<16xf32>,
      %swap3A_307 = arith.constant 0 : i32
      %swap3A_308 = arith.index_cast %scan3A_302 : i32 to index
      %swap3A_309 = arith.index_cast %swap3A_307 : i32 to index
      %swap3A_310 = arith.constant 16 : index
      %swap3A_311 = tpu.vector_load %arg5[%swap3A_308, %swap3A_309, %swap3A_310] {strides = array<i32>} : memref<782x1x128xf32, #tpu.memory_space<vmem>>, vector<16xf32>,
      tpu.vector_store %arg5[%swap3A_308, %swap3A_309, %swap3A_310], %broadcast_in_dim3A_1 {strides = array<i32>} : memref<782x1x128xf32, #tpu.memory_space<vmem>>, vector<16xf32>,
      %swap3A_312 = arith.constant 0 : i32
      %swap3A_313 = arith.index_cast %scan3A_302 : i32 to index
      %swap3A_314 = arith.index_cast %swap3A_312 : i32 to index
      %swap3A_315 = arith.constant 32 : index
      %swap3A_316 = tpu.vector_load %arg5[%swap3A_313, %swap3A_314, %swap3A_315] {strides = array<i32>} : memref<782x1x128xf32, #tpu.memory_space<vmem>>, vector<16xf32>,
      tpu.vector_store %arg5[%swap3A_313, %swap3A_314, %swap3A_315], %broadcast_in_dim3A_1 {strides = array<i32>} : memref<782x1x128xf32, #tpu.memory_space<vmem>>, vector<16xf32>,
      %swap3A_317 = arith.constant 0 : i32
      %swap3A_318 = arith.index_cast %scan3A_302 : i32 to index
      %swap3A_319 = arith.index_cast %swap3A_317 : i32 to index
      %swap3A_320 = arith.constant 48 : index
      %swap3A_321 = tpu.vector_load %arg5[%swap3A_318, %swap3A_319, %swap3A_320] {strides = array<i32>} : memref<782x1x128xf32, #tpu.memory_space<vmem>>, vector<16xf32>,
      tpu.vector_store %arg5[%swap3A_318, %swap3A_319, %swap3A_320], %broadcast_in_dim3A_1 {strides = array<i32>} : memref<782x1x128xf32, #tpu.memory_space<vmem>>, vector<16xf32>,
      %swap3A_322 = arith.constant 0 : i32
      %swap3A_323 = arith.index_cast %scan3A_302 : i32 to index
      %swap3A_324 = arith.index_cast %swap3A_322 : i32 to index
      %swap3A_325 = arith.constant 64 : index
      %swap3A_326 = tpu.vector_load %arg5[%swap3A_323, %swap3A_324, %swap3A_325] {strides = array<i32>} : memref<782x1x128xf32, #tpu.memory_space<vmem>>, vector<16xf32>,
      tpu.vector_store %arg5[%swap3A_323, %swap3A_324, %swap3A_325], %broadcast_in_dim3A_1 {strides = array<i32>} : memref<782x1x128xf32, #tpu.memory_space<vmem>>, vector<16xf32>,
      %swap3A_327 = arith.constant 0 : i32
      %swap3A_328 = arith.index_cast %scan3A_302 : i32 to index
      %swap3A_329 = arith.index_cast %swap3A_327 : i32 to index
      %swap3A_330 = arith.constant 80 : index
      %swap3A_331 = tpu.vector_load %arg5[%swap3A_328, %swap3A_329, %swap3A_330] {strides = array<i32>} : memref<782x1x128xf32, #tpu.memory_space<vmem>>, vector<16xf32>,
      tpu.vector_store %arg5[%swap3A_328, %swap3A_329, %swap3A_330], %broadcast_in_dim3A_1 {strides = array<i32>} : memref<782x1x128xf32, #tpu.memory_space<vmem>>, vector<16xf32>,
      %swap3A_332 = arith.constant 0 : i32
      %swap3A_333 = arith.index_cast %scan3A_302 : i32 to index
      %swap3A_334 = arith.index_cast %swap3A_332 : i32 to index
      %swap3A_335 = arith.constant 96 : index
      %swap3A_336 = tpu.vector_load %arg5[%swap3A_333, %swap3A_334, %swap3A_335] {strides = array<i32>} : memref<782x1x128xf32, #tpu.memory_space<vmem>>, vector<16xf32>,
      tpu.vector_store %arg5[%swap3A_333, %swap3A_334, %swap3A_335], %broadcast_in_dim3A_1 {strides = array<i32>} : memref<782x1x128xf32, #tpu.memory_space<vmem>>, vector<16xf32>,
      %swap3A_337 = arith.constant 0 : i32
      %swap3A_338 = arith.index_cast %scan3A_302 : i32 to index
      %swap3A_339 = arith.index_cast %swap3A_337 : i32 to index
      %swap3A_340 = arith.constant 112 : index
      %swap3A_341 = tpu.vector_load %arg5[%swap3A_338, %swap3A_339, %swap3A_340] {strides = array<i32>} : memref<782x1x128xf32, #tpu.memory_space<vmem>>, vector<16xf32>,
      tpu.vector_store %arg5[%swap3A_338, %swap3A_339, %swap3A_340], %broadcast_in_dim3A_1 {strides = array<i32>} : memref<782x1x128xf32, #tpu.memory_space<vmem>>, vector<16xf32>,
    }
    %scan3A_219 = arith.constant 782 : i32
    %dma_start3A_220 = arith.constant 0 : i32
    %dma_start3A_221 = arith.constant 0 : i32
    %dma_start3A_222 = arith.constant 0 : i32
    %dma_start3A_223 = arith.constant 0 : i32
    %dma_start3A_224 = tpu.memref_slice %arg6[%dma_start3A_220, %dma_start3A_222, %dma_start3A_223] : memref<2x49x128xi32, #tpu.memory_space<vmem>> -> memref<1x49x128xi32, #tpu.memory_space<vmem>>
    %dma_start3A_225 = tpu.memref_squeeze %dma_start3A_224 : memref<1x49x128xi32, #tpu.memory_space<vmem>> -> memref<49x128xi32, #tpu.memory_space<vmem>>
    %dma_start3A_226 = arith.constant 0 : i32
    %dma_start3A_227 = arith.constant 0 : i32
    %dma_start3A_228 = tpu.memref_slice %arg3[%dma_start3A_226, %dma_start3A_227] : memref<2352x128xi32, #tpu.memory_space<hbm>> -> memref<49x128xi32, #tpu.memory_space<hbm>>
    %dma_start3A_229 = tpu.memref_slice %arg8[%dma_start3A_221] : memref<4x!tpu.dma_semaphore, #tpu.memory_space<semaphore_mem>> -> memref<1x!tpu.dma_semaphore, #tpu.memory_space<semaphore_mem>>
    %dma_start3A_230 = tpu.memref_squeeze %dma_start3A_229 : memref<1x!tpu.dma_semaphore, #tpu.memory_space<semaphore_mem>> -> memref<!tpu.dma_semaphore, #tpu.memory_space<semaphore_mem>>
    %dma_start3A_231 = arith.constant 0 : i32
    %dma_start3A_232 = arith.constant 0 : i32
    %dma_start3A_233 = tpu.memref_slice %arg6[%dma_start3A_220, %dma_start3A_231, %dma_start3A_232] : memref<2x49x128xi32, #tpu.memory_space<vmem>> -> memref<1x49x128xi32, #tpu.memory_space<vmem>>
    %dma_start3A_234 = tpu.memref_squeeze %dma_start3A_233 : memref<1x49x128xi32, #tpu.memory_space<vmem>> -> memref<49x128xi32, #tpu.memory_space<vmem>>
    %dma_start3A_235 = arith.constant 0 : i32
    %dma_start3A_236 = arith.constant 0 : i32
    %dma_start3A_237 = tpu.memref_slice %arg3[%dma_start3A_235, %dma_start3A_236] : memref<2352x128xi32, #tpu.memory_space<hbm>> -> memref<49x128xi32, #tpu.memory_space<hbm>>
    tpu.enqueue_dma source(%dma_start3A_237 : memref<49x128xi32, #tpu.memory_space<hbm>>) target(%dma_start3A_234 : memref<49x128xi32, #tpu.memory_space<vmem>>) target_semaphore(%dma_start3A_230 : memref<!tpu.dma_semaphore, #tpu.memory_space<semaphore_mem>>)
    %mul3A_238 = arith.constant 392 : i32
    %mul3A_239 = arith.muli %add3A_213, %mul3A_238 : i32
    %add3A_240 = arith.constant 0 : i32
    %add3A_241 = arith.addi %mul3A_239, %add3A_240 : i32
    %dma_start3A_242 = arith.constant 0 : i32
    %dma_start3A_243 = arith.constant 2 : i32
    %dma_start3A_244 = arith.constant 0 : i32
    %dma_start3A_245 = arith.constant 0 : i32
    %dma_start3A_246 = tpu.memref_slice %arg7[%dma_start3A_242, %dma_start3A_244, %dma_start3A_245] : memref<2x49x128xf32, #tpu.memory_space<vmem>> -> memref<1x49x128xf32, #tpu.memory_space<vmem>>
    %dma_start3A_247 = tpu.memref_squeeze %dma_start3A_246 : memref<1x49x128xf32, #tpu.memory_space<vmem>> -> memref<49x128xf32, #tpu.memory_space<vmem>>
    %dma_start3A_248 = arith.constant 0 : i32
    %dma_start3A_249 = tpu.memref_slice %arg2[%add3A_241, %dma_start3A_248] : memref<225792x128xf32, #tpu.memory_space<hbm>> -> memref<49x128xf32, #tpu.memory_space<hbm>>
    %dma_start3A_250 = tpu.memref_slice %arg8[%dma_start3A_243] : memref<4x!tpu.dma_semaphore, #tpu.memory_space<semaphore_mem>> -> memref<1x!tpu.dma_semaphore, #tpu.memory_space<semaphore_mem>>
    %dma_start3A_251 = tpu.memref_squeeze %dma_start3A_250 : memref<1x!tpu.dma_semaphore, #tpu.memory_space<semaphore_mem>> -> memref<!tpu.dma_semaphore, #tpu.memory_space<semaphore_mem>>
    %dma_start3A_252 = arith.constant 0 : i32
    %dma_start3A_253 = arith.constant 0 : i32
    %dma_start3A_254 = tpu.memref_slice %arg7[%dma_start3A_242, %dma_start3A_252, %dma_start3A_253] : memref<2x49x128xf32, #tpu.memory_space<vmem>> -> memref<1x49x128xf32, #tpu.memory_space<vmem>>
    %dma_start3A_255 = tpu.memref_squeeze %dma_start3A_254 : memref<1x49x128xf32, #tpu.memory_space<vmem>> -> memref<49x128xf32, #tpu.memory_space<vmem>>
    %dma_start3A_256 = arith.constant 0 : i32
    %dma_start3A_257 = tpu.memref_slice %arg2[%add3A_241, %dma_start3A_256] : memref<225792x128xf32, #tpu.memory_space<hbm>> -> memref<49x128xf32, #tpu.memory_space<hbm>>
    tpu.enqueue_dma source(%dma_start3A_257 : memref<49x128xf32, #tpu.memory_space<hbm>>) target(%dma_start3A_255 : memref<49x128xf32, #tpu.memory_space<vmem>>) target_semaphore(%dma_start3A_251 : memref<!tpu.dma_semaphore, #tpu.memory_space<semaphore_mem>>)
    %dma_start3A_258 = arith.constant 1 : i32
    %dma_start3A_259 = arith.constant 1 : i32
    %dma_start3A_260 = arith.constant 0 : i32
    %dma_start3A_261 = arith.constant 0 : i32
    %dma_start3A_262 = tpu.memref_slice %arg6[%dma_start3A_258, %dma_start3A_260, %dma_start3A_261] : memref<2x49x128xi32, #tpu.memory_space<vmem>> -> memref<1x49x128xi32, #tpu.memory_space<vmem>>
    %dma_start3A_263 = tpu.memref_squeeze %dma_start3A_262 : memref<1x49x128xi32, #tpu.memory_space<vmem>> -> memref<49x128xi32, #tpu.memory_space<vmem>>
    %dma_start3A_264 = arith.constant 49 : i32
    %dma_start3A_265 = arith.constant 0 : i32
    %dma_start3A_266 = tpu.memref_slice %arg3[%dma_start3A_264, %dma_start3A_265] : memref<2352x128xi32, #tpu.memory_space<hbm>> -> memref<49x128xi32, #tpu.memory_space<hbm>>
    %dma_start3A_267 = tpu.memref_slice %arg8[%dma_start3A_259] : memref<4x!tpu.dma_semaphore, #tpu.memory_space<semaphore_mem>> -> memref<1x!tpu.dma_semaphore, #tpu.memory_space<semaphore_mem>>
    %dma_start3A_268 = tpu.memref_squeeze %dma_start3A_267 : memref<1x!tpu.dma_semaphore, #tpu.memory_space<semaphore_mem>> -> memref<!tpu.dma_semaphore, #tpu.memory_space<semaphore_mem>>
    %dma_start3A_269 = arith.constant 0 : i32
    %dma_start3A_270 = arith.constant 0 : i32
    %dma_start3A_271 = tpu.memref_slice %arg6[%dma_start3A_258, %dma_start3A_269, %dma_start3A_270] : memref<2x49x128xi32, #tpu.memory_space<vmem>> -> memref<1x49x128xi32, #tpu.memory_space<vmem>>
    %dma_start3A_272 = tpu.memref_squeeze %dma_start3A_271 : memref<1x49x128xi32, #tpu.memory_space<vmem>> -> memref<49x128xi32, #tpu.memory_space<vmem>>
    %dma_start3A_273 = arith.constant 49 : i32
    %dma_start3A_274 = arith.constant 0 : i32
    %dma_start3A_275 = tpu.memref_slice %arg3[%dma_start3A_273, %dma_start3A_274] : memref<2352x128xi32, #tpu.memory_space<hbm>> -> memref<49x128xi32, #tpu.memory_space<hbm>>
    tpu.enqueue_dma source(%dma_start3A_275 : memref<49x128xi32, #tpu.memory_space<hbm>>) target(%dma_start3A_272 : memref<49x128xi32, #tpu.memory_space<vmem>>) target_semaphore(%dma_start3A_268 : memref<!tpu.dma_semaphore, #tpu.memory_space<semaphore_mem>>)
    %mul3A_276 = arith.constant 392 : i32
    %mul3A_277 = arith.muli %add3A_213, %mul3A_276 : i32
    %add3A_278 = arith.constant 49 : i32
    %add3A_279 = arith.addi %mul3A_277, %add3A_278 : i32
    %dma_start3A_280 = arith.constant 1 : i32
    %dma_start3A_281 = arith.constant 3 : i32
    %dma_start3A_282 = arith.constant 0 : i32
    %dma_start3A_283 = arith.constant 0 : i32
    %dma_start3A_284 = tpu.memref_slice %arg7[%dma_start3A_280, %dma_start3A_282, %dma_start3A_283] : memref<2x49x128xf32, #tpu.memory_space<vmem>> -> memref<1x49x128xf32, #tpu.memory_space<vmem>>
    %dma_start3A_285 = tpu.memref_squeeze %dma_start3A_284 : memref<1x49x128xf32, #tpu.memory_space<vmem>> -> memref<49x128xf32, #tpu.memory_space<vmem>>
    %dma_start3A_286 = arith.constant 0 : i32
    %dma_start3A_287 = tpu.memref_slice %arg2[%add3A_279, %dma_start3A_286] : memref<225792x128xf32, #tpu.memory_space<hbm>> -> memref<49x128xf32, #tpu.memory_space<hbm>>
    %dma_start3A_288 = tpu.memref_slice %arg8[%dma_start3A_281] : memref<4x!tpu.dma_semaphore, #tpu.memory_space<semaphore_mem>> -> memref<1x!tpu.dma_semaphore, #tpu.memory_space<semaphore_mem>>
    %dma_start3A_289 = tpu.memref_squeeze %dma_start3A_288 : memref<1x!tpu.dma_semaphore, #tpu.memory_space<semaphore_mem>> -> memref<!tpu.dma_semaphore, #tpu.memory_space<semaphore_mem>>
    %dma_start3A_290 = arith.constant 0 : i32
    %dma_start3A_291 = arith.constant 0 : i32
    %dma_start3A_292 = tpu.memref_slice %arg7[%dma_start3A_280, %dma_start3A_290, %dma_start3A_291] : memref<2x49x128xf32, #tpu.memory_space<vmem>> -> memref<1x49x128xf32, #tpu.memory_space<vmem>>
    %dma_start3A_293 = tpu.memref_squeeze %dma_start3A_292 : memref<1x49x128xf32, #tpu.memory_space<vmem>> -> memref<49x128xf32, #tpu.memory_space<vmem>>
    %dma_start3A_294 = arith.constant 0 : i32
    %dma_start3A_295 = tpu.memref_slice %arg2[%add3A_279, %dma_start3A_294] : memref<225792x128xf32, #tpu.memory_space<hbm>> -> memref<49x128xf32, #tpu.memory_space<hbm>>
    tpu.enqueue_dma source(%dma_start3A_295 : memref<49x128xf32, #tpu.memory_space<hbm>>) target(%dma_start3A_293 : memref<49x128xf32, #tpu.memory_space<vmem>>) target_semaphore(%dma_start3A_289 : memref<!tpu.dma_semaphore, #tpu.memory_space<semaphore_mem>>)
    %scan3A_296 = arith.constant 0 : i32
    %scan3A_297 = arith.constant 0 : i32
    %scan3A_298 = arith.constant 24 : i32
    %scan3A_299 = arith.addi %scan3A_297, %scan3A_298 : i32
    %scan3A_300 = arith.constant 1 : i32
    scf.for %scan3A_302 = %scan3A_297 to %scan3A_299 step %scan3A_300  : i32 {
      %mul3A_303 = arith.constant 2 : i32
      %mul3A_304 = arith.muli %mul3A_303, %scan3A_302 : i32
      %add3A_305 = arith.constant 0 : i32
      %add3A_306 = arith.addi %mul3A_304, %add3A_305 : i32
      %dma_wait3A = arith.constant 0 : i32
      %dma_wait3A_307 = arith.constant 0 : i32
      %dma_wait3A_308 = arith.constant 0 : i32
      %dma_wait3A_309 = arith.constant 0 : i32
      %dma_wait3A_310 = tpu.memref_slice %arg6[%dma_wait3A, %dma_wait3A_308, %dma_wait3A_309] : memref<2x49x128xi32, #tpu.memory_space<vmem>> -> memref<1x49x128xi32, #tpu.memory_space<vmem>>
      %dma_wait3A_311 = tpu.memref_squeeze %dma_wait3A_310 : memref<1x49x128xi32, #tpu.memory_space<vmem>> -> memref<49x128xi32, #tpu.memory_space<vmem>>
      %dma_wait3A_312 = arith.constant 0 : i32
      %dma_wait3A_313 = arith.constant 0 : i32
      %dma_wait3A_314 = tpu.memref_slice %arg3[%dma_wait3A_312, %dma_wait3A_313] : memref<2352x128xi32, #tpu.memory_space<hbm>> -> memref<49x128xi32, #tpu.memory_space<hbm>>
      %dma_wait3A_315 = tpu.memref_slice %arg8[%dma_wait3A_307] : memref<4x!tpu.dma_semaphore, #tpu.memory_space<semaphore_mem>> -> memref<1x!tpu.dma_semaphore, #tpu.memory_space<semaphore_mem>>
      %dma_wait3A_316 = tpu.memref_squeeze %dma_wait3A_315 : memref<1x!tpu.dma_semaphore, #tpu.memory_space<semaphore_mem>> -> memref<!tpu.dma_semaphore, #tpu.memory_space<semaphore_mem>>
      %dma_wait3A_317 = arith.constant 0 : i32
      %dma_wait3A_318 = arith.constant 0 : i32
      %dma_wait3A_319 = tpu.memref_slice %arg6[%dma_wait3A, %dma_wait3A_317, %dma_wait3A_318] : memref<2x49x128xi32, #tpu.memory_space<vmem>> -> memref<1x49x128xi32, #tpu.memory_space<vmem>>
      %dma_wait3A_320 = tpu.memref_squeeze %dma_wait3A_319 : memref<1x49x128xi32, #tpu.memory_space<vmem>> -> memref<49x128xi32, #tpu.memory_space<vmem>>
      %dma_wait3A_321 = arith.constant 0 : i32
      %dma_wait3A_322 = arith.constant 0 : i32
      %dma_wait3A_323 = tpu.memref_slice %arg3[%dma_wait3A_321, %dma_wait3A_322] : memref<2352x128xi32, #tpu.memory_space<hbm>> -> memref<49x128xi32, #tpu.memory_space<hbm>>
      tpu.wait_dma2 semaphore(%dma_wait3A_316 : memref<!tpu.dma_semaphore, #tpu.memory_space<semaphore_mem>>) src(%dma_wait3A_323 : memref<49x128xi32, #tpu.memory_space<hbm>>) dst(%dma_wait3A_320 : memref<49x128xi32, #tpu.memory_space<vmem>>)
      %dma_wait3A_324 = arith.constant 0 : i32
      %dma_wait3A_325 = arith.constant 2 : i32
      %dma_wait3A_326 = arith.constant 0 : i32
      %dma_wait3A_327 = arith.constant 0 : i32
      %dma_wait3A_328 = tpu.memref_slice %arg7[%dma_wait3A_324, %dma_wait3A_326, %dma_wait3A_327] : memref<2x49x128xf32, #tpu.memory_space<vmem>> -> memref<1x49x128xf32, #tpu.memory_space<vmem>>
      %dma_wait3A_329 = tpu.memref_squeeze %dma_wait3A_328 : memref<1x49x128xf32, #tpu.memory_space<vmem>> -> memref<49x128xf32, #tpu.memory_space<vmem>>
      %dma_wait3A_330 = arith.constant 0 : i32
      %dma_wait3A_331 = arith.constant 0 : i32
      %dma_wait3A_332 = tpu.memref_slice %arg2[%dma_wait3A_330, %dma_wait3A_331] : memref<225792x128xf32, #tpu.memory_space<hbm>> -> memref<49x128xf32, #tpu.memory_space<hbm>>
      %dma_wait3A_333 = tpu.memref_slice %arg8[%dma_wait3A_325] : memref<4x!tpu.dma_semaphore, #tpu.memory_space<semaphore_mem>> -> memref<1x!tpu.dma_semaphore, #tpu.memory_space<semaphore_mem>>
      %dma_wait3A_334 = tpu.memref_squeeze %dma_wait3A_333 : memref<1x!tpu.dma_semaphore, #tpu.memory_space<semaphore_mem>> -> memref<!tpu.dma_semaphore, #tpu.memory_space<semaphore_mem>>
      %dma_wait3A_335 = arith.constant 0 : i32
      %dma_wait3A_336 = arith.constant 0 : i32
      %dma_wait3A_337 = tpu.memref_slice %arg7[%dma_wait3A_324, %dma_wait3A_335, %dma_wait3A_336] : memref<2x49x128xf32, #tpu.memory_space<vmem>> -> memref<1x49x128xf32, #tpu.memory_space<vmem>>
      %dma_wait3A_338 = tpu.memref_squeeze %dma_wait3A_337 : memref<1x49x128xf32, #tpu.memory_space<vmem>> -> memref<49x128xf32, #tpu.memory_space<vmem>>
      %dma_wait3A_339 = arith.constant 0 : i32
      %dma_wait3A_340 = arith.constant 0 : i32
      %dma_wait3A_341 = tpu.memref_slice %arg2[%dma_wait3A_339, %dma_wait3A_340] : memref<225792x128xf32, #tpu.memory_space<hbm>> -> memref<49x128xf32, #tpu.memory_space<hbm>>
      tpu.wait_dma2 semaphore(%dma_wait3A_334 : memref<!tpu.dma_semaphore, #tpu.memory_space<semaphore_mem>>) src(%dma_wait3A_341 : memref<49x128xf32, #tpu.memory_space<hbm>>) dst(%dma_wait3A_338 : memref<49x128xf32, #tpu.memory_space<vmem>>)
      %scan3A_342 = arith.constant 0 : i32
      %scan3A_343 = arith.constant 0 : i32
      %scan3A_344 = arith.constant 49 : i32
      %scan3A_345 = arith.addi %scan3A_343, %scan3A_344 : i32
      %scan3A_346 = arith.constant 1 : i32
      scf.for %scan3A_408 = %scan3A_343 to %scan3A_345 step %scan3A_346  : i32 {
        %get3A = arith.constant 0 : i32
        %get3A_409 = arith.index_cast %get3A : i32 to index
        %get3A_410 = arith.index_cast %scan3A_408 : i32 to index
        %get3A_411 = arith.constant 0 : index
        %get3A_412 = tpu.vector_load %arg6[%get3A_409, %get3A_410, %get3A_411] {strides = array<i32>} : memref<2x49x128xi32, #tpu.memory_space<vmem>>, vector<16xi32>,
        %shift_right_logical3A = arith.constant 7 : i32
        %shift_right_logical3A_413 = vector.broadcast %shift_right_logical3A : i32 to vector<16xi32>
        %shift_right_logical3A_414 = arith.shrui %get3A_412, %shift_right_logical3A_413 : vector<16xi32>
        %and3A = arith.constant 127 : i32
        %and3A_415 = vector.broadcast %and3A : i32 to vector<16xi32>
        %and3A_416 = arith.andi %get3A_412, %and3A_415 : vector<16xi32>
        %get3A_417 = arith.constant 0 : i32
        %get3A_418 = arith.index_cast %get3A_417 : i32 to index
        %get3A_419 = arith.index_cast %scan3A_408 : i32 to index
        %get3A_420 = arith.constant 0 : index
        %get3A_421 = tpu.vector_load %arg7[%get3A_418, %get3A_419, %get3A_420] {strides = array<i32>} : memref<2x49x128xf32, #tpu.memory_space<vmem>>, vector<16xf32>,
        tpu.vector_store_idx %arg5[%shift_right_logical3A_414, %broadcast_in_dim3A_5, %and3A_416], %get3A_421 {add = true} : memref<782x1x128xf32, #tpu.memory_space<vmem>>[vector<16xi32>, vector<16xi32>, vector<16xi32>], vector<16xf32>,
        %get3A_422 = arith.constant 0 : i32
        %get3A_423 = arith.index_cast %get3A_422 : i32 to index
        %get3A_424 = arith.index_cast %scan3A_408 : i32 to index
        %get3A_425 = arith.constant 16 : index
        %get3A_426 = tpu.vector_load %arg6[%get3A_423, %get3A_424, %get3A_425] {strides = array<i32>} : memref<2x49x128xi32, #tpu.memory_space<vmem>>, vector<16xi32>,
        %shift_right_logical3A_427 = arith.constant 7 : i32
        %shift_right_logical3A_428 = vector.broadcast %shift_right_logical3A_427 : i32 to vector<16xi32>
        %shift_right_logical3A_429 = arith.shrui %get3A_426, %shift_right_logical3A_428 : vector<16xi32>
        %and3A_430 = arith.constant 127 : i32
        %and3A_431 = vector.broadcast %and3A_430 : i32 to vector<16xi32>
        %and3A_432 = arith.andi %get3A_426, %and3A_431 : vector<16xi32>
        %get3A_433 = arith.constant 0 : i32
        %get3A_434 = arith.index_cast %get3A_433 : i32 to index
        %get3A_435 = arith.index_cast %scan3A_408 : i32 to index
        %get3A_436 = arith.constant 16 : index
        %get3A_437 = tpu.vector_load %arg7[%get3A_434, %get3A_435, %get3A_436] {strides = array<i32>} : memref<2x49x128xf32, #tpu.memory_space<vmem>>, vector<16xf32>,
        tpu.vector_store_idx %arg5[%shift_right_logical3A_429, %broadcast_in_dim3A_5, %and3A_432], %get3A_437 {add = true} : memref<782x1x128xf32, #tpu.memory_space<vmem>>[vector<16xi32>, vector<16xi32>, vector<16xi32>], vector<16xf32>,
        %get3A_438 = arith.constant 0 : i32
        %get3A_439 = arith.index_cast %get3A_438 : i32 to index
        %get3A_440 = arith.index_cast %scan3A_408 : i32 to index
        %get3A_441 = arith.constant 32 : index
        %get3A_442 = tpu.vector_load %arg6[%get3A_439, %get3A_440, %get3A_441] {strides = array<i32>} : memref<2x49x128xi32, #tpu.memory_space<vmem>>, vector<16xi32>,
        %shift_right_logical3A_443 = arith.constant 7 : i32
        %shift_right_logical3A_444 = vector.broadcast %shift_right_logical3A_443 : i32 to vector<16xi32>
        %shift_right_logical3A_445 = arith.shrui %get3A_442, %shift_right_logical3A_444 : vector<16xi32>
        %and3A_446 = arith.constant 127 : i32
        %and3A_447 = vector.broadcast %and3A_446 : i32 to vector<16xi32>
        %and3A_448 = arith.andi %get3A_442, %and3A_447 : vector<16xi32>
        %get3A_449 = arith.constant 0 : i32
        %get3A_450 = arith.index_cast %get3A_449 : i32 to index
        %get3A_451 = arith.index_cast %scan3A_408 : i32 to index
        %get3A_452 = arith.constant 32 : index
        %get3A_453 = tpu.vector_load %arg7[%get3A_450, %get3A_451, %get3A_452] {strides = array<i32>} : memref<2x49x128xf32, #tpu.memory_space<vmem>>, vector<16xf32>,
        tpu.vector_store_idx %arg5[%shift_right_logical3A_445, %broadcast_in_dim3A_5, %and3A_448], %get3A_453 {add = true} : memref<782x1x128xf32, #tpu.memory_space<vmem>>[vector<16xi32>, vector<16xi32>, vector<16xi32>], vector<16xf32>,
        %get3A_454 = arith.constant 0 : i32
        %get3A_455 = arith.index_cast %get3A_454 : i32 to index
        %get3A_456 = arith.index_cast %scan3A_408 : i32 to index
        %get3A_457 = arith.constant 48 : index
        %get3A_458 = tpu.vector_load %arg6[%get3A_455, %get3A_456, %get3A_457] {strides = array<i32>} : memref<2x49x128xi32, #tpu.memory_space<vmem>>, vector<16xi32>,
        %shift_right_logical3A_459 = arith.constant 7 : i32
        %shift_right_logical3A_460 = vector.broadcast %shift_right_logical3A_459 : i32 to vector<16xi32>
        %shift_right_logical3A_461 = arith.shrui %get3A_458, %shift_right_logical3A_460 : vector<16xi32>
        %and3A_462 = arith.constant 127 : i32
        %and3A_463 = vector.broadcast %and3A_462 : i32 to vector<16xi32>
        %and3A_464 = arith.andi %get3A_458, %and3A_463 : vector<16xi32>
        %get3A_465 = arith.constant 0 : i32
        %get3A_466 = arith.index_cast %get3A_465 : i32 to index
        %get3A_467 = arith.index_cast %scan3A_408 : i32 to index
        %get3A_468 = arith.constant 48 : index
        %get3A_469 = tpu.vector_load %arg7[%get3A_466, %get3A_467, %get3A_468] {strides = array<i32>} : memref<2x49x128xf32, #tpu.memory_space<vmem>>, vector<16xf32>,
        tpu.vector_store_idx %arg5[%shift_right_logical3A_461, %broadcast_in_dim3A_5, %and3A_464], %get3A_469 {add = true} : memref<782x1x128xf32, #tpu.memory_space<vmem>>[vector<16xi32>, vector<16xi32>, vector<16xi32>], vector<16xf32>,
        %get3A_470 = arith.constant 0 : i32
        %get3A_471 = arith.index_cast %get3A_470 : i32 to index
        %get3A_472 = arith.index_cast %scan3A_408 : i32 to index
        %get3A_473 = arith.constant 64 : index
        %get3A_474 = tpu.vector_load %arg6[%get3A_471, %get3A_472, %get3A_473] {strides = array<i32>} : memref<2x49x128xi32, #tpu.memory_space<vmem>>, vector<16xi32>,
        %shift_right_logical3A_475 = arith.constant 7 : i32
        %shift_right_logical3A_476 = vector.broadcast %shift_right_logical3A_475 : i32 to vector<16xi32>
        %shift_right_logical3A_477 = arith.shrui %get3A_474, %shift_right_logical3A_476 : vector<16xi32>
        %and3A_478 = arith.constant 127 : i32
        %and3A_479 = vector.broadcast %and3A_478 : i32 to vector<16xi32>
        %and3A_480 = arith.andi %get3A_474, %and3A_479 : vector<16xi32>
        %get3A_481 = arith.constant 0 : i32
        %get3A_482 = arith.index_cast %get3A_481 : i32 to index
        %get3A_483 = arith.index_cast %scan3A_408 : i32 to index
        %get3A_484 = arith.constant 64 : index
        %get3A_485 = tpu.vector_load %arg7[%get3A_482, %get3A_483, %get3A_484] {strides = array<i32>} : memref<2x49x128xf32, #tpu.memory_space<vmem>>, vector<16xf32>,
        tpu.vector_store_idx %arg5[%shift_right_logical3A_477, %broadcast_in_dim3A_5, %and3A_480], %get3A_485 {add = true} : memref<782x1x128xf32, #tpu.memory_space<vmem>>[vector<16xi32>, vector<16xi32>, vector<16xi32>], vector<16xf32>,
        %get3A_486 = arith.constant 0 : i32
        %get3A_487 = arith.index_cast %get3A_486 : i32 to index
        %get3A_488 = arith.index_cast %scan3A_408 : i32 to index
        %get3A_489 = arith.constant 80 : index
        %get3A_490 = tpu.vector_load %arg6[%get3A_487, %get3A_488, %get3A_489] {strides = array<i32>} : memref<2x49x128xi32, #tpu.memory_space<vmem>>, vector<16xi32>,
        %shift_right_logical3A_491 = arith.constant 7 : i32
        %shift_right_logical3A_492 = vector.broadcast %shift_right_logical3A_491 : i32 to vector<16xi32>
        %shift_right_logical3A_493 = arith.shrui %get3A_490, %shift_right_logical3A_492 : vector<16xi32>
        %and3A_494 = arith.constant 127 : i32
        %and3A_495 = vector.broadcast %and3A_494 : i32 to vector<16xi32>
        %and3A_496 = arith.andi %get3A_490, %and3A_495 : vector<16xi32>
        %get3A_497 = arith.constant 0 : i32
        %get3A_498 = arith.index_cast %get3A_497 : i32 to index
        %get3A_499 = arith.index_cast %scan3A_408 : i32 to index
        %get3A_500 = arith.constant 80 : index
        %get3A_501 = tpu.vector_load %arg7[%get3A_498, %get3A_499, %get3A_500] {strides = array<i32>} : memref<2x49x128xf32, #tpu.memory_space<vmem>>, vector<16xf32>,
        tpu.vector_store_idx %arg5[%shift_right_logical3A_493, %broadcast_in_dim3A_5, %and3A_496], %get3A_501 {add = true} : memref<782x1x128xf32, #tpu.memory_space<vmem>>[vector<16xi32>, vector<16xi32>, vector<16xi32>], vector<16xf32>,
        %get3A_502 = arith.constant 0 : i32
        %get3A_503 = arith.index_cast %get3A_502 : i32 to index
        %get3A_504 = arith.index_cast %scan3A_408 : i32 to index
        %get3A_505 = arith.constant 96 : index
        %get3A_506 = tpu.vector_load %arg6[%get3A_503, %get3A_504, %get3A_505] {strides = array<i32>} : memref<2x49x128xi32, #tpu.memory_space<vmem>>, vector<16xi32>,
        %shift_right_logical3A_507 = arith.constant 7 : i32
        %shift_right_logical3A_508 = vector.broadcast %shift_right_logical3A_507 : i32 to vector<16xi32>
        %shift_right_logical3A_509 = arith.shrui %get3A_506, %shift_right_logical3A_508 : vector<16xi32>
        %and3A_510 = arith.constant 127 : i32
        %and3A_511 = vector.broadcast %and3A_510 : i32 to vector<16xi32>
        %and3A_512 = arith.andi %get3A_506, %and3A_511 : vector<16xi32>
        %get3A_513 = arith.constant 0 : i32
        %get3A_514 = arith.index_cast %get3A_513 : i32 to index
        %get3A_515 = arith.index_cast %scan3A_408 : i32 to index
        %get3A_516 = arith.constant 96 : index
        %get3A_517 = tpu.vector_load %arg7[%get3A_514, %get3A_515, %get3A_516] {strides = array<i32>} : memref<2x49x128xf32, #tpu.memory_space<vmem>>, vector<16xf32>,
        tpu.vector_store_idx %arg5[%shift_right_logical3A_509, %broadcast_in_dim3A_5, %and3A_512], %get3A_517 {add = true} : memref<782x1x128xf32, #tpu.memory_space<vmem>>[vector<16xi32>, vector<16xi32>, vector<16xi32>], vector<16xf32>,
        %get3A_518 = arith.constant 0 : i32
        %get3A_519 = arith.index_cast %get3A_518 : i32 to index
        %get3A_520 = arith.index_cast %scan3A_408 : i32 to index
        %get3A_521 = arith.constant 112 : index
        %get3A_522 = tpu.vector_load %arg6[%get3A_519, %get3A_520, %get3A_521] {strides = array<i32>} : memref<2x49x128xi32, #tpu.memory_space<vmem>>, vector<16xi32>,
        %shift_right_logical3A_523 = arith.constant 7 : i32
        %shift_right_logical3A_524 = vector.broadcast %shift_right_logical3A_523 : i32 to vector<16xi32>
        %shift_right_logical3A_525 = arith.shrui %get3A_522, %shift_right_logical3A_524 : vector<16xi32>
        %and3A_526 = arith.constant 127 : i32
        %and3A_527 = vector.broadcast %and3A_526 : i32 to vector<16xi32>
        %and3A_528 = arith.andi %get3A_522, %and3A_527 : vector<16xi32>
        %get3A_529 = arith.constant 0 : i32
        %get3A_530 = arith.index_cast %get3A_529 : i32 to index
        %get3A_531 = arith.index_cast %scan3A_408 : i32 to index
        %get3A_532 = arith.constant 112 : index
        %get3A_533 = tpu.vector_load %arg7[%get3A_530, %get3A_531, %get3A_532] {strides = array<i32>} : memref<2x49x128xf32, #tpu.memory_space<vmem>>, vector<16xf32>,
        tpu.vector_store_idx %arg5[%shift_right_logical3A_525, %broadcast_in_dim3A_5, %and3A_528], %get3A_533 {add = true} : memref<782x1x128xf32, #tpu.memory_space<vmem>>[vector<16xi32>, vector<16xi32>, vector<16xi32>], vector<16xf32>,
      }
      %scan3A_347 = arith.constant 49 : i32
      %add3A_348 = arith.constant 2 : i32
      %add3A_349 = arith.addi %add3A_306, %add3A_348 : i32
      %lt3A_350 = arith.constant 48 : i32
      %lt3A_351 = arith.cmpi slt, %add3A_349, %lt3A_350 : i32
      %convert_element_type3A_352 = arith.extui %lt3A_351 : i1 to i32
      %cond3A_353 = arith.constant 0 : i32
      %cond3A_354 = arith.cmpi ne, %convert_element_type3A_352, %cond3A_353 : i32
      scf.if %cond3A_354 {
        %shift_right_logical3A = arith.constant 3 : i32
        %shift_right_logical3A_408 = arith.shrui %add3A_349, %shift_right_logical3A : i32
        %and3A = arith.constant 7 : i32
        %and3A_409 = arith.andi %add3A_349, %and3A : i32
        %mul3A_410 = arith.constant 392 : i32
        %mul3A_411 = arith.muli %shift_right_logical3A_408, %mul3A_410 : i32
        %mul3A_412 = arith.constant 49 : i32
        %mul3A_413 = arith.muli %and3A_409, %mul3A_412 : i32
        %add3A_414 = arith.addi %mul3A_411, %mul3A_413 : i32
        %dma_start3A_415 = arith.constant 0 : i32
        %dma_start3A_416 = arith.constant 0 : i32
        %dma_start3A_417 = arith.constant 0 : i32
        %dma_start3A_418 = arith.constant 0 : i32
        %dma_start3A_419 = tpu.memref_slice %arg6[%dma_start3A_415, %dma_start3A_417, %dma_start3A_418] : memref<2x49x128xi32, #tpu.memory_space<vmem>> -> memref<1x49x128xi32, #tpu.memory_space<vmem>>
        %dma_start3A_420 = tpu.memref_squeeze %dma_start3A_419 : memref<1x49x128xi32, #tpu.memory_space<vmem>> -> memref<49x128xi32, #tpu.memory_space<vmem>>
        %dma_start3A_421 = arith.constant 0 : i32
        %dma_start3A_422 = tpu.memref_slice %arg3[%add3A_414, %dma_start3A_421] : memref<2352x128xi32, #tpu.memory_space<hbm>> -> memref<49x128xi32, #tpu.memory_space<hbm>>
        %dma_start3A_423 = tpu.memref_slice %arg8[%dma_start3A_416] : memref<4x!tpu.dma_semaphore, #tpu.memory_space<semaphore_mem>> -> memref<1x!tpu.dma_semaphore, #tpu.memory_space<semaphore_mem>>
        %dma_start3A_424 = tpu.memref_squeeze %dma_start3A_423 : memref<1x!tpu.dma_semaphore, #tpu.memory_space<semaphore_mem>> -> memref<!tpu.dma_semaphore, #tpu.memory_space<semaphore_mem>>
        %dma_start3A_425 = arith.constant 0 : i32
        %dma_start3A_426 = arith.constant 0 : i32
        %dma_start3A_427 = tpu.memref_slice %arg6[%dma_start3A_415, %dma_start3A_425, %dma_start3A_426] : memref<2x49x128xi32, #tpu.memory_space<vmem>> -> memref<1x49x128xi32, #tpu.memory_space<vmem>>
        %dma_start3A_428 = tpu.memref_squeeze %dma_start3A_427 : memref<1x49x128xi32, #tpu.memory_space<vmem>> -> memref<49x128xi32, #tpu.memory_space<vmem>>
        %dma_start3A_429 = arith.constant 0 : i32
        %dma_start3A_430 = tpu.memref_slice %arg3[%add3A_414, %dma_start3A_429] : memref<2352x128xi32, #tpu.memory_space<hbm>> -> memref<49x128xi32, #tpu.memory_space<hbm>>
        tpu.enqueue_dma source(%dma_start3A_430 : memref<49x128xi32, #tpu.memory_space<hbm>>) target(%dma_start3A_428 : memref<49x128xi32, #tpu.memory_space<vmem>>) target_semaphore(%dma_start3A_424 : memref<!tpu.dma_semaphore, #tpu.memory_space<semaphore_mem>>)
        %mul3A_431 = arith.constant 96 : i32
        %mul3A_432 = arith.muli %shift_right_logical3A_408, %mul3A_431 : i32
        %add3A_433 = arith.addi %mul3A_432, %add3A_213 : i32
        %mul3A_434 = arith.constant 392 : i32
        %mul3A_435 = arith.muli %add3A_433, %mul3A_434 : i32
        %mul3A_436 = arith.constant 49 : i32
        %mul3A_437 = arith.muli %and3A_409, %mul3A_436 : i32
        %add3A_438 = arith.addi %mul3A_435, %mul3A_437 : i32
        %dma_start3A_439 = arith.constant 0 : i32
        %dma_start3A_440 = arith.constant 2 : i32
        %dma_start3A_441 = arith.constant 0 : i32
        %dma_start3A_442 = arith.constant 0 : i32
        %dma_start3A_443 = tpu.memref_slice %arg7[%dma_start3A_439, %dma_start3A_441, %dma_start3A_442] : memref<2x49x128xf32, #tpu.memory_space<vmem>> -> memref<1x49x128xf32, #tpu.memory_space<vmem>>
        %dma_start3A_444 = tpu.memref_squeeze %dma_start3A_443 : memref<1x49x128xf32, #tpu.memory_space<vmem>> -> memref<49x128xf32, #tpu.memory_space<vmem>>
        %dma_start3A_445 = arith.constant 0 : i32
        %dma_start3A_446 = tpu.memref_slice %arg2[%add3A_438, %dma_start3A_445] : memref<225792x128xf32, #tpu.memory_space<hbm>> -> memref<49x128xf32, #tpu.memory_space<hbm>>
        %dma_start3A_447 = tpu.memref_slice %arg8[%dma_start3A_440] : memref<4x!tpu.dma_semaphore, #tpu.memory_space<semaphore_mem>> -> memref<1x!tpu.dma_semaphore, #tpu.memory_space<semaphore_mem>>
        %dma_start3A_448 = tpu.memref_squeeze %dma_start3A_447 : memref<1x!tpu.dma_semaphore, #tpu.memory_space<semaphore_mem>> -> memref<!tpu.dma_semaphore, #tpu.memory_space<semaphore_mem>>
        %dma_start3A_449 = arith.constant 0 : i32
        %dma_start3A_450 = arith.constant 0 : i32
        %dma_start3A_451 = tpu.memref_slice %arg7[%dma_start3A_439, %dma_start3A_449, %dma_start3A_450] : memref<2x49x128xf32, #tpu.memory_space<vmem>> -> memref<1x49x128xf32, #tpu.memory_space<vmem>>
        %dma_start3A_452 = tpu.memref_squeeze %dma_start3A_451 : memref<1x49x128xf32, #tpu.memory_space<vmem>> -> memref<49x128xf32, #tpu.memory_space<vmem>>
        %dma_start3A_453 = arith.constant 0 : i32
        %dma_start3A_454 = tpu.memref_slice %arg2[%add3A_438, %dma_start3A_453] : memref<225792x128xf32, #tpu.memory_space<hbm>> -> memref<49x128xf32, #tpu.memory_space<hbm>>
        tpu.enqueue_dma source(%dma_start3A_454 : memref<49x128xf32, #tpu.memory_space<hbm>>) target(%dma_start3A_452 : memref<49x128xf32, #tpu.memory_space<vmem>>) target_semaphore(%dma_start3A_448 : memref<!tpu.dma_semaphore, #tpu.memory_space<semaphore_mem>>)
      } else {
      }
      %mul3A_355 = arith.constant 2 : i32
      %mul3A_356 = arith.muli %mul3A_355, %scan3A_302 : i32
      %add3A_357 = arith.constant 1 : i32
      %add3A_358 = arith.addi %mul3A_356, %add3A_357 : i32
      %dma_wait3A_359 = arith.constant 1 : i32
      %dma_wait3A_360 = arith.constant 1 : i32
      %dma_wait3A_361 = arith.constant 0 : i32
      %dma_wait3A_362 = arith.constant 0 : i32
      %dma_wait3A_363 = tpu.memref_slice %arg6[%dma_wait3A_359, %dma_wait3A_361, %dma_wait3A_362] : memref<2x49x128xi32, #tpu.memory_space<vmem>> -> memref<1x49x128xi32, #tpu.memory_space<vmem>>
      %dma_wait3A_364 = tpu.memref_squeeze %dma_wait3A_363 : memref<1x49x128xi32, #tpu.memory_space<vmem>> -> memref<49x128xi32, #tpu.memory_space<vmem>>
      %dma_wait3A_365 = arith.constant 0 : i32
      %dma_wait3A_366 = arith.constant 0 : i32
      %dma_wait3A_367 = tpu.memref_slice %arg3[%dma_wait3A_365, %dma_wait3A_366] : memref<2352x128xi32, #tpu.memory_space<hbm>> -> memref<49x128xi32, #tpu.memory_space<hbm>>
      %dma_wait3A_368 = tpu.memref_slice %arg8[%dma_wait3A_360] : memref<4x!tpu.dma_semaphore, #tpu.memory_space<semaphore_mem>> -> memref<1x!tpu.dma_semaphore, #tpu.memory_space<semaphore_mem>>
      %dma_wait3A_369 = tpu.memref_squeeze %dma_wait3A_368 : memref<1x!tpu.dma_semaphore, #tpu.memory_space<semaphore_mem>> -> memref<!tpu.dma_semaphore, #tpu.memory_space<semaphore_mem>>
      %dma_wait3A_370 = arith.constant 0 : i32
      %dma_wait3A_371 = arith.constant 0 : i32
      %dma_wait3A_372 = tpu.memref_slice %arg6[%dma_wait3A_359, %dma_wait3A_370, %dma_wait3A_371] : memref<2x49x128xi32, #tpu.memory_space<vmem>> -> memref<1x49x128xi32, #tpu.memory_space<vmem>>
      %dma_wait3A_373 = tpu.memref_squeeze %dma_wait3A_372 : memref<1x49x128xi32, #tpu.memory_space<vmem>> -> memref<49x128xi32, #tpu.memory_space<vmem>>
      %dma_wait3A_374 = arith.constant 0 : i32
      %dma_wait3A_375 = arith.constant 0 : i32
      %dma_wait3A_376 = tpu.memref_slice %arg3[%dma_wait3A_374, %dma_wait3A_375] : memref<2352x128xi32, #tpu.memory_space<hbm>> -> memref<49x128xi32, #tpu.memory_space<hbm>>
      tpu.wait_dma2 semaphore(%dma_wait3A_369 : memref<!tpu.dma_semaphore, #tpu.memory_space<semaphore_mem>>) src(%dma_wait3A_376 : memref<49x128xi32, #tpu.memory_space<hbm>>) dst(%dma_wait3A_373 : memref<49x128xi32, #tpu.memory_space<vmem>>)
      %dma_wait3A_377 = arith.constant 1 : i32
      %dma_wait3A_378 = arith.constant 3 : i32
      %dma_wait3A_379 = arith.constant 0 : i32
      %dma_wait3A_380 = arith.constant 0 : i32
      %dma_wait3A_381 = tpu.memref_slice %arg7[%dma_wait3A_377, %dma_wait3A_379, %dma_wait3A_380] : memref<2x49x128xf32, #tpu.memory_space<vmem>> -> memref<1x49x128xf32, #tpu.memory_space<vmem>>
      %dma_wait3A_382 = tpu.memref_squeeze %dma_wait3A_381 : memref<1x49x128xf32, #tpu.memory_space<vmem>> -> memref<49x128xf32, #tpu.memory_space<vmem>>
      %dma_wait3A_383 = arith.constant 0 : i32
      %dma_wait3A_384 = arith.constant 0 : i32
      %dma_wait3A_385 = tpu.memref_slice %arg2[%dma_wait3A_383, %dma_wait3A_384] : memref<225792x128xf32, #tpu.memory_space<hbm>> -> memref<49x128xf32, #tpu.memory_space<hbm>>
      %dma_wait3A_386 = tpu.memref_slice %arg8[%dma_wait3A_378] : memref<4x!tpu.dma_semaphore, #tpu.memory_space<semaphore_mem>> -> memref<1x!tpu.dma_semaphore, #tpu.memory_space<semaphore_mem>>
      %dma_wait3A_387 = tpu.memref_squeeze %dma_wait3A_386 : memref<1x!tpu.dma_semaphore, #tpu.memory_space<semaphore_mem>> -> memref<!tpu.dma_semaphore, #tpu.memory_space<semaphore_mem>>
      %dma_wait3A_388 = arith.constant 0 : i32
      %dma_wait3A_389 = arith.constant 0 : i32
      %dma_wait3A_390 = tpu.memref_slice %arg7[%dma_wait3A_377, %dma_wait3A_388, %dma_wait3A_389] : memref<2x49x128xf32, #tpu.memory_space<vmem>> -> memref<1x49x128xf32, #tpu.memory_space<vmem>>
      %dma_wait3A_391 = tpu.memref_squeeze %dma_wait3A_390 : memref<1x49x128xf32, #tpu.memory_space<vmem>> -> memref<49x128xf32, #tpu.memory_space<vmem>>
      %dma_wait3A_392 = arith.constant 0 : i32
      %dma_wait3A_393 = arith.constant 0 : i32
      %dma_wait3A_394 = tpu.memref_slice %arg2[%dma_wait3A_392, %dma_wait3A_393] : memref<225792x128xf32, #tpu.memory_space<hbm>> -> memref<49x128xf32, #tpu.memory_space<hbm>>
      tpu.wait_dma2 semaphore(%dma_wait3A_387 : memref<!tpu.dma_semaphore, #tpu.memory_space<semaphore_mem>>) src(%dma_wait3A_394 : memref<49x128xf32, #tpu.memory_space<hbm>>) dst(%dma_wait3A_391 : memref<49x128xf32, #tpu.memory_space<vmem>>)
      %scan3A_395 = arith.constant 0 : i32
      %scan3A_396 = arith.constant 0 : i32
      %scan3A_397 = arith.constant 49 : i32
      %scan3A_398 = arith.addi %scan3A_396, %scan3A_397 : i32
      %scan3A_399 = arith.constant 1 : i32
      scf.for %scan3A_408 = %scan3A_396 to %scan3A_398 step %scan3A_399  : i32 {
        %get3A = arith.constant 1 : i32
        %get3A_409 = arith.index_cast %get3A : i32 to index
        %get3A_410 = arith.index_cast %scan3A_408 : i32 to index
        %get3A_411 = arith.constant 0 : index
        %get3A_412 = tpu.vector_load %arg6[%get3A_409, %get3A_410, %get3A_411] {strides = array<i32>} : memref<2x49x128xi32, #tpu.memory_space<vmem>>, vector<16xi32>,
        %shift_right_logical3A = arith.constant 7 : i32
        %shift_right_logical3A_413 = vector.broadcast %shift_right_logical3A : i32 to vector<16xi32>
        %shift_right_logical3A_414 = arith.shrui %get3A_412, %shift_right_logical3A_413 : vector<16xi32>
        %and3A = arith.constant 127 : i32
        %and3A_415 = vector.broadcast %and3A : i32 to vector<16xi32>
        %and3A_416 = arith.andi %get3A_412, %and3A_415 : vector<16xi32>
        %get3A_417 = arith.constant 1 : i32
        %get3A_418 = arith.index_cast %get3A_417 : i32 to index
        %get3A_419 = arith.index_cast %scan3A_408 : i32 to index
        %get3A_420 = arith.constant 0 : index
        %get3A_421 = tpu.vector_load %arg7[%get3A_418, %get3A_419, %get3A_420] {strides = array<i32>} : memref<2x49x128xf32, #tpu.memory_space<vmem>>, vector<16xf32>,
        tpu.vector_store_idx %arg5[%shift_right_logical3A_414, %broadcast_in_dim3A_5, %and3A_416], %get3A_421 {add = true} : memref<782x1x128xf32, #tpu.memory_space<vmem>>[vector<16xi32>, vector<16xi32>, vector<16xi32>], vector<16xf32>,
        %get3A_422 = arith.constant 1 : i32
        %get3A_423 = arith.index_cast %get3A_422 : i32 to index
        %get3A_424 = arith.index_cast %scan3A_408 : i32 to index
        %get3A_425 = arith.constant 16 : index
        %get3A_426 = tpu.vector_load %arg6[%get3A_423, %get3A_424, %get3A_425] {strides = array<i32>} : memref<2x49x128xi32, #tpu.memory_space<vmem>>, vector<16xi32>,
        %shift_right_logical3A_427 = arith.constant 7 : i32
        %shift_right_logical3A_428 = vector.broadcast %shift_right_logical3A_427 : i32 to vector<16xi32>
        %shift_right_logical3A_429 = arith.shrui %get3A_426, %shift_right_logical3A_428 : vector<16xi32>
        %and3A_430 = arith.constant 127 : i32
        %and3A_431 = vector.broadcast %and3A_430 : i32 to vector<16xi32>
        %and3A_432 = arith.andi %get3A_426, %and3A_431 : vector<16xi32>
        %get3A_433 = arith.constant 1 : i32
        %get3A_434 = arith.index_cast %get3A_433 : i32 to index
        %get3A_435 = arith.index_cast %scan3A_408 : i32 to index
        %get3A_436 = arith.constant 16 : index
        %get3A_437 = tpu.vector_load %arg7[%get3A_434, %get3A_435, %get3A_436] {strides = array<i32>} : memref<2x49x128xf32, #tpu.memory_space<vmem>>, vector<16xf32>,
        tpu.vector_store_idx %arg5[%shift_right_logical3A_429, %broadcast_in_dim3A_5, %and3A_432], %get3A_437 {add = true} : memref<782x1x128xf32, #tpu.memory_space<vmem>>[vector<16xi32>, vector<16xi32>, vector<16xi32>], vector<16xf32>,
        %get3A_438 = arith.constant 1 : i32
        %get3A_439 = arith.index_cast %get3A_438 : i32 to index
        %get3A_440 = arith.index_cast %scan3A_408 : i32 to index
        %get3A_441 = arith.constant 32 : index
        %get3A_442 = tpu.vector_load %arg6[%get3A_439, %get3A_440, %get3A_441] {strides = array<i32>} : memref<2x49x128xi32, #tpu.memory_space<vmem>>, vector<16xi32>,
        %shift_right_logical3A_443 = arith.constant 7 : i32
        %shift_right_logical3A_444 = vector.broadcast %shift_right_logical3A_443 : i32 to vector<16xi32>
        %shift_right_logical3A_445 = arith.shrui %get3A_442, %shift_right_logical3A_444 : vector<16xi32>
        %and3A_446 = arith.constant 127 : i32
        %and3A_447 = vector.broadcast %and3A_446 : i32 to vector<16xi32>
        %and3A_448 = arith.andi %get3A_442, %and3A_447 : vector<16xi32>
        %get3A_449 = arith.constant 1 : i32
        %get3A_450 = arith.index_cast %get3A_449 : i32 to index
        %get3A_451 = arith.index_cast %scan3A_408 : i32 to index
        %get3A_452 = arith.constant 32 : index
        %get3A_453 = tpu.vector_load %arg7[%get3A_450, %get3A_451, %get3A_452] {strides = array<i32>} : memref<2x49x128xf32, #tpu.memory_space<vmem>>, vector<16xf32>,
        tpu.vector_store_idx %arg5[%shift_right_logical3A_445, %broadcast_in_dim3A_5, %and3A_448], %get3A_453 {add = true} : memref<782x1x128xf32, #tpu.memory_space<vmem>>[vector<16xi32>, vector<16xi32>, vector<16xi32>], vector<16xf32>,
        %get3A_454 = arith.constant 1 : i32
        %get3A_455 = arith.index_cast %get3A_454 : i32 to index
        %get3A_456 = arith.index_cast %scan3A_408 : i32 to index
        %get3A_457 = arith.constant 48 : index
        %get3A_458 = tpu.vector_load %arg6[%get3A_455, %get3A_456, %get3A_457] {strides = array<i32>} : memref<2x49x128xi32, #tpu.memory_space<vmem>>, vector<16xi32>,
        %shift_right_logical3A_459 = arith.constant 7 : i32
        %shift_right_logical3A_460 = vector.broadcast %shift_right_logical3A_459 : i32 to vector<16xi32>
        %shift_right_logical3A_461 = arith.shrui %get3A_458, %shift_right_logical3A_460 : vector<16xi32>
        %and3A_462 = arith.constant 127 : i32
        %and3A_463 = vector.broadcast %and3A_462 : i32 to vector<16xi32>
        %and3A_464 = arith.andi %get3A_458, %and3A_463 : vector<16xi32>
        %get3A_465 = arith.constant 1 : i32
        %get3A_466 = arith.index_cast %get3A_465 : i32 to index
        %get3A_467 = arith.index_cast %scan3A_408 : i32 to index
        %get3A_468 = arith.constant 48 : index
        %get3A_469 = tpu.vector_load %arg7[%get3A_466, %get3A_467, %get3A_468] {strides = array<i32>} : memref<2x49x128xf32, #tpu.memory_space<vmem>>, vector<16xf32>,
        tpu.vector_store_idx %arg5[%shift_right_logical3A_461, %broadcast_in_dim3A_5, %and3A_464], %get3A_469 {add = true} : memref<782x1x128xf32, #tpu.memory_space<vmem>>[vector<16xi32>, vector<16xi32>, vector<16xi32>], vector<16xf32>,
        %get3A_470 = arith.constant 1 : i32
        %get3A_471 = arith.index_cast %get3A_470 : i32 to index
        %get3A_472 = arith.index_cast %scan3A_408 : i32 to index
        %get3A_473 = arith.constant 64 : index
        %get3A_474 = tpu.vector_load %arg6[%get3A_471, %get3A_472, %get3A_473] {strides = array<i32>} : memref<2x49x128xi32, #tpu.memory_space<vmem>>, vector<16xi32>,
        %shift_right_logical3A_475 = arith.constant 7 : i32
        %shift_right_logical3A_476 = vector.broadcast %shift_right_logical3A_475 : i32 to vector<16xi32>
        %shift_right_logical3A_477 = arith.shrui %get3A_474, %shift_right_logical3A_476 : vector<16xi32>
        %and3A_478 = arith.constant 127 : i32
        %and3A_479 = vector.broadcast %and3A_478 : i32 to vector<16xi32>
        %and3A_480 = arith.andi %get3A_474, %and3A_479 : vector<16xi32>
        %get3A_481 = arith.constant 1 : i32
        %get3A_482 = arith.index_cast %get3A_481 : i32 to index
        %get3A_483 = arith.index_cast %scan3A_408 : i32 to index
        %get3A_484 = arith.constant 64 : index
        %get3A_485 = tpu.vector_load %arg7[%get3A_482, %get3A_483, %get3A_484] {strides = array<i32>} : memref<2x49x128xf32, #tpu.memory_space<vmem>>, vector<16xf32>,
        tpu.vector_store_idx %arg5[%shift_right_logical3A_477, %broadcast_in_dim3A_5, %and3A_480], %get3A_485 {add = true} : memref<782x1x128xf32, #tpu.memory_space<vmem>>[vector<16xi32>, vector<16xi32>, vector<16xi32>], vector<16xf32>,
        %get3A_486 = arith.constant 1 : i32
        %get3A_487 = arith.index_cast %get3A_486 : i32 to index
        %get3A_488 = arith.index_cast %scan3A_408 : i32 to index
        %get3A_489 = arith.constant 80 : index
        %get3A_490 = tpu.vector_load %arg6[%get3A_487, %get3A_488, %get3A_489] {strides = array<i32>} : memref<2x49x128xi32, #tpu.memory_space<vmem>>, vector<16xi32>,
        %shift_right_logical3A_491 = arith.constant 7 : i32
        %shift_right_logical3A_492 = vector.broadcast %shift_right_logical3A_491 : i32 to vector<16xi32>
        %shift_right_logical3A_493 = arith.shrui %get3A_490, %shift_right_logical3A_492 : vector<16xi32>
        %and3A_494 = arith.constant 127 : i32
        %and3A_495 = vector.broadcast %and3A_494 : i32 to vector<16xi32>
        %and3A_496 = arith.andi %get3A_490, %and3A_495 : vector<16xi32>
        %get3A_497 = arith.constant 1 : i32
        %get3A_498 = arith.index_cast %get3A_497 : i32 to index
        %get3A_499 = arith.index_cast %scan3A_408 : i32 to index
        %get3A_500 = arith.constant 80 : index
        %get3A_501 = tpu.vector_load %arg7[%get3A_498, %get3A_499, %get3A_500] {strides = array<i32>} : memref<2x49x128xf32, #tpu.memory_space<vmem>>, vector<16xf32>,
        tpu.vector_store_idx %arg5[%shift_right_logical3A_493, %broadcast_in_dim3A_5, %and3A_496], %get3A_501 {add = true} : memref<782x1x128xf32, #tpu.memory_space<vmem>>[vector<16xi32>, vector<16xi32>, vector<16xi32>], vector<16xf32>,
        %get3A_502 = arith.constant 1 : i32
        %get3A_503 = arith.index_cast %get3A_502 : i32 to index
        %get3A_504 = arith.index_cast %scan3A_408 : i32 to index
        %get3A_505 = arith.constant 96 : index
        %get3A_506 = tpu.vector_load %arg6[%get3A_503, %get3A_504, %get3A_505] {strides = array<i32>} : memref<2x49x128xi32, #tpu.memory_space<vmem>>, vector<16xi32>,
        %shift_right_logical3A_507 = arith.constant 7 : i32
        %shift_right_logical3A_508 = vector.broadcast %shift_right_logical3A_507 : i32 to vector<16xi32>
        %shift_right_logical3A_509 = arith.shrui %get3A_506, %shift_right_logical3A_508 : vector<16xi32>
        %and3A_510 = arith.constant 127 : i32
        %and3A_511 = vector.broadcast %and3A_510 : i32 to vector<16xi32>
        %and3A_512 = arith.andi %get3A_506, %and3A_511 : vector<16xi32>
        %get3A_513 = arith.constant 1 : i32
        %get3A_514 = arith.index_cast %get3A_513 : i32 to index
        %get3A_515 = arith.index_cast %scan3A_408 : i32 to index
        %get3A_516 = arith.constant 96 : index
        %get3A_517 = tpu.vector_load %arg7[%get3A_514, %get3A_515, %get3A_516] {strides = array<i32>} : memref<2x49x128xf32, #tpu.memory_space<vmem>>, vector<16xf32>,
        tpu.vector_store_idx %arg5[%shift_right_logical3A_509, %broadcast_in_dim3A_5, %and3A_512], %get3A_517 {add = true} : memref<782x1x128xf32, #tpu.memory_space<vmem>>[vector<16xi32>, vector<16xi32>, vector<16xi32>], vector<16xf32>,
        %get3A_518 = arith.constant 1 : i32
        %get3A_519 = arith.index_cast %get3A_518 : i32 to index
        %get3A_520 = arith.index_cast %scan3A_408 : i32 to index
        %get3A_521 = arith.constant 112 : index
        %get3A_522 = tpu.vector_load %arg6[%get3A_519, %get3A_520, %get3A_521] {strides = array<i32>} : memref<2x49x128xi32, #tpu.memory_space<vmem>>, vector<16xi32>,
        %shift_right_logical3A_523 = arith.constant 7 : i32
        %shift_right_logical3A_524 = vector.broadcast %shift_right_logical3A_523 : i32 to vector<16xi32>
        %shift_right_logical3A_525 = arith.shrui %get3A_522, %shift_right_logical3A_524 : vector<16xi32>
        %and3A_526 = arith.constant 127 : i32
        %and3A_527 = vector.broadcast %and3A_526 : i32 to vector<16xi32>
        %and3A_528 = arith.andi %get3A_522, %and3A_527 : vector<16xi32>
        %get3A_529 = arith.constant 1 : i32
        %get3A_530 = arith.index_cast %get3A_529 : i32 to index
        %get3A_531 = arith.index_cast %scan3A_408 : i32 to index
        %get3A_532 = arith.constant 112 : index
        %get3A_533 = tpu.vector_load %arg7[%get3A_530, %get3A_531, %get3A_532] {strides = array<i32>} : memref<2x49x128xf32, #tpu.memory_space<vmem>>, vector<16xf32>,
        tpu.vector_store_idx %arg5[%shift_right_logical3A_525, %broadcast_in_dim3A_5, %and3A_528], %get3A_533 {add = true} : memref<782x1x128xf32, #tpu.memory_space<vmem>>[vector<16xi32>, vector<16xi32>, vector<16xi32>], vector<16xf32>,
      }
      %scan3A_400 = arith.constant 49 : i32
      %add3A_401 = arith.constant 2 : i32
      %add3A_402 = arith.addi %add3A_358, %add3A_401 : i32
      %lt3A_403 = arith.constant 48 : i32
      %lt3A_404 = arith.cmpi slt, %add3A_402, %lt3A_403 : i32
      %convert_element_type3A_405 = arith.extui %lt3A_404 : i1 to i32
      %cond3A_406 = arith.constant 0 : i32
      %cond3A_407 = arith.cmpi ne, %convert_element_type3A_405, %cond3A_406 : i32
      scf.if %cond3A_407 {
        %shift_right_logical3A = arith.constant 3 : i32
        %shift_right_logical3A_408 = arith.shrui %add3A_402, %shift_right_logical3A : i32
        %and3A = arith.constant 7 : i32
        %and3A_409 = arith.andi %add3A_402, %and3A : i32
        %mul3A_410 = arith.constant 392 : i32
        %mul3A_411 = arith.muli %shift_right_logical3A_408, %mul3A_410 : i32
        %mul3A_412 = arith.constant 49 : i32
        %mul3A_413 = arith.muli %and3A_409, %mul3A_412 : i32
        %add3A_414 = arith.addi %mul3A_411, %mul3A_413 : i32
        %dma_start3A_415 = arith.constant 1 : i32
        %dma_start3A_416 = arith.constant 1 : i32
        %dma_start3A_417 = arith.constant 0 : i32
        %dma_start3A_418 = arith.constant 0 : i32
        %dma_start3A_419 = tpu.memref_slice %arg6[%dma_start3A_415, %dma_start3A_417, %dma_start3A_418] : memref<2x49x128xi32, #tpu.memory_space<vmem>> -> memref<1x49x128xi32, #tpu.memory_space<vmem>>
        %dma_start3A_420 = tpu.memref_squeeze %dma_start3A_419 : memref<1x49x128xi32, #tpu.memory_space<vmem>> -> memref<49x128xi32, #tpu.memory_space<vmem>>
        %dma_start3A_421 = arith.constant 0 : i32
        %dma_start3A_422 = tpu.memref_slice %arg3[%add3A_414, %dma_start3A_421] : memref<2352x128xi32, #tpu.memory_space<hbm>> -> memref<49x128xi32, #tpu.memory_space<hbm>>
        %dma_start3A_423 = tpu.memref_slice %arg8[%dma_start3A_416] : memref<4x!tpu.dma_semaphore, #tpu.memory_space<semaphore_mem>> -> memref<1x!tpu.dma_semaphore, #tpu.memory_space<semaphore_mem>>
        %dma_start3A_424 = tpu.memref_squeeze %dma_start3A_423 : memref<1x!tpu.dma_semaphore, #tpu.memory_space<semaphore_mem>> -> memref<!tpu.dma_semaphore, #tpu.memory_space<semaphore_mem>>
        %dma_start3A_425 = arith.constant 0 : i32
        %dma_start3A_426 = arith.constant 0 : i32
        %dma_start3A_427 = tpu.memref_slice %arg6[%dma_start3A_415, %dma_start3A_425, %dma_start3A_426] : memref<2x49x128xi32, #tpu.memory_space<vmem>> -> memref<1x49x128xi32, #tpu.memory_space<vmem>>
        %dma_start3A_428 = tpu.memref_squeeze %dma_start3A_427 : memref<1x49x128xi32, #tpu.memory_space<vmem>> -> memref<49x128xi32, #tpu.memory_space<vmem>>
        %dma_start3A_429 = arith.constant 0 : i32
        %dma_start3A_430 = tpu.memref_slice %arg3[%add3A_414, %dma_start3A_429] : memref<2352x128xi32, #tpu.memory_space<hbm>> -> memref<49x128xi32, #tpu.memory_space<hbm>>
        tpu.enqueue_dma source(%dma_start3A_430 : memref<49x128xi32, #tpu.memory_space<hbm>>) target(%dma_start3A_428 : memref<49x128xi32, #tpu.memory_space<vmem>>) target_semaphore(%dma_start3A_424 : memref<!tpu.dma_semaphore, #tpu.memory_space<semaphore_mem>>)
        %mul3A_431 = arith.constant 96 : i32
        %mul3A_432 = arith.muli %shift_right_logical3A_408, %mul3A_431 : i32
        %add3A_433 = arith.addi %mul3A_432, %add3A_213 : i32
        %mul3A_434 = arith.constant 392 : i32
        %mul3A_435 = arith.muli %add3A_433, %mul3A_434 : i32
        %mul3A_436 = arith.constant 49 : i32
        %mul3A_437 = arith.muli %and3A_409, %mul3A_436 : i32
        %add3A_438 = arith.addi %mul3A_435, %mul3A_437 : i32
        %dma_start3A_439 = arith.constant 1 : i32
        %dma_start3A_440 = arith.constant 3 : i32
        %dma_start3A_441 = arith.constant 0 : i32
        %dma_start3A_442 = arith.constant 0 : i32
        %dma_start3A_443 = tpu.memref_slice %arg7[%dma_start3A_439, %dma_start3A_441, %dma_start3A_442] : memref<2x49x128xf32, #tpu.memory_space<vmem>> -> memref<1x49x128xf32, #tpu.memory_space<vmem>>
        %dma_start3A_444 = tpu.memref_squeeze %dma_start3A_443 : memref<1x49x128xf32, #tpu.memory_space<vmem>> -> memref<49x128xf32, #tpu.memory_space<vmem>>
        %dma_start3A_445 = arith.constant 0 : i32
        %dma_start3A_446 = tpu.memref_slice %arg2[%add3A_438, %dma_start3A_445] : memref<225792x128xf32, #tpu.memory_space<hbm>> -> memref<49x128xf32, #tpu.memory_space<hbm>>
        %dma_start3A_447 = tpu.memref_slice %arg8[%dma_start3A_440] : memref<4x!tpu.dma_semaphore, #tpu.memory_space<semaphore_mem>> -> memref<1x!tpu.dma_semaphore, #tpu.memory_space<semaphore_mem>>
        %dma_start3A_448 = tpu.memref_squeeze %dma_start3A_447 : memref<1x!tpu.dma_semaphore, #tpu.memory_space<semaphore_mem>> -> memref<!tpu.dma_semaphore, #tpu.memory_space<semaphore_mem>>
        %dma_start3A_449 = arith.constant 0 : i32
        %dma_start3A_450 = arith.constant 0 : i32
        %dma_start3A_451 = tpu.memref_slice %arg7[%dma_start3A_439, %dma_start3A_449, %dma_start3A_450] : memref<2x49x128xf32, #tpu.memory_space<vmem>> -> memref<1x49x128xf32, #tpu.memory_space<vmem>>
        %dma_start3A_452 = tpu.memref_squeeze %dma_start3A_451 : memref<1x49x128xf32, #tpu.memory_space<vmem>> -> memref<49x128xf32, #tpu.memory_space<vmem>>
        %dma_start3A_453 = arith.constant 0 : i32
        %dma_start3A_454 = tpu.memref_slice %arg2[%add3A_438, %dma_start3A_453] : memref<225792x128xf32, #tpu.memory_space<hbm>> -> memref<49x128xf32, #tpu.memory_space<hbm>>
        tpu.enqueue_dma source(%dma_start3A_454 : memref<49x128xf32, #tpu.memory_space<hbm>>) target(%dma_start3A_452 : memref<49x128xf32, #tpu.memory_space<vmem>>) target_semaphore(%dma_start3A_448 : memref<!tpu.dma_semaphore, #tpu.memory_space<semaphore_mem>>)
      } else {
      }
    }
    %scan3A_301 = arith.constant 24 : i32
    "tpu.region"() ({
      %run_scoped3A_302 = tpu.sem_alloc : memref<!tpu.dma_semaphore, #tpu.memory_space<semaphore_mem>>
      %dma_start3A_303 = arith.constant 0 : i32
      %dma_start3A_304 = arith.constant 0 : i32
      %dma_start3A_305 = tpu.memref_slice %arg4[%dma_start3A_303, %add3A_213, %dma_start3A_304] : memref<782x128x128xf32, #tpu.memory_space<hbm>> -> memref<782x1x128xf32, #tpu.memory_space<hbm>>
      %dma_start3A_306 = arith.constant 0 : i32
      %dma_start3A_307 = arith.constant 0 : i32
      %dma_start3A_308 = tpu.memref_slice %arg4[%dma_start3A_306, %add3A_213, %dma_start3A_307] : memref<782x128x128xf32, #tpu.memory_space<hbm>> -> memref<782x1x128xf32, #tpu.memory_space<hbm>>
      tpu.enqueue_dma source(%arg5 : memref<782x1x128xf32, #tpu.memory_space<vmem>>) target(%dma_start3A_308 : memref<782x1x128xf32, #tpu.memory_space<hbm>>) target_semaphore(%run_scoped3A_302 : memref<!tpu.dma_semaphore, #tpu.memory_space<semaphore_mem>>)
      %dma_wait3A = arith.constant 0 : i32
      %dma_wait3A_309 = arith.constant 0 : i32
      %dma_wait3A_310 = tpu.memref_slice %arg4[%dma_wait3A, %add3A_213, %dma_wait3A_309] : memref<782x128x128xf32, #tpu.memory_space<hbm>> -> memref<782x1x128xf32, #tpu.memory_space<hbm>>
      %dma_wait3A_311 = arith.constant 0 : i32
      %dma_wait3A_312 = arith.constant 0 : i32
      %dma_wait3A_313 = tpu.memref_slice %arg4[%dma_wait3A_311, %add3A_213, %dma_wait3A_312] : memref<782x128x128xf32, #tpu.memory_space<hbm>> -> memref<782x1x128xf32, #tpu.memory_space<hbm>>
      tpu.wait_dma2 semaphore(%run_scoped3A_302 : memref<!tpu.dma_semaphore, #tpu.memory_space<semaphore_mem>>) src(%arg5 : memref<782x1x128xf32, #tpu.memory_space<vmem>>) dst(%dma_wait3A_313 : memref<782x1x128xf32, #tpu.memory_space<hbm>>)
      tpu.yield
    }) : () -> ()
    return
  }
}

module attributes {stable_mosaic.version = 14 : i64} {
  func.func @_tc_body(%arg0: i32, %arg1: memref<16x128x128xf32, #tpu.memory_space<vmem>>, %arg2: memref<1x2048x32xf32, #tpu.memory_space<vmem>>, %arg3: memref<128x128xf32, #tpu.memory_space<vmem>>, %arg4: memref<1x128xf32, #tpu.memory_space<vmem>>, %arg5: memref<1x2048x128xf32, #tpu.memory_space<vmem>>) attributes {dimension_semantics = [#tpu.dimension_semantics<arbitrary>], iteration_bounds = array<i64: 49>, scalar_prefetch = 0 : i64, scratch_operands = 0 : i64, tpu.core_type = #tpu.core_type<tc>, window_params = [{transform_indices = @transform_0, window_bounds = array<i64: 16, 128, 128>}, {transform_indices = @transform_1, window_bounds = array<i64: 1, 2048, 32>}, {pipeline_mode = #tpu.pipeline_mode<synchronous>, transform_indices = @transform_2, window_bounds = array<i64: 128, 128>}, {pipeline_mode = #tpu.pipeline_mode<synchronous>, transform_indices = @transform_3, window_bounds = array<i64: 1, 128>}, {transform_indices = @transform_4, window_bounds = array<i64: 1, 2048, 128>}]} {
    %get3A = arith.constant 0 : index
    %get3A_0 = arith.constant 0 : index
    %get3A_1 = vector.load %arg3[%get3A, %get3A_0] : memref<128x128xf32, #tpu.memory_space<vmem>>, vector<128x128xf32>
    %slice3A = vector.extract_strided_slice %get3A_1 {offsets = [0, 0], sizes = [128, 96], strides = [1, 1]} : vector<128x128xf32> to vector<128x96xf32>
    %slice3A_2 = vector.extract_strided_slice %get3A_1 {offsets = [0, 96], sizes = [128, 32], strides = [1, 1]} : vector<128x128xf32> to vector<128x32xf32>
    %get3A_3 = arith.constant 0 : index
    %get3A_4 = arith.constant 0 : index
    %get3A_5 = vector.load %arg4[%get3A_3, %get3A_4] : memref<1x128xf32, #tpu.memory_space<vmem>>, vector<1x128xf32>
    %get3A_6 = arith.constant 0 : index
    %get3A_7 = arith.constant 0 : index
    %get3A_8 = arith.constant 0 : index
    %get3A_9 = vector.load %arg1[%get3A_6, %get3A_7, %get3A_8] : memref<16x128x128xf32, #tpu.memory_space<vmem>>, vector<1x128x128xf32>
    %get3A_10 = vector.shape_cast %get3A_9 : vector<1x128x128xf32> to vector<128x128xf32>
    %slice3A_11 = vector.extract_strided_slice %get3A_10 {offsets = [96, 0], sizes = [32, 128], strides = [1, 1]} : vector<128x128xf32> to vector<32x128xf32>
    %reduce_sum3A = arith.constant dense<0.000000e+00> : vector<128xf32>
    %reduce_sum3A_12 = vector.multi_reduction <add>, %slice3A_11, %reduce_sum3A [0] : vector<32x128xf32> to vector<128xf32>
    %broadcast_in_dim3A = vector.shape_cast %reduce_sum3A_12 : vector<128xf32> to vector<1x128xf32>
    %slice3A_13 = vector.extract_strided_slice %get3A_10 {offsets = [0, 0], sizes = [96, 128], strides = [1, 1]} : vector<128x128xf32> to vector<96x128xf32>
    %max3A = arith.constant 1.000000e+00 : f32
    %max3A_14 = vector.broadcast %max3A : f32 to vector<1x128xf32>
    %max3A_15 = arith.maximumf %broadcast_in_dim3A, %max3A_14 : vector<1x128xf32>
    %div3A = vector.broadcast %max3A_15 : vector<1x128xf32> to vector<96x128xf32>
    %div3A_16 = arith.divf %slice3A_13, %div3A : vector<96x128xf32>
    %dot_general3A = arith.constant dense<0.000000e+00> : vector<128x128xf32>
    %dot_general3A_17 = tpu.matmul %div3A_16, %slice3A, %dot_general3A {dimension_numbers = #tpu.dot_dimension_numbers<[0], [1], [1], [0], [0, 1, 1, 0], [], []>, transpose_lhs_hint = false} : vector<96x128xf32>, vector<128x96xf32>, vector<128x128xf32> -> vector<128x128xf32>
    %get3A_18 = arith.constant 0 : index
    %get3A_19 = arith.constant 0 : index
    %get3A_20 = arith.constant 0 : index
    %get3A_21 = vector.load %arg2[%get3A_18, %get3A_19, %get3A_20] : memref<1x2048x32xf32, #tpu.memory_space<vmem>>, vector<1x128x32xf32>
    %get3A_22 = vector.shape_cast %get3A_21 : vector<1x128x32xf32> to vector<128x32xf32>
    %dot_general3A_23 = arith.constant dense<0.000000e+00> : vector<128x128xf32>
    %dot_general3A_24 = tpu.matmul %get3A_22, %slice3A_2, %dot_general3A_23 {dimension_numbers = #tpu.dot_dimension_numbers<[1], [1], [0], [0], [0, 0, 1, 0], [], []>, transpose_lhs_hint = false} : vector<128x32xf32>, vector<128x32xf32>, vector<128x128xf32> -> vector<128x128xf32>
    %add3A = arith.addf %dot_general3A_17, %dot_general3A_24 : vector<128x128xf32>
    %add3A_25 = vector.broadcast %get3A_5 : vector<1x128xf32> to vector<128x128xf32>
    %add3A_26 = arith.addf %add3A, %add3A_25 : vector<128x128xf32>
    %swap3A = arith.constant 0 : index
    %swap3A_27 = arith.constant 0 : index
    %swap3A_28 = arith.constant 0 : index
    %swap3A_29 = vector.load %arg5[%swap3A, %swap3A_27, %swap3A_28] : memref<1x2048x128xf32, #tpu.memory_space<vmem>>, vector<1x128x128xf32>
    %swap3A_30 = vector.shape_cast %swap3A_29 : vector<1x128x128xf32> to vector<128x128xf32>
    %swap3A_31 = vector.shape_cast %add3A_26 : vector<128x128xf32> to vector<1x128x128xf32>
    tpu.vector_store %arg5[%swap3A, %swap3A_27, %swap3A_28], %swap3A_31 {strides = array<i32>} : memref<1x2048x128xf32, #tpu.memory_space<vmem>>, vector<1x128x128xf32>,
    %get3A_32 = arith.constant 1 : index
    %get3A_33 = arith.constant 0 : index
    %get3A_34 = arith.constant 0 : index
    %get3A_35 = vector.load %arg1[%get3A_32, %get3A_33, %get3A_34] : memref<16x128x128xf32, #tpu.memory_space<vmem>>, vector<1x128x128xf32>
    %get3A_36 = vector.shape_cast %get3A_35 : vector<1x128x128xf32> to vector<128x128xf32>
    %slice3A_37 = vector.extract_strided_slice %get3A_36 {offsets = [96, 0], sizes = [32, 128], strides = [1, 1]} : vector<128x128xf32> to vector<32x128xf32>
    %reduce_sum3A_38 = arith.constant dense<0.000000e+00> : vector<128xf32>
    %reduce_sum3A_39 = vector.multi_reduction <add>, %slice3A_37, %reduce_sum3A_38 [0] : vector<32x128xf32> to vector<128xf32>
    %broadcast_in_dim3A_40 = vector.shape_cast %reduce_sum3A_39 : vector<128xf32> to vector<1x128xf32>
    %slice3A_41 = vector.extract_strided_slice %get3A_36 {offsets = [0, 0], sizes = [96, 128], strides = [1, 1]} : vector<128x128xf32> to vector<96x128xf32>
    %max3A_42 = arith.constant 1.000000e+00 : f32
    %max3A_43 = vector.broadcast %max3A_42 : f32 to vector<1x128xf32>
    %max3A_44 = arith.maximumf %broadcast_in_dim3A_40, %max3A_43 : vector<1x128xf32>
    %div3A_45 = vector.broadcast %max3A_44 : vector<1x128xf32> to vector<96x128xf32>
    %div3A_46 = arith.divf %slice3A_41, %div3A_45 : vector<96x128xf32>
    %dot_general3A_47 = arith.constant dense<0.000000e+00> : vector<128x128xf32>
    %dot_general3A_48 = tpu.matmul %div3A_46, %slice3A, %dot_general3A_47 {dimension_numbers = #tpu.dot_dimension_numbers<[0], [1], [1], [0], [0, 1, 1, 0], [], []>, transpose_lhs_hint = false} : vector<96x128xf32>, vector<128x96xf32>, vector<128x128xf32> -> vector<128x128xf32>
    %get3A_49 = arith.constant 0 : index
    %get3A_50 = arith.constant 128 : index
    %get3A_51 = arith.constant 0 : index
    %get3A_52 = vector.load %arg2[%get3A_49, %get3A_50, %get3A_51] : memref<1x2048x32xf32, #tpu.memory_space<vmem>>, vector<1x128x32xf32>
    %get3A_53 = vector.shape_cast %get3A_52 : vector<1x128x32xf32> to vector<128x32xf32>
    %dot_general3A_54 = arith.constant dense<0.000000e+00> : vector<128x128xf32>
    %dot_general3A_55 = tpu.matmul %get3A_53, %slice3A_2, %dot_general3A_54 {dimension_numbers = #tpu.dot_dimension_numbers<[1], [1], [0], [0], [0, 0, 1, 0], [], []>, transpose_lhs_hint = false} : vector<128x32xf32>, vector<128x32xf32>, vector<128x128xf32> -> vector<128x128xf32>
    %add3A_56 = arith.addf %dot_general3A_48, %dot_general3A_55 : vector<128x128xf32>
    %add3A_57 = vector.broadcast %get3A_5 : vector<1x128xf32> to vector<128x128xf32>
    %add3A_58 = arith.addf %add3A_56, %add3A_57 : vector<128x128xf32>
    %swap3A_59 = arith.constant 0 : index
    %swap3A_60 = arith.constant 128 : index
    %swap3A_61 = arith.constant 0 : index
    %swap3A_62 = vector.load %arg5[%swap3A_59, %swap3A_60, %swap3A_61] : memref<1x2048x128xf32, #tpu.memory_space<vmem>>, vector<1x128x128xf32>
    %swap3A_63 = vector.shape_cast %swap3A_62 : vector<1x128x128xf32> to vector<128x128xf32>
    %swap3A_64 = vector.shape_cast %add3A_58 : vector<128x128xf32> to vector<1x128x128xf32>
    tpu.vector_store %arg5[%swap3A_59, %swap3A_60, %swap3A_61], %swap3A_64 {strides = array<i32>} : memref<1x2048x128xf32, #tpu.memory_space<vmem>>, vector<1x128x128xf32>,
    %get3A_65 = arith.constant 2 : index
    %get3A_66 = arith.constant 0 : index
    %get3A_67 = arith.constant 0 : index
    %get3A_68 = vector.load %arg1[%get3A_65, %get3A_66, %get3A_67] : memref<16x128x128xf32, #tpu.memory_space<vmem>>, vector<1x128x128xf32>
    %get3A_69 = vector.shape_cast %get3A_68 : vector<1x128x128xf32> to vector<128x128xf32>
    %slice3A_70 = vector.extract_strided_slice %get3A_69 {offsets = [96, 0], sizes = [32, 128], strides = [1, 1]} : vector<128x128xf32> to vector<32x128xf32>
    %reduce_sum3A_71 = arith.constant dense<0.000000e+00> : vector<128xf32>
    %reduce_sum3A_72 = vector.multi_reduction <add>, %slice3A_70, %reduce_sum3A_71 [0] : vector<32x128xf32> to vector<128xf32>
    %broadcast_in_dim3A_73 = vector.shape_cast %reduce_sum3A_72 : vector<128xf32> to vector<1x128xf32>
    %slice3A_74 = vector.extract_strided_slice %get3A_69 {offsets = [0, 0], sizes = [96, 128], strides = [1, 1]} : vector<128x128xf32> to vector<96x128xf32>
    %max3A_75 = arith.constant 1.000000e+00 : f32
    %max3A_76 = vector.broadcast %max3A_75 : f32 to vector<1x128xf32>
    %max3A_77 = arith.maximumf %broadcast_in_dim3A_73, %max3A_76 : vector<1x128xf32>
    %div3A_78 = vector.broadcast %max3A_77 : vector<1x128xf32> to vector<96x128xf32>
    %div3A_79 = arith.divf %slice3A_74, %div3A_78 : vector<96x128xf32>
    %dot_general3A_80 = arith.constant dense<0.000000e+00> : vector<128x128xf32>
    %dot_general3A_81 = tpu.matmul %div3A_79, %slice3A, %dot_general3A_80 {dimension_numbers = #tpu.dot_dimension_numbers<[0], [1], [1], [0], [0, 1, 1, 0], [], []>, transpose_lhs_hint = false} : vector<96x128xf32>, vector<128x96xf32>, vector<128x128xf32> -> vector<128x128xf32>
    %get3A_82 = arith.constant 0 : index
    %get3A_83 = arith.constant 256 : index
    %get3A_84 = arith.constant 0 : index
    %get3A_85 = vector.load %arg2[%get3A_82, %get3A_83, %get3A_84] : memref<1x2048x32xf32, #tpu.memory_space<vmem>>, vector<1x128x32xf32>
    %get3A_86 = vector.shape_cast %get3A_85 : vector<1x128x32xf32> to vector<128x32xf32>
    %dot_general3A_87 = arith.constant dense<0.000000e+00> : vector<128x128xf32>
    %dot_general3A_88 = tpu.matmul %get3A_86, %slice3A_2, %dot_general3A_87 {dimension_numbers = #tpu.dot_dimension_numbers<[1], [1], [0], [0], [0, 0, 1, 0], [], []>, transpose_lhs_hint = false} : vector<128x32xf32>, vector<128x32xf32>, vector<128x128xf32> -> vector<128x128xf32>
    %add3A_89 = arith.addf %dot_general3A_81, %dot_general3A_88 : vector<128x128xf32>
    %add3A_90 = vector.broadcast %get3A_5 : vector<1x128xf32> to vector<128x128xf32>
    %add3A_91 = arith.addf %add3A_89, %add3A_90 : vector<128x128xf32>
    %swap3A_92 = arith.constant 0 : index
    %swap3A_93 = arith.constant 256 : index
    %swap3A_94 = arith.constant 0 : index
    %swap3A_95 = vector.load %arg5[%swap3A_92, %swap3A_93, %swap3A_94] : memref<1x2048x128xf32, #tpu.memory_space<vmem>>, vector<1x128x128xf32>
    %swap3A_96 = vector.shape_cast %swap3A_95 : vector<1x128x128xf32> to vector<128x128xf32>
    %swap3A_97 = vector.shape_cast %add3A_91 : vector<128x128xf32> to vector<1x128x128xf32>
    tpu.vector_store %arg5[%swap3A_92, %swap3A_93, %swap3A_94], %swap3A_97 {strides = array<i32>} : memref<1x2048x128xf32, #tpu.memory_space<vmem>>, vector<1x128x128xf32>,
    %get3A_98 = arith.constant 3 : index
    %get3A_99 = arith.constant 0 : index
    %get3A_100 = arith.constant 0 : index
    %get3A_101 = vector.load %arg1[%get3A_98, %get3A_99, %get3A_100] : memref<16x128x128xf32, #tpu.memory_space<vmem>>, vector<1x128x128xf32>
    %get3A_102 = vector.shape_cast %get3A_101 : vector<1x128x128xf32> to vector<128x128xf32>
    %slice3A_103 = vector.extract_strided_slice %get3A_102 {offsets = [96, 0], sizes = [32, 128], strides = [1, 1]} : vector<128x128xf32> to vector<32x128xf32>
    %reduce_sum3A_104 = arith.constant dense<0.000000e+00> : vector<128xf32>
    %reduce_sum3A_105 = vector.multi_reduction <add>, %slice3A_103, %reduce_sum3A_104 [0] : vector<32x128xf32> to vector<128xf32>
    %broadcast_in_dim3A_106 = vector.shape_cast %reduce_sum3A_105 : vector<128xf32> to vector<1x128xf32>
    %slice3A_107 = vector.extract_strided_slice %get3A_102 {offsets = [0, 0], sizes = [96, 128], strides = [1, 1]} : vector<128x128xf32> to vector<96x128xf32>
    %max3A_108 = arith.constant 1.000000e+00 : f32
    %max3A_109 = vector.broadcast %max3A_108 : f32 to vector<1x128xf32>
    %max3A_110 = arith.maximumf %broadcast_in_dim3A_106, %max3A_109 : vector<1x128xf32>
    %div3A_111 = vector.broadcast %max3A_110 : vector<1x128xf32> to vector<96x128xf32>
    %div3A_112 = arith.divf %slice3A_107, %div3A_111 : vector<96x128xf32>
    %dot_general3A_113 = arith.constant dense<0.000000e+00> : vector<128x128xf32>
    %dot_general3A_114 = tpu.matmul %div3A_112, %slice3A, %dot_general3A_113 {dimension_numbers = #tpu.dot_dimension_numbers<[0], [1], [1], [0], [0, 1, 1, 0], [], []>, transpose_lhs_hint = false} : vector<96x128xf32>, vector<128x96xf32>, vector<128x128xf32> -> vector<128x128xf32>
    %get3A_115 = arith.constant 0 : index
    %get3A_116 = arith.constant 384 : index
    %get3A_117 = arith.constant 0 : index
    %get3A_118 = vector.load %arg2[%get3A_115, %get3A_116, %get3A_117] : memref<1x2048x32xf32, #tpu.memory_space<vmem>>, vector<1x128x32xf32>
    %get3A_119 = vector.shape_cast %get3A_118 : vector<1x128x32xf32> to vector<128x32xf32>
    %dot_general3A_120 = arith.constant dense<0.000000e+00> : vector<128x128xf32>
    %dot_general3A_121 = tpu.matmul %get3A_119, %slice3A_2, %dot_general3A_120 {dimension_numbers = #tpu.dot_dimension_numbers<[1], [1], [0], [0], [0, 0, 1, 0], [], []>, transpose_lhs_hint = false} : vector<128x32xf32>, vector<128x32xf32>, vector<128x128xf32> -> vector<128x128xf32>
    %add3A_122 = arith.addf %dot_general3A_114, %dot_general3A_121 : vector<128x128xf32>
    %add3A_123 = vector.broadcast %get3A_5 : vector<1x128xf32> to vector<128x128xf32>
    %add3A_124 = arith.addf %add3A_122, %add3A_123 : vector<128x128xf32>
    %swap3A_125 = arith.constant 0 : index
    %swap3A_126 = arith.constant 384 : index
    %swap3A_127 = arith.constant 0 : index
    %swap3A_128 = vector.load %arg5[%swap3A_125, %swap3A_126, %swap3A_127] : memref<1x2048x128xf32, #tpu.memory_space<vmem>>, vector<1x128x128xf32>
    %swap3A_129 = vector.shape_cast %swap3A_128 : vector<1x128x128xf32> to vector<128x128xf32>
    %swap3A_130 = vector.shape_cast %add3A_124 : vector<128x128xf32> to vector<1x128x128xf32>
    tpu.vector_store %arg5[%swap3A_125, %swap3A_126, %swap3A_127], %swap3A_130 {strides = array<i32>} : memref<1x2048x128xf32, #tpu.memory_space<vmem>>, vector<1x128x128xf32>,
    %get3A_131 = arith.constant 4 : index
    %get3A_132 = arith.constant 0 : index
    %get3A_133 = arith.constant 0 : index
    %get3A_134 = vector.load %arg1[%get3A_131, %get3A_132, %get3A_133] : memref<16x128x128xf32, #tpu.memory_space<vmem>>, vector<1x128x128xf32>
    %get3A_135 = vector.shape_cast %get3A_134 : vector<1x128x128xf32> to vector<128x128xf32>
    %slice3A_136 = vector.extract_strided_slice %get3A_135 {offsets = [96, 0], sizes = [32, 128], strides = [1, 1]} : vector<128x128xf32> to vector<32x128xf32>
    %reduce_sum3A_137 = arith.constant dense<0.000000e+00> : vector<128xf32>
    %reduce_sum3A_138 = vector.multi_reduction <add>, %slice3A_136, %reduce_sum3A_137 [0] : vector<32x128xf32> to vector<128xf32>
    %broadcast_in_dim3A_139 = vector.shape_cast %reduce_sum3A_138 : vector<128xf32> to vector<1x128xf32>
    %slice3A_140 = vector.extract_strided_slice %get3A_135 {offsets = [0, 0], sizes = [96, 128], strides = [1, 1]} : vector<128x128xf32> to vector<96x128xf32>
    %max3A_141 = arith.constant 1.000000e+00 : f32
    %max3A_142 = vector.broadcast %max3A_141 : f32 to vector<1x128xf32>
    %max3A_143 = arith.maximumf %broadcast_in_dim3A_139, %max3A_142 : vector<1x128xf32>
    %div3A_144 = vector.broadcast %max3A_143 : vector<1x128xf32> to vector<96x128xf32>
    %div3A_145 = arith.divf %slice3A_140, %div3A_144 : vector<96x128xf32>
    %dot_general3A_146 = arith.constant dense<0.000000e+00> : vector<128x128xf32>
    %dot_general3A_147 = tpu.matmul %div3A_145, %slice3A, %dot_general3A_146 {dimension_numbers = #tpu.dot_dimension_numbers<[0], [1], [1], [0], [0, 1, 1, 0], [], []>, transpose_lhs_hint = false} : vector<96x128xf32>, vector<128x96xf32>, vector<128x128xf32> -> vector<128x128xf32>
    %get3A_148 = arith.constant 0 : index
    %get3A_149 = arith.constant 512 : index
    %get3A_150 = arith.constant 0 : index
    %get3A_151 = vector.load %arg2[%get3A_148, %get3A_149, %get3A_150] : memref<1x2048x32xf32, #tpu.memory_space<vmem>>, vector<1x128x32xf32>
    %get3A_152 = vector.shape_cast %get3A_151 : vector<1x128x32xf32> to vector<128x32xf32>
    %dot_general3A_153 = arith.constant dense<0.000000e+00> : vector<128x128xf32>
    %dot_general3A_154 = tpu.matmul %get3A_152, %slice3A_2, %dot_general3A_153 {dimension_numbers = #tpu.dot_dimension_numbers<[1], [1], [0], [0], [0, 0, 1, 0], [], []>, transpose_lhs_hint = false} : vector<128x32xf32>, vector<128x32xf32>, vector<128x128xf32> -> vector<128x128xf32>
    %add3A_155 = arith.addf %dot_general3A_147, %dot_general3A_154 : vector<128x128xf32>
    %add3A_156 = vector.broadcast %get3A_5 : vector<1x128xf32> to vector<128x128xf32>
    %add3A_157 = arith.addf %add3A_155, %add3A_156 : vector<128x128xf32>
    %swap3A_158 = arith.constant 0 : index
    %swap3A_159 = arith.constant 512 : index
    %swap3A_160 = arith.constant 0 : index
    %swap3A_161 = vector.load %arg5[%swap3A_158, %swap3A_159, %swap3A_160] : memref<1x2048x128xf32, #tpu.memory_space<vmem>>, vector<1x128x128xf32>
    %swap3A_162 = vector.shape_cast %swap3A_161 : vector<1x128x128xf32> to vector<128x128xf32>
    %swap3A_163 = vector.shape_cast %add3A_157 : vector<128x128xf32> to vector<1x128x128xf32>
    tpu.vector_store %arg5[%swap3A_158, %swap3A_159, %swap3A_160], %swap3A_163 {strides = array<i32>} : memref<1x2048x128xf32, #tpu.memory_space<vmem>>, vector<1x128x128xf32>,
    %get3A_164 = arith.constant 5 : index
    %get3A_165 = arith.constant 0 : index
    %get3A_166 = arith.constant 0 : index
    %get3A_167 = vector.load %arg1[%get3A_164, %get3A_165, %get3A_166] : memref<16x128x128xf32, #tpu.memory_space<vmem>>, vector<1x128x128xf32>
    %get3A_168 = vector.shape_cast %get3A_167 : vector<1x128x128xf32> to vector<128x128xf32>
    %slice3A_169 = vector.extract_strided_slice %get3A_168 {offsets = [96, 0], sizes = [32, 128], strides = [1, 1]} : vector<128x128xf32> to vector<32x128xf32>
    %reduce_sum3A_170 = arith.constant dense<0.000000e+00> : vector<128xf32>
    %reduce_sum3A_171 = vector.multi_reduction <add>, %slice3A_169, %reduce_sum3A_170 [0] : vector<32x128xf32> to vector<128xf32>
    %broadcast_in_dim3A_172 = vector.shape_cast %reduce_sum3A_171 : vector<128xf32> to vector<1x128xf32>
    %slice3A_173 = vector.extract_strided_slice %get3A_168 {offsets = [0, 0], sizes = [96, 128], strides = [1, 1]} : vector<128x128xf32> to vector<96x128xf32>
    %max3A_174 = arith.constant 1.000000e+00 : f32
    %max3A_175 = vector.broadcast %max3A_174 : f32 to vector<1x128xf32>
    %max3A_176 = arith.maximumf %broadcast_in_dim3A_172, %max3A_175 : vector<1x128xf32>
    %div3A_177 = vector.broadcast %max3A_176 : vector<1x128xf32> to vector<96x128xf32>
    %div3A_178 = arith.divf %slice3A_173, %div3A_177 : vector<96x128xf32>
    %dot_general3A_179 = arith.constant dense<0.000000e+00> : vector<128x128xf32>
    %dot_general3A_180 = tpu.matmul %div3A_178, %slice3A, %dot_general3A_179 {dimension_numbers = #tpu.dot_dimension_numbers<[0], [1], [1], [0], [0, 1, 1, 0], [], []>, transpose_lhs_hint = false} : vector<96x128xf32>, vector<128x96xf32>, vector<128x128xf32> -> vector<128x128xf32>
    %get3A_181 = arith.constant 0 : index
    %get3A_182 = arith.constant 640 : index
    %get3A_183 = arith.constant 0 : index
    %get3A_184 = vector.load %arg2[%get3A_181, %get3A_182, %get3A_183] : memref<1x2048x32xf32, #tpu.memory_space<vmem>>, vector<1x128x32xf32>
    %get3A_185 = vector.shape_cast %get3A_184 : vector<1x128x32xf32> to vector<128x32xf32>
    %dot_general3A_186 = arith.constant dense<0.000000e+00> : vector<128x128xf32>
    %dot_general3A_187 = tpu.matmul %get3A_185, %slice3A_2, %dot_general3A_186 {dimension_numbers = #tpu.dot_dimension_numbers<[1], [1], [0], [0], [0, 0, 1, 0], [], []>, transpose_lhs_hint = false} : vector<128x32xf32>, vector<128x32xf32>, vector<128x128xf32> -> vector<128x128xf32>
    %add3A_188 = arith.addf %dot_general3A_180, %dot_general3A_187 : vector<128x128xf32>
    %add3A_189 = vector.broadcast %get3A_5 : vector<1x128xf32> to vector<128x128xf32>
    %add3A_190 = arith.addf %add3A_188, %add3A_189 : vector<128x128xf32>
    %swap3A_191 = arith.constant 0 : index
    %swap3A_192 = arith.constant 640 : index
    %swap3A_193 = arith.constant 0 : index
    %swap3A_194 = vector.load %arg5[%swap3A_191, %swap3A_192, %swap3A_193] : memref<1x2048x128xf32, #tpu.memory_space<vmem>>, vector<1x128x128xf32>
    %swap3A_195 = vector.shape_cast %swap3A_194 : vector<1x128x128xf32> to vector<128x128xf32>
    %swap3A_196 = vector.shape_cast %add3A_190 : vector<128x128xf32> to vector<1x128x128xf32>
    tpu.vector_store %arg5[%swap3A_191, %swap3A_192, %swap3A_193], %swap3A_196 {strides = array<i32>} : memref<1x2048x128xf32, #tpu.memory_space<vmem>>, vector<1x128x128xf32>,
    %get3A_197 = arith.constant 6 : index
    %get3A_198 = arith.constant 0 : index
    %get3A_199 = arith.constant 0 : index
    %get3A_200 = vector.load %arg1[%get3A_197, %get3A_198, %get3A_199] : memref<16x128x128xf32, #tpu.memory_space<vmem>>, vector<1x128x128xf32>
    %get3A_201 = vector.shape_cast %get3A_200 : vector<1x128x128xf32> to vector<128x128xf32>
    %slice3A_202 = vector.extract_strided_slice %get3A_201 {offsets = [96, 0], sizes = [32, 128], strides = [1, 1]} : vector<128x128xf32> to vector<32x128xf32>
    %reduce_sum3A_203 = arith.constant dense<0.000000e+00> : vector<128xf32>
    %reduce_sum3A_204 = vector.multi_reduction <add>, %slice3A_202, %reduce_sum3A_203 [0] : vector<32x128xf32> to vector<128xf32>
    %broadcast_in_dim3A_205 = vector.shape_cast %reduce_sum3A_204 : vector<128xf32> to vector<1x128xf32>
    %slice3A_206 = vector.extract_strided_slice %get3A_201 {offsets = [0, 0], sizes = [96, 128], strides = [1, 1]} : vector<128x128xf32> to vector<96x128xf32>
    %max3A_207 = arith.constant 1.000000e+00 : f32
    %max3A_208 = vector.broadcast %max3A_207 : f32 to vector<1x128xf32>
    %max3A_209 = arith.maximumf %broadcast_in_dim3A_205, %max3A_208 : vector<1x128xf32>
    %div3A_210 = vector.broadcast %max3A_209 : vector<1x128xf32> to vector<96x128xf32>
    %div3A_211 = arith.divf %slice3A_206, %div3A_210 : vector<96x128xf32>
    %dot_general3A_212 = arith.constant dense<0.000000e+00> : vector<128x128xf32>
    %dot_general3A_213 = tpu.matmul %div3A_211, %slice3A, %dot_general3A_212 {dimension_numbers = #tpu.dot_dimension_numbers<[0], [1], [1], [0], [0, 1, 1, 0], [], []>, transpose_lhs_hint = false} : vector<96x128xf32>, vector<128x96xf32>, vector<128x128xf32> -> vector<128x128xf32>
    %get3A_214 = arith.constant 0 : index
    %get3A_215 = arith.constant 768 : index
    %get3A_216 = arith.constant 0 : index
    %get3A_217 = vector.load %arg2[%get3A_214, %get3A_215, %get3A_216] : memref<1x2048x32xf32, #tpu.memory_space<vmem>>, vector<1x128x32xf32>
    %get3A_218 = vector.shape_cast %get3A_217 : vector<1x128x32xf32> to vector<128x32xf32>
    %dot_general3A_219 = arith.constant dense<0.000000e+00> : vector<128x128xf32>
    %dot_general3A_220 = tpu.matmul %get3A_218, %slice3A_2, %dot_general3A_219 {dimension_numbers = #tpu.dot_dimension_numbers<[1], [1], [0], [0], [0, 0, 1, 0], [], []>, transpose_lhs_hint = false} : vector<128x32xf32>, vector<128x32xf32>, vector<128x128xf32> -> vector<128x128xf32>
    %add3A_221 = arith.addf %dot_general3A_213, %dot_general3A_220 : vector<128x128xf32>
    %add3A_222 = vector.broadcast %get3A_5 : vector<1x128xf32> to vector<128x128xf32>
    %add3A_223 = arith.addf %add3A_221, %add3A_222 : vector<128x128xf32>
    %swap3A_224 = arith.constant 0 : index
    %swap3A_225 = arith.constant 768 : index
    %swap3A_226 = arith.constant 0 : index
    %swap3A_227 = vector.load %arg5[%swap3A_224, %swap3A_225, %swap3A_226] : memref<1x2048x128xf32, #tpu.memory_space<vmem>>, vector<1x128x128xf32>
    %swap3A_228 = vector.shape_cast %swap3A_227 : vector<1x128x128xf32> to vector<128x128xf32>
    %swap3A_229 = vector.shape_cast %add3A_223 : vector<128x128xf32> to vector<1x128x128xf32>
    tpu.vector_store %arg5[%swap3A_224, %swap3A_225, %swap3A_226], %swap3A_229 {strides = array<i32>} : memref<1x2048x128xf32, #tpu.memory_space<vmem>>, vector<1x128x128xf32>,
    %get3A_230 = arith.constant 7 : index
    %get3A_231 = arith.constant 0 : index
    %get3A_232 = arith.constant 0 : index
    %get3A_233 = vector.load %arg1[%get3A_230, %get3A_231, %get3A_232] : memref<16x128x128xf32, #tpu.memory_space<vmem>>, vector<1x128x128xf32>
    %get3A_234 = vector.shape_cast %get3A_233 : vector<1x128x128xf32> to vector<128x128xf32>
    %slice3A_235 = vector.extract_strided_slice %get3A_234 {offsets = [96, 0], sizes = [32, 128], strides = [1, 1]} : vector<128x128xf32> to vector<32x128xf32>
    %reduce_sum3A_236 = arith.constant dense<0.000000e+00> : vector<128xf32>
    %reduce_sum3A_237 = vector.multi_reduction <add>, %slice3A_235, %reduce_sum3A_236 [0] : vector<32x128xf32> to vector<128xf32>
    %broadcast_in_dim3A_238 = vector.shape_cast %reduce_sum3A_237 : vector<128xf32> to vector<1x128xf32>
    %slice3A_239 = vector.extract_strided_slice %get3A_234 {offsets = [0, 0], sizes = [96, 128], strides = [1, 1]} : vector<128x128xf32> to vector<96x128xf32>
    %max3A_240 = arith.constant 1.000000e+00 : f32
    %max3A_241 = vector.broadcast %max3A_240 : f32 to vector<1x128xf32>
    %max3A_242 = arith.maximumf %broadcast_in_dim3A_238, %max3A_241 : vector<1x128xf32>
    %div3A_243 = vector.broadcast %max3A_242 : vector<1x128xf32> to vector<96x128xf32>
    %div3A_244 = arith.divf %slice3A_239, %div3A_243 : vector<96x128xf32>
    %dot_general3A_245 = arith.constant dense<0.000000e+00> : vector<128x128xf32>
    %dot_general3A_246 = tpu.matmul %div3A_244, %slice3A, %dot_general3A_245 {dimension_numbers = #tpu.dot_dimension_numbers<[0], [1], [1], [0], [0, 1, 1, 0], [], []>, transpose_lhs_hint = false} : vector<96x128xf32>, vector<128x96xf32>, vector<128x128xf32> -> vector<128x128xf32>
    %get3A_247 = arith.constant 0 : index
    %get3A_248 = arith.constant 896 : index
    %get3A_249 = arith.constant 0 : index
    %get3A_250 = vector.load %arg2[%get3A_247, %get3A_248, %get3A_249] : memref<1x2048x32xf32, #tpu.memory_space<vmem>>, vector<1x128x32xf32>
    %get3A_251 = vector.shape_cast %get3A_250 : vector<1x128x32xf32> to vector<128x32xf32>
    %dot_general3A_252 = arith.constant dense<0.000000e+00> : vector<128x128xf32>
    %dot_general3A_253 = tpu.matmul %get3A_251, %slice3A_2, %dot_general3A_252 {dimension_numbers = #tpu.dot_dimension_numbers<[1], [1], [0], [0], [0, 0, 1, 0], [], []>, transpose_lhs_hint = false} : vector<128x32xf32>, vector<128x32xf32>, vector<128x128xf32> -> vector<128x128xf32>
    %add3A_254 = arith.addf %dot_general3A_246, %dot_general3A_253 : vector<128x128xf32>
    %add3A_255 = vector.broadcast %get3A_5 : vector<1x128xf32> to vector<128x128xf32>
    %add3A_256 = arith.addf %add3A_254, %add3A_255 : vector<128x128xf32>
    %swap3A_257 = arith.constant 0 : index
    %swap3A_258 = arith.constant 896 : index
    %swap3A_259 = arith.constant 0 : index
    %swap3A_260 = vector.load %arg5[%swap3A_257, %swap3A_258, %swap3A_259] : memref<1x2048x128xf32, #tpu.memory_space<vmem>>, vector<1x128x128xf32>
    %swap3A_261 = vector.shape_cast %swap3A_260 : vector<1x128x128xf32> to vector<128x128xf32>
    %swap3A_262 = vector.shape_cast %add3A_256 : vector<128x128xf32> to vector<1x128x128xf32>
    tpu.vector_store %arg5[%swap3A_257, %swap3A_258, %swap3A_259], %swap3A_262 {strides = array<i32>} : memref<1x2048x128xf32, #tpu.memory_space<vmem>>, vector<1x128x128xf32>,
    %get3A_263 = arith.constant 8 : index
    %get3A_264 = arith.constant 0 : index
    %get3A_265 = arith.constant 0 : index
    %get3A_266 = vector.load %arg1[%get3A_263, %get3A_264, %get3A_265] : memref<16x128x128xf32, #tpu.memory_space<vmem>>, vector<1x128x128xf32>
    %get3A_267 = vector.shape_cast %get3A_266 : vector<1x128x128xf32> to vector<128x128xf32>
    %slice3A_268 = vector.extract_strided_slice %get3A_267 {offsets = [96, 0], sizes = [32, 128], strides = [1, 1]} : vector<128x128xf32> to vector<32x128xf32>
    %reduce_sum3A_269 = arith.constant dense<0.000000e+00> : vector<128xf32>
    %reduce_sum3A_270 = vector.multi_reduction <add>, %slice3A_268, %reduce_sum3A_269 [0] : vector<32x128xf32> to vector<128xf32>
    %broadcast_in_dim3A_271 = vector.shape_cast %reduce_sum3A_270 : vector<128xf32> to vector<1x128xf32>
    %slice3A_272 = vector.extract_strided_slice %get3A_267 {offsets = [0, 0], sizes = [96, 128], strides = [1, 1]} : vector<128x128xf32> to vector<96x128xf32>
    %max3A_273 = arith.constant 1.000000e+00 : f32
    %max3A_274 = vector.broadcast %max3A_273 : f32 to vector<1x128xf32>
    %max3A_275 = arith.maximumf %broadcast_in_dim3A_271, %max3A_274 : vector<1x128xf32>
    %div3A_276 = vector.broadcast %max3A_275 : vector<1x128xf32> to vector<96x128xf32>
    %div3A_277 = arith.divf %slice3A_272, %div3A_276 : vector<96x128xf32>
    %dot_general3A_278 = arith.constant dense<0.000000e+00> : vector<128x128xf32>
    %dot_general3A_279 = tpu.matmul %div3A_277, %slice3A, %dot_general3A_278 {dimension_numbers = #tpu.dot_dimension_numbers<[0], [1], [1], [0], [0, 1, 1, 0], [], []>, transpose_lhs_hint = false} : vector<96x128xf32>, vector<128x96xf32>, vector<128x128xf32> -> vector<128x128xf32>
    %get3A_280 = arith.constant 0 : index
    %get3A_281 = arith.constant 1024 : index
    %get3A_282 = arith.constant 0 : index
    %get3A_283 = vector.load %arg2[%get3A_280, %get3A_281, %get3A_282] : memref<1x2048x32xf32, #tpu.memory_space<vmem>>, vector<1x128x32xf32>
    %get3A_284 = vector.shape_cast %get3A_283 : vector<1x128x32xf32> to vector<128x32xf32>
    %dot_general3A_285 = arith.constant dense<0.000000e+00> : vector<128x128xf32>
    %dot_general3A_286 = tpu.matmul %get3A_284, %slice3A_2, %dot_general3A_285 {dimension_numbers = #tpu.dot_dimension_numbers<[1], [1], [0], [0], [0, 0, 1, 0], [], []>, transpose_lhs_hint = false} : vector<128x32xf32>, vector<128x32xf32>, vector<128x128xf32> -> vector<128x128xf32>
    %add3A_287 = arith.addf %dot_general3A_279, %dot_general3A_286 : vector<128x128xf32>
    %add3A_288 = vector.broadcast %get3A_5 : vector<1x128xf32> to vector<128x128xf32>
    %add3A_289 = arith.addf %add3A_287, %add3A_288 : vector<128x128xf32>
    %swap3A_290 = arith.constant 0 : index
    %swap3A_291 = arith.constant 1024 : index
    %swap3A_292 = arith.constant 0 : index
    %swap3A_293 = vector.load %arg5[%swap3A_290, %swap3A_291, %swap3A_292] : memref<1x2048x128xf32, #tpu.memory_space<vmem>>, vector<1x128x128xf32>
    %swap3A_294 = vector.shape_cast %swap3A_293 : vector<1x128x128xf32> to vector<128x128xf32>
    %swap3A_295 = vector.shape_cast %add3A_289 : vector<128x128xf32> to vector<1x128x128xf32>
    tpu.vector_store %arg5[%swap3A_290, %swap3A_291, %swap3A_292], %swap3A_295 {strides = array<i32>} : memref<1x2048x128xf32, #tpu.memory_space<vmem>>, vector<1x128x128xf32>,
    %get3A_296 = arith.constant 9 : index
    %get3A_297 = arith.constant 0 : index
    %get3A_298 = arith.constant 0 : index
    %get3A_299 = vector.load %arg1[%get3A_296, %get3A_297, %get3A_298] : memref<16x128x128xf32, #tpu.memory_space<vmem>>, vector<1x128x128xf32>
    %get3A_300 = vector.shape_cast %get3A_299 : vector<1x128x128xf32> to vector<128x128xf32>
    %slice3A_301 = vector.extract_strided_slice %get3A_300 {offsets = [96, 0], sizes = [32, 128], strides = [1, 1]} : vector<128x128xf32> to vector<32x128xf32>
    %reduce_sum3A_302 = arith.constant dense<0.000000e+00> : vector<128xf32>
    %reduce_sum3A_303 = vector.multi_reduction <add>, %slice3A_301, %reduce_sum3A_302 [0] : vector<32x128xf32> to vector<128xf32>
    %broadcast_in_dim3A_304 = vector.shape_cast %reduce_sum3A_303 : vector<128xf32> to vector<1x128xf32>
    %slice3A_305 = vector.extract_strided_slice %get3A_300 {offsets = [0, 0], sizes = [96, 128], strides = [1, 1]} : vector<128x128xf32> to vector<96x128xf32>
    %max3A_306 = arith.constant 1.000000e+00 : f32
    %max3A_307 = vector.broadcast %max3A_306 : f32 to vector<1x128xf32>
    %max3A_308 = arith.maximumf %broadcast_in_dim3A_304, %max3A_307 : vector<1x128xf32>
    %div3A_309 = vector.broadcast %max3A_308 : vector<1x128xf32> to vector<96x128xf32>
    %div3A_310 = arith.divf %slice3A_305, %div3A_309 : vector<96x128xf32>
    %dot_general3A_311 = arith.constant dense<0.000000e+00> : vector<128x128xf32>
    %dot_general3A_312 = tpu.matmul %div3A_310, %slice3A, %dot_general3A_311 {dimension_numbers = #tpu.dot_dimension_numbers<[0], [1], [1], [0], [0, 1, 1, 0], [], []>, transpose_lhs_hint = false} : vector<96x128xf32>, vector<128x96xf32>, vector<128x128xf32> -> vector<128x128xf32>
    %get3A_313 = arith.constant 0 : index
    %get3A_314 = arith.constant 1152 : index
    %get3A_315 = arith.constant 0 : index
    %get3A_316 = vector.load %arg2[%get3A_313, %get3A_314, %get3A_315] : memref<1x2048x32xf32, #tpu.memory_space<vmem>>, vector<1x128x32xf32>
    %get3A_317 = vector.shape_cast %get3A_316 : vector<1x128x32xf32> to vector<128x32xf32>
    %dot_general3A_318 = arith.constant dense<0.000000e+00> : vector<128x128xf32>
    %dot_general3A_319 = tpu.matmul %get3A_317, %slice3A_2, %dot_general3A_318 {dimension_numbers = #tpu.dot_dimension_numbers<[1], [1], [0], [0], [0, 0, 1, 0], [], []>, transpose_lhs_hint = false} : vector<128x32xf32>, vector<128x32xf32>, vector<128x128xf32> -> vector<128x128xf32>
    %add3A_320 = arith.addf %dot_general3A_312, %dot_general3A_319 : vector<128x128xf32>
    %add3A_321 = vector.broadcast %get3A_5 : vector<1x128xf32> to vector<128x128xf32>
    %add3A_322 = arith.addf %add3A_320, %add3A_321 : vector<128x128xf32>
    %swap3A_323 = arith.constant 0 : index
    %swap3A_324 = arith.constant 1152 : index
    %swap3A_325 = arith.constant 0 : index
    %swap3A_326 = vector.load %arg5[%swap3A_323, %swap3A_324, %swap3A_325] : memref<1x2048x128xf32, #tpu.memory_space<vmem>>, vector<1x128x128xf32>
    %swap3A_327 = vector.shape_cast %swap3A_326 : vector<1x128x128xf32> to vector<128x128xf32>
    %swap3A_328 = vector.shape_cast %add3A_322 : vector<128x128xf32> to vector<1x128x128xf32>
    tpu.vector_store %arg5[%swap3A_323, %swap3A_324, %swap3A_325], %swap3A_328 {strides = array<i32>} : memref<1x2048x128xf32, #tpu.memory_space<vmem>>, vector<1x128x128xf32>,
    %get3A_329 = arith.constant 10 : index
    %get3A_330 = arith.constant 0 : index
    %get3A_331 = arith.constant 0 : index
    %get3A_332 = vector.load %arg1[%get3A_329, %get3A_330, %get3A_331] : memref<16x128x128xf32, #tpu.memory_space<vmem>>, vector<1x128x128xf32>
    %get3A_333 = vector.shape_cast %get3A_332 : vector<1x128x128xf32> to vector<128x128xf32>
    %slice3A_334 = vector.extract_strided_slice %get3A_333 {offsets = [96, 0], sizes = [32, 128], strides = [1, 1]} : vector<128x128xf32> to vector<32x128xf32>
    %reduce_sum3A_335 = arith.constant dense<0.000000e+00> : vector<128xf32>
    %reduce_sum3A_336 = vector.multi_reduction <add>, %slice3A_334, %reduce_sum3A_335 [0] : vector<32x128xf32> to vector<128xf32>
    %broadcast_in_dim3A_337 = vector.shape_cast %reduce_sum3A_336 : vector<128xf32> to vector<1x128xf32>
    %slice3A_338 = vector.extract_strided_slice %get3A_333 {offsets = [0, 0], sizes = [96, 128], strides = [1, 1]} : vector<128x128xf32> to vector<96x128xf32>
    %max3A_339 = arith.constant 1.000000e+00 : f32
    %max3A_340 = vector.broadcast %max3A_339 : f32 to vector<1x128xf32>
    %max3A_341 = arith.maximumf %broadcast_in_dim3A_337, %max3A_340 : vector<1x128xf32>
    %div3A_342 = vector.broadcast %max3A_341 : vector<1x128xf32> to vector<96x128xf32>
    %div3A_343 = arith.divf %slice3A_338, %div3A_342 : vector<96x128xf32>
    %dot_general3A_344 = arith.constant dense<0.000000e+00> : vector<128x128xf32>
    %dot_general3A_345 = tpu.matmul %div3A_343, %slice3A, %dot_general3A_344 {dimension_numbers = #tpu.dot_dimension_numbers<[0], [1], [1], [0], [0, 1, 1, 0], [], []>, transpose_lhs_hint = false} : vector<96x128xf32>, vector<128x96xf32>, vector<128x128xf32> -> vector<128x128xf32>
    %get3A_346 = arith.constant 0 : index
    %get3A_347 = arith.constant 1280 : index
    %get3A_348 = arith.constant 0 : index
    %get3A_349 = vector.load %arg2[%get3A_346, %get3A_347, %get3A_348] : memref<1x2048x32xf32, #tpu.memory_space<vmem>>, vector<1x128x32xf32>
    %get3A_350 = vector.shape_cast %get3A_349 : vector<1x128x32xf32> to vector<128x32xf32>
    %dot_general3A_351 = arith.constant dense<0.000000e+00> : vector<128x128xf32>
    %dot_general3A_352 = tpu.matmul %get3A_350, %slice3A_2, %dot_general3A_351 {dimension_numbers = #tpu.dot_dimension_numbers<[1], [1], [0], [0], [0, 0, 1, 0], [], []>, transpose_lhs_hint = false} : vector<128x32xf32>, vector<128x32xf32>, vector<128x128xf32> -> vector<128x128xf32>
    %add3A_353 = arith.addf %dot_general3A_345, %dot_general3A_352 : vector<128x128xf32>
    %add3A_354 = vector.broadcast %get3A_5 : vector<1x128xf32> to vector<128x128xf32>
    %add3A_355 = arith.addf %add3A_353, %add3A_354 : vector<128x128xf32>
    %swap3A_356 = arith.constant 0 : index
    %swap3A_357 = arith.constant 1280 : index
    %swap3A_358 = arith.constant 0 : index
    %swap3A_359 = vector.load %arg5[%swap3A_356, %swap3A_357, %swap3A_358] : memref<1x2048x128xf32, #tpu.memory_space<vmem>>, vector<1x128x128xf32>
    %swap3A_360 = vector.shape_cast %swap3A_359 : vector<1x128x128xf32> to vector<128x128xf32>
    %swap3A_361 = vector.shape_cast %add3A_355 : vector<128x128xf32> to vector<1x128x128xf32>
    tpu.vector_store %arg5[%swap3A_356, %swap3A_357, %swap3A_358], %swap3A_361 {strides = array<i32>} : memref<1x2048x128xf32, #tpu.memory_space<vmem>>, vector<1x128x128xf32>,
    %get3A_362 = arith.constant 11 : index
    %get3A_363 = arith.constant 0 : index
    %get3A_364 = arith.constant 0 : index
    %get3A_365 = vector.load %arg1[%get3A_362, %get3A_363, %get3A_364] : memref<16x128x128xf32, #tpu.memory_space<vmem>>, vector<1x128x128xf32>
    %get3A_366 = vector.shape_cast %get3A_365 : vector<1x128x128xf32> to vector<128x128xf32>
    %slice3A_367 = vector.extract_strided_slice %get3A_366 {offsets = [96, 0], sizes = [32, 128], strides = [1, 1]} : vector<128x128xf32> to vector<32x128xf32>
    %reduce_sum3A_368 = arith.constant dense<0.000000e+00> : vector<128xf32>
    %reduce_sum3A_369 = vector.multi_reduction <add>, %slice3A_367, %reduce_sum3A_368 [0] : vector<32x128xf32> to vector<128xf32>
    %broadcast_in_dim3A_370 = vector.shape_cast %reduce_sum3A_369 : vector<128xf32> to vector<1x128xf32>
    %slice3A_371 = vector.extract_strided_slice %get3A_366 {offsets = [0, 0], sizes = [96, 128], strides = [1, 1]} : vector<128x128xf32> to vector<96x128xf32>
    %max3A_372 = arith.constant 1.000000e+00 : f32
    %max3A_373 = vector.broadcast %max3A_372 : f32 to vector<1x128xf32>
    %max3A_374 = arith.maximumf %broadcast_in_dim3A_370, %max3A_373 : vector<1x128xf32>
    %div3A_375 = vector.broadcast %max3A_374 : vector<1x128xf32> to vector<96x128xf32>
    %div3A_376 = arith.divf %slice3A_371, %div3A_375 : vector<96x128xf32>
    %dot_general3A_377 = arith.constant dense<0.000000e+00> : vector<128x128xf32>
    %dot_general3A_378 = tpu.matmul %div3A_376, %slice3A, %dot_general3A_377 {dimension_numbers = #tpu.dot_dimension_numbers<[0], [1], [1], [0], [0, 1, 1, 0], [], []>, transpose_lhs_hint = false} : vector<96x128xf32>, vector<128x96xf32>, vector<128x128xf32> -> vector<128x128xf32>
    %get3A_379 = arith.constant 0 : index
    %get3A_380 = arith.constant 1408 : index
    %get3A_381 = arith.constant 0 : index
    %get3A_382 = vector.load %arg2[%get3A_379, %get3A_380, %get3A_381] : memref<1x2048x32xf32, #tpu.memory_space<vmem>>, vector<1x128x32xf32>
    %get3A_383 = vector.shape_cast %get3A_382 : vector<1x128x32xf32> to vector<128x32xf32>
    %dot_general3A_384 = arith.constant dense<0.000000e+00> : vector<128x128xf32>
    %dot_general3A_385 = tpu.matmul %get3A_383, %slice3A_2, %dot_general3A_384 {dimension_numbers = #tpu.dot_dimension_numbers<[1], [1], [0], [0], [0, 0, 1, 0], [], []>, transpose_lhs_hint = false} : vector<128x32xf32>, vector<128x32xf32>, vector<128x128xf32> -> vector<128x128xf32>
    %add3A_386 = arith.addf %dot_general3A_378, %dot_general3A_385 : vector<128x128xf32>
    %add3A_387 = vector.broadcast %get3A_5 : vector<1x128xf32> to vector<128x128xf32>
    %add3A_388 = arith.addf %add3A_386, %add3A_387 : vector<128x128xf32>
    %swap3A_389 = arith.constant 0 : index
    %swap3A_390 = arith.constant 1408 : index
    %swap3A_391 = arith.constant 0 : index
    %swap3A_392 = vector.load %arg5[%swap3A_389, %swap3A_390, %swap3A_391] : memref<1x2048x128xf32, #tpu.memory_space<vmem>>, vector<1x128x128xf32>
    %swap3A_393 = vector.shape_cast %swap3A_392 : vector<1x128x128xf32> to vector<128x128xf32>
    %swap3A_394 = vector.shape_cast %add3A_388 : vector<128x128xf32> to vector<1x128x128xf32>
    tpu.vector_store %arg5[%swap3A_389, %swap3A_390, %swap3A_391], %swap3A_394 {strides = array<i32>} : memref<1x2048x128xf32, #tpu.memory_space<vmem>>, vector<1x128x128xf32>,
    %get3A_395 = arith.constant 12 : index
    %get3A_396 = arith.constant 0 : index
    %get3A_397 = arith.constant 0 : index
    %get3A_398 = vector.load %arg1[%get3A_395, %get3A_396, %get3A_397] : memref<16x128x128xf32, #tpu.memory_space<vmem>>, vector<1x128x128xf32>
    %get3A_399 = vector.shape_cast %get3A_398 : vector<1x128x128xf32> to vector<128x128xf32>
    %slice3A_400 = vector.extract_strided_slice %get3A_399 {offsets = [96, 0], sizes = [32, 128], strides = [1, 1]} : vector<128x128xf32> to vector<32x128xf32>
    %reduce_sum3A_401 = arith.constant dense<0.000000e+00> : vector<128xf32>
    %reduce_sum3A_402 = vector.multi_reduction <add>, %slice3A_400, %reduce_sum3A_401 [0] : vector<32x128xf32> to vector<128xf32>
    %broadcast_in_dim3A_403 = vector.shape_cast %reduce_sum3A_402 : vector<128xf32> to vector<1x128xf32>
    %slice3A_404 = vector.extract_strided_slice %get3A_399 {offsets = [0, 0], sizes = [96, 128], strides = [1, 1]} : vector<128x128xf32> to vector<96x128xf32>
    %max3A_405 = arith.constant 1.000000e+00 : f32
    %max3A_406 = vector.broadcast %max3A_405 : f32 to vector<1x128xf32>
    %max3A_407 = arith.maximumf %broadcast_in_dim3A_403, %max3A_406 : vector<1x128xf32>
    %div3A_408 = vector.broadcast %max3A_407 : vector<1x128xf32> to vector<96x128xf32>
    %div3A_409 = arith.divf %slice3A_404, %div3A_408 : vector<96x128xf32>
    %dot_general3A_410 = arith.constant dense<0.000000e+00> : vector<128x128xf32>
    %dot_general3A_411 = tpu.matmul %div3A_409, %slice3A, %dot_general3A_410 {dimension_numbers = #tpu.dot_dimension_numbers<[0], [1], [1], [0], [0, 1, 1, 0], [], []>, transpose_lhs_hint = false} : vector<96x128xf32>, vector<128x96xf32>, vector<128x128xf32> -> vector<128x128xf32>
    %get3A_412 = arith.constant 0 : index
    %get3A_413 = arith.constant 1536 : index
    %get3A_414 = arith.constant 0 : index
    %get3A_415 = vector.load %arg2[%get3A_412, %get3A_413, %get3A_414] : memref<1x2048x32xf32, #tpu.memory_space<vmem>>, vector<1x128x32xf32>
    %get3A_416 = vector.shape_cast %get3A_415 : vector<1x128x32xf32> to vector<128x32xf32>
    %dot_general3A_417 = arith.constant dense<0.000000e+00> : vector<128x128xf32>
    %dot_general3A_418 = tpu.matmul %get3A_416, %slice3A_2, %dot_general3A_417 {dimension_numbers = #tpu.dot_dimension_numbers<[1], [1], [0], [0], [0, 0, 1, 0], [], []>, transpose_lhs_hint = false} : vector<128x32xf32>, vector<128x32xf32>, vector<128x128xf32> -> vector<128x128xf32>
    %add3A_419 = arith.addf %dot_general3A_411, %dot_general3A_418 : vector<128x128xf32>
    %add3A_420 = vector.broadcast %get3A_5 : vector<1x128xf32> to vector<128x128xf32>
    %add3A_421 = arith.addf %add3A_419, %add3A_420 : vector<128x128xf32>
    %swap3A_422 = arith.constant 0 : index
    %swap3A_423 = arith.constant 1536 : index
    %swap3A_424 = arith.constant 0 : index
    %swap3A_425 = vector.load %arg5[%swap3A_422, %swap3A_423, %swap3A_424] : memref<1x2048x128xf32, #tpu.memory_space<vmem>>, vector<1x128x128xf32>
    %swap3A_426 = vector.shape_cast %swap3A_425 : vector<1x128x128xf32> to vector<128x128xf32>
    %swap3A_427 = vector.shape_cast %add3A_421 : vector<128x128xf32> to vector<1x128x128xf32>
    tpu.vector_store %arg5[%swap3A_422, %swap3A_423, %swap3A_424], %swap3A_427 {strides = array<i32>} : memref<1x2048x128xf32, #tpu.memory_space<vmem>>, vector<1x128x128xf32>,
    %get3A_428 = arith.constant 13 : index
    %get3A_429 = arith.constant 0 : index
    %get3A_430 = arith.constant 0 : index
    %get3A_431 = vector.load %arg1[%get3A_428, %get3A_429, %get3A_430] : memref<16x128x128xf32, #tpu.memory_space<vmem>>, vector<1x128x128xf32>
    %get3A_432 = vector.shape_cast %get3A_431 : vector<1x128x128xf32> to vector<128x128xf32>
    %slice3A_433 = vector.extract_strided_slice %get3A_432 {offsets = [96, 0], sizes = [32, 128], strides = [1, 1]} : vector<128x128xf32> to vector<32x128xf32>
    %reduce_sum3A_434 = arith.constant dense<0.000000e+00> : vector<128xf32>
    %reduce_sum3A_435 = vector.multi_reduction <add>, %slice3A_433, %reduce_sum3A_434 [0] : vector<32x128xf32> to vector<128xf32>
    %broadcast_in_dim3A_436 = vector.shape_cast %reduce_sum3A_435 : vector<128xf32> to vector<1x128xf32>
    %slice3A_437 = vector.extract_strided_slice %get3A_432 {offsets = [0, 0], sizes = [96, 128], strides = [1, 1]} : vector<128x128xf32> to vector<96x128xf32>
    %max3A_438 = arith.constant 1.000000e+00 : f32
    %max3A_439 = vector.broadcast %max3A_438 : f32 to vector<1x128xf32>
    %max3A_440 = arith.maximumf %broadcast_in_dim3A_436, %max3A_439 : vector<1x128xf32>
    %div3A_441 = vector.broadcast %max3A_440 : vector<1x128xf32> to vector<96x128xf32>
    %div3A_442 = arith.divf %slice3A_437, %div3A_441 : vector<96x128xf32>
    %dot_general3A_443 = arith.constant dense<0.000000e+00> : vector<128x128xf32>
    %dot_general3A_444 = tpu.matmul %div3A_442, %slice3A, %dot_general3A_443 {dimension_numbers = #tpu.dot_dimension_numbers<[0], [1], [1], [0], [0, 1, 1, 0], [], []>, transpose_lhs_hint = false} : vector<96x128xf32>, vector<128x96xf32>, vector<128x128xf32> -> vector<128x128xf32>
    %get3A_445 = arith.constant 0 : index
    %get3A_446 = arith.constant 1664 : index
    %get3A_447 = arith.constant 0 : index
    %get3A_448 = vector.load %arg2[%get3A_445, %get3A_446, %get3A_447] : memref<1x2048x32xf32, #tpu.memory_space<vmem>>, vector<1x128x32xf32>
    %get3A_449 = vector.shape_cast %get3A_448 : vector<1x128x32xf32> to vector<128x32xf32>
    %dot_general3A_450 = arith.constant dense<0.000000e+00> : vector<128x128xf32>
    %dot_general3A_451 = tpu.matmul %get3A_449, %slice3A_2, %dot_general3A_450 {dimension_numbers = #tpu.dot_dimension_numbers<[1], [1], [0], [0], [0, 0, 1, 0], [], []>, transpose_lhs_hint = false} : vector<128x32xf32>, vector<128x32xf32>, vector<128x128xf32> -> vector<128x128xf32>
    %add3A_452 = arith.addf %dot_general3A_444, %dot_general3A_451 : vector<128x128xf32>
    %add3A_453 = vector.broadcast %get3A_5 : vector<1x128xf32> to vector<128x128xf32>
    %add3A_454 = arith.addf %add3A_452, %add3A_453 : vector<128x128xf32>
    %swap3A_455 = arith.constant 0 : index
    %swap3A_456 = arith.constant 1664 : index
    %swap3A_457 = arith.constant 0 : index
    %swap3A_458 = vector.load %arg5[%swap3A_455, %swap3A_456, %swap3A_457] : memref<1x2048x128xf32, #tpu.memory_space<vmem>>, vector<1x128x128xf32>
    %swap3A_459 = vector.shape_cast %swap3A_458 : vector<1x128x128xf32> to vector<128x128xf32>
    %swap3A_460 = vector.shape_cast %add3A_454 : vector<128x128xf32> to vector<1x128x128xf32>
    tpu.vector_store %arg5[%swap3A_455, %swap3A_456, %swap3A_457], %swap3A_460 {strides = array<i32>} : memref<1x2048x128xf32, #tpu.memory_space<vmem>>, vector<1x128x128xf32>,
    %get3A_461 = arith.constant 14 : index
    %get3A_462 = arith.constant 0 : index
    %get3A_463 = arith.constant 0 : index
    %get3A_464 = vector.load %arg1[%get3A_461, %get3A_462, %get3A_463] : memref<16x128x128xf32, #tpu.memory_space<vmem>>, vector<1x128x128xf32>
    %get3A_465 = vector.shape_cast %get3A_464 : vector<1x128x128xf32> to vector<128x128xf32>
    %slice3A_466 = vector.extract_strided_slice %get3A_465 {offsets = [96, 0], sizes = [32, 128], strides = [1, 1]} : vector<128x128xf32> to vector<32x128xf32>
    %reduce_sum3A_467 = arith.constant dense<0.000000e+00> : vector<128xf32>
    %reduce_sum3A_468 = vector.multi_reduction <add>, %slice3A_466, %reduce_sum3A_467 [0] : vector<32x128xf32> to vector<128xf32>
    %broadcast_in_dim3A_469 = vector.shape_cast %reduce_sum3A_468 : vector<128xf32> to vector<1x128xf32>
    %slice3A_470 = vector.extract_strided_slice %get3A_465 {offsets = [0, 0], sizes = [96, 128], strides = [1, 1]} : vector<128x128xf32> to vector<96x128xf32>
    %max3A_471 = arith.constant 1.000000e+00 : f32
    %max3A_472 = vector.broadcast %max3A_471 : f32 to vector<1x128xf32>
    %max3A_473 = arith.maximumf %broadcast_in_dim3A_469, %max3A_472 : vector<1x128xf32>
    %div3A_474 = vector.broadcast %max3A_473 : vector<1x128xf32> to vector<96x128xf32>
    %div3A_475 = arith.divf %slice3A_470, %div3A_474 : vector<96x128xf32>
    %dot_general3A_476 = arith.constant dense<0.000000e+00> : vector<128x128xf32>
    %dot_general3A_477 = tpu.matmul %div3A_475, %slice3A, %dot_general3A_476 {dimension_numbers = #tpu.dot_dimension_numbers<[0], [1], [1], [0], [0, 1, 1, 0], [], []>, transpose_lhs_hint = false} : vector<96x128xf32>, vector<128x96xf32>, vector<128x128xf32> -> vector<128x128xf32>
    %get3A_478 = arith.constant 0 : index
    %get3A_479 = arith.constant 1792 : index
    %get3A_480 = arith.constant 0 : index
    %get3A_481 = vector.load %arg2[%get3A_478, %get3A_479, %get3A_480] : memref<1x2048x32xf32, #tpu.memory_space<vmem>>, vector<1x128x32xf32>
    %get3A_482 = vector.shape_cast %get3A_481 : vector<1x128x32xf32> to vector<128x32xf32>
    %dot_general3A_483 = arith.constant dense<0.000000e+00> : vector<128x128xf32>
    %dot_general3A_484 = tpu.matmul %get3A_482, %slice3A_2, %dot_general3A_483 {dimension_numbers = #tpu.dot_dimension_numbers<[1], [1], [0], [0], [0, 0, 1, 0], [], []>, transpose_lhs_hint = false} : vector<128x32xf32>, vector<128x32xf32>, vector<128x128xf32> -> vector<128x128xf32>
    %add3A_485 = arith.addf %dot_general3A_477, %dot_general3A_484 : vector<128x128xf32>
    %add3A_486 = vector.broadcast %get3A_5 : vector<1x128xf32> to vector<128x128xf32>
    %add3A_487 = arith.addf %add3A_485, %add3A_486 : vector<128x128xf32>
    %swap3A_488 = arith.constant 0 : index
    %swap3A_489 = arith.constant 1792 : index
    %swap3A_490 = arith.constant 0 : index
    %swap3A_491 = vector.load %arg5[%swap3A_488, %swap3A_489, %swap3A_490] : memref<1x2048x128xf32, #tpu.memory_space<vmem>>, vector<1x128x128xf32>
    %swap3A_492 = vector.shape_cast %swap3A_491 : vector<1x128x128xf32> to vector<128x128xf32>
    %swap3A_493 = vector.shape_cast %add3A_487 : vector<128x128xf32> to vector<1x128x128xf32>
    tpu.vector_store %arg5[%swap3A_488, %swap3A_489, %swap3A_490], %swap3A_493 {strides = array<i32>} : memref<1x2048x128xf32, #tpu.memory_space<vmem>>, vector<1x128x128xf32>,
    %get3A_494 = arith.constant 15 : index
    %get3A_495 = arith.constant 0 : index
    %get3A_496 = arith.constant 0 : index
    %get3A_497 = vector.load %arg1[%get3A_494, %get3A_495, %get3A_496] : memref<16x128x128xf32, #tpu.memory_space<vmem>>, vector<1x128x128xf32>
    %get3A_498 = vector.shape_cast %get3A_497 : vector<1x128x128xf32> to vector<128x128xf32>
    %slice3A_499 = vector.extract_strided_slice %get3A_498 {offsets = [96, 0], sizes = [32, 128], strides = [1, 1]} : vector<128x128xf32> to vector<32x128xf32>
    %reduce_sum3A_500 = arith.constant dense<0.000000e+00> : vector<128xf32>
    %reduce_sum3A_501 = vector.multi_reduction <add>, %slice3A_499, %reduce_sum3A_500 [0] : vector<32x128xf32> to vector<128xf32>
    %broadcast_in_dim3A_502 = vector.shape_cast %reduce_sum3A_501 : vector<128xf32> to vector<1x128xf32>
    %slice3A_503 = vector.extract_strided_slice %get3A_498 {offsets = [0, 0], sizes = [96, 128], strides = [1, 1]} : vector<128x128xf32> to vector<96x128xf32>
    %max3A_504 = arith.constant 1.000000e+00 : f32
    %max3A_505 = vector.broadcast %max3A_504 : f32 to vector<1x128xf32>
    %max3A_506 = arith.maximumf %broadcast_in_dim3A_502, %max3A_505 : vector<1x128xf32>
    %div3A_507 = vector.broadcast %max3A_506 : vector<1x128xf32> to vector<96x128xf32>
    %div3A_508 = arith.divf %slice3A_503, %div3A_507 : vector<96x128xf32>
    %dot_general3A_509 = arith.constant dense<0.000000e+00> : vector<128x128xf32>
    %dot_general3A_510 = tpu.matmul %div3A_508, %slice3A, %dot_general3A_509 {dimension_numbers = #tpu.dot_dimension_numbers<[0], [1], [1], [0], [0, 1, 1, 0], [], []>, transpose_lhs_hint = false} : vector<96x128xf32>, vector<128x96xf32>, vector<128x128xf32> -> vector<128x128xf32>
    %get3A_511 = arith.constant 0 : index
    %get3A_512 = arith.constant 1920 : index
    %get3A_513 = arith.constant 0 : index
    %get3A_514 = vector.load %arg2[%get3A_511, %get3A_512, %get3A_513] : memref<1x2048x32xf32, #tpu.memory_space<vmem>>, vector<1x128x32xf32>
    %get3A_515 = vector.shape_cast %get3A_514 : vector<1x128x32xf32> to vector<128x32xf32>
    %dot_general3A_516 = arith.constant dense<0.000000e+00> : vector<128x128xf32>
    %dot_general3A_517 = tpu.matmul %get3A_515, %slice3A_2, %dot_general3A_516 {dimension_numbers = #tpu.dot_dimension_numbers<[1], [1], [0], [0], [0, 0, 1, 0], [], []>, transpose_lhs_hint = false} : vector<128x32xf32>, vector<128x32xf32>, vector<128x128xf32> -> vector<128x128xf32>
    %add3A_518 = arith.addf %dot_general3A_510, %dot_general3A_517 : vector<128x128xf32>
    %add3A_519 = vector.broadcast %get3A_5 : vector<1x128xf32> to vector<128x128xf32>
    %add3A_520 = arith.addf %add3A_518, %add3A_519 : vector<128x128xf32>
    %swap3A_521 = arith.constant 0 : index
    %swap3A_522 = arith.constant 1920 : index
    %swap3A_523 = arith.constant 0 : index
    %swap3A_524 = vector.load %arg5[%swap3A_521, %swap3A_522, %swap3A_523] : memref<1x2048x128xf32, #tpu.memory_space<vmem>>, vector<1x128x128xf32>
    %swap3A_525 = vector.shape_cast %swap3A_524 : vector<1x128x128xf32> to vector<128x128xf32>
    %swap3A_526 = vector.shape_cast %add3A_520 : vector<128x128xf32> to vector<1x128x128xf32>
    tpu.vector_store %arg5[%swap3A_521, %swap3A_522, %swap3A_523], %swap3A_526 {strides = array<i32>} : memref<1x2048x128xf32, #tpu.memory_space<vmem>>, vector<1x128x128xf32>,
    return
  }
  func.func @transform_0(%arg0: i32) -> (i32, i32, i32) {
    %c0_i32 = arith.constant 0 : i32
    %c0_i32_0 = arith.constant 0 : i32
    %c0_i32_1 = arith.constant 0 : i32
    return %arg0, %c0_i32, %c0_i32_0 : i32, i32, i32
  }
  func.func @transform_1(%arg0: i32) -> (i32, i32, i32) {
    %c0_i32 = arith.constant 0 : i32
    %c0_i32_0 = arith.constant 0 : i32
    %c0_i32_1 = arith.constant 0 : i32
    return %c0_i32, %arg0, %c0_i32_0 : i32, i32, i32
  }
  func.func @transform_2(%arg0: i32) -> (i32, i32) {
    %c0_i32 = arith.constant 0 : i32
    %c0_i32_0 = arith.constant 0 : i32
    %c0_i32_1 = arith.constant 0 : i32
    return %c0_i32, %c0_i32_0 : i32, i32
  }
  func.func @transform_3(%arg0: i32) -> (i32, i32) {
    %c0_i32 = arith.constant 0 : i32
    %c0_i32_0 = arith.constant 0 : i32
    %c0_i32_1 = arith.constant 0 : i32
    return %c0_i32, %c0_i32_0 : i32, i32
  }
  func.func @transform_4(%arg0: i32) -> (i32, i32, i32) {
    %c0_i32 = arith.constant 0 : i32
    %c0_i32_0 = arith.constant 0 : i32
    %c0_i32_1 = arith.constant 0 : i32
    return %c0_i32, %arg0, %c0_i32_0 : i32, i32, i32
  }
}

</mosaic_0001>

<sc_bundles>
// kernel: kernel.4.cloned.1.call-start
scs
__scs_entry_jumppad:
0x0: {  	(pc) =	sbr.rel $0x88, $3  }
0x1: {  	(tag) =	ssettag $0x0;
	lr =	simm.s32 $0x1  }
0x2: {  	[smem:$0x3F9C] =	sst lr;
	_ =	strace $0xD0000000  }
0x3: {  	_ = 	snop  }
0x4: {  	_ = 	snop  }
0x5: {  	_ = 	snop  }
0x6: {  	_ = 	snop  }
0x7: {  	_ = 	snop  }
__scs_overlays_trampoline_lowered:
0x8: {  	[smem:$0x3FAB] =	sst s0  }
0x9: {  	[smem:$0x3FAC] =	sst s1  }
0xa: {  	[smem:$0x3FAD] =	sst s2  }
0xb: {  	[smem:$0x3FAE] =	sst s3  }
0xc: {  	[smem:$0x3FAF] =	sst s4  }
0xd: {  	[smem:$0x3FB0] =	sst s5  }
0xe: {  	[smem:$0x3FB1] =	sst s6  }
0xf: {  	[smem:$0x3FB2] =	sst s7  }
0x10: {  	[smem:$0x3FB3] =	sst s8  }
0x11: {  	[smem:$0x3FB4] =	sst s9;
	s0 =	simm.s32 @!p0 $0x0  }
0x12: {  	s1 =	sld [smem:$0x3F9A];
	s0 =	simm.s32 @p0 $0x1  }
0x13: {  	[smem:$0x3FB5] =	sst s0;
	s0 =	simm.s32 @!p1 $0x0  }
0x14: {  	s2 =	sld [smem:$0x3F99];
	s0 =	simm.s32 @p1 $0x1  }
0x15: {  	[smem:$0x3FB6] =	sst s0;
	s0 =	simm.s32 @!p2 $0x0  }
0x16: {  	s3 =	sld [smem:$0x3FDB];
	s0 =	simm.s32 @p2 $0x1  }
0x17: {  	s4 =	simm.s32 $0x1BF5;
	[smem:$0x3FB8] =	sst s0  }
0x18: {  	s0 =	sld [smem:$0x3F9B];
	_ =	swait.ge [sflag:s4], $0x0  }
0x19: {  	s7 =	sld [smem:$0x3F9C]  }
0x1a: {  	s8 =	sadd.s32 $0xFFFFE003, lr  }
0x1b: {  	s9 =	sadd.s32 $0xFFFFFEF7, lr;
	s5 =	simm.s32 $0xFFFFFFFF;
	p2 =	slt.u32 s8, $0xFFFFF086  }
0x1c: {  	p1 =	slt.u32 s9, $0xF7A;
	s5 =	simm.s32 @!p2 $0x0  }
0x1d: {  	s5 =	simm.s32 @p1 $0x1;
	p0 =	seq.s32 s7, s2  }
0x1e: {  	s7 =	smul.u32 @!p0 $0xF7A, s2;
	p2 =	seq.s32 @!p0 s5, $0x0  }
0x1f: {  	s9 =	smul.u32 $0xF7A, s1;
	s8 =	simm.s32 @!p0 $0x1BF5;
	p2 =	por !p2, p0  }
0x20: {  	[sflag:s8] =	ssyncset.s32 @!p0 $0xFFFFF086;
	s6 =	sadd.s32 @!p0 s3, s7;
	s7 =	simm.s32 @!p0 $0x108  }
0x21: {  	s3 =	sadd.s32 s3, s9;
	s6 =	sadd.s32 @!p0 $0x88, s6;
	s7 =	simm.s32 @p2 $0x1082  }
0x22: {  	[simem:s7], [sflag:s8] =	dma.local @!p0 [hbm:s6], $0xF7A  }
0x23: {  	s9 =	sor.u32 $0xD0000000, s2;
	s6 =	simm.s32 $0x108;
	_ =	swait.ge @!p0 [sflag:s8], $0x0  }
0x24: {  	s3 =	sadd.s32 $0x88, s3;
	s6 =	simm.s32 @!p1 $0x1082;
	[sflag:s4] =	ssyncset.s32 $0xFFFFF086  }
0x25: {  	[simem:s6], [sflag:s4] =	dma.local [hbm:s3], $0xF7A  }
0x26: {  	[smem:$0x3F9C] =	sst s1;
	(tag) =	ssettag s2;
	_ =	strace s9  }
0x27: {  	s1 =	sld [smem:$0x3FAC]  }
0x28: {  	s2 =	sld [smem:$0x3FAD]  }
0x29: {  	s4 =	sld [smem:$0x3FAF]  }
0x2a: {  	p0 =	seq.s32 s5, $0x0;
	s5 =	sld [smem:$0x3FB0]  }
0x2b: {  	s6 =	sld [smem:$0x3FB1]  }
0x2c: {  	s7 =	sld [smem:$0x3FB2]  }
0x2d: {  	s3 =	simm.s32 $0x108;
	s8 =	sld [smem:$0x3FB3]  }
0x2e: {  	s3 =	simm.s32 @!p0 $0x1082;
	s9 =	sld [smem:$0x3FB4]  }
0x2f: {  	lr =	sadd.s32 s0, s3;
	s0 =	sld [smem:$0x3FAB]  }
0x30: {  	s3 =	sld [smem:$0x3FAE]  }
0x31: {  	[smem:$0x3FB7] =	sst s10  }
0x32: {  	s10 =	sld [smem:$0x3FB5];
	_ =	sdelay $0x3  }
0x33: {  	p0 =	seq.s32 s10, $0x1;
	s10 =	sld [smem:$0x3FB7];
	_ =	sdelay $0x3  }
0x34: {  	[smem:$0x3FB7] =	sst s10  }
0x35: {  	s10 =	sld [smem:$0x3FB6];
	_ =	sdelay $0x3  }
0x36: {  	p1 =	seq.s32 s10, $0x1;
	s10 =	sld [smem:$0x3FB7];
	_ =	sdelay $0x3  }
0x37: {  	[smem:$0x3FB7] =	sst s10  }
0x38: {  	s10 =	sld [smem:$0x3FB8]  }
0x39: {  	_ = 	snop;
	(pc) =	sbr.ind lr, $3  }
0x3a: {  	_ = 	snop  }
0x3b: {  	_ = 	snop  }
0x3c: {  	p2 =	seq.s32 s10, $0x1;
	s10 =	sld [smem:$0x3FB7]  }
0x3d: {  	_ =	shalt  }
0x3e: {  	_ =	shalt  }
0x3f: {  	_ =	shalt  }
0x40: {  	_ =	shalt  }
0x41: {  	_ =	shalt  }
0x42: {  	_ =	shalt  }
0x43: {  	_ =	shalt  }
0x44: {  	_ =	shalt  }
0x45: {  	_ =	shalt  }
0x46: {  	_ =	shalt  }
0x47: {  	_ =	shalt  }
0x48: {  	_ =	shalt  }
0x49: {  	_ =	shalt  }
0x4a: {  	_ =	shalt  }
0x4b: {  	_ =	shalt  }
0x4c: {  	_ =	shalt  }
0x4d: {  	_ =	shalt  }
0x4e: {  	_ =	shalt  }
0x4f: {  	_ =	shalt  }
0x50: {  	_ =	shalt  }
0x51: {  	_ =	shalt  }
0x52: {  	_ =	shalt  }
0x53: {  	_ =	shalt  }
0x54: {  	_ =	shalt  }
0x55: {  	_ =	shalt  }
0x56: {  	_ =	shalt  }
0x57: {  	_ =	shalt  }
0x58: {  	_ =	shalt  }
0x59: {  	_ =	shalt  }
0x5a: {  	_ =	shalt  }
0x5b: {  	_ =	shalt  }
0x5c: {  	_ =	shalt  }
0x5d: {  	_ =	shalt  }
0x5e: {  	_ =	shalt  }
0x5f: {  	_ =	shalt  }
0x60: {  	_ =	shalt  }
0x61: {  	_ =	shalt  }
0x62: {  	_ =	shalt  }
0x63: {  	_ =	shalt  }
0x64: {  	_ =	shalt  }
0x65: {  	_ =	shalt  }
0x66: {  	_ =	shalt  }
0x67: {  	_ =	shalt  }
0x68: {  	_ =	shalt  }
0x69: {  	_ =	shalt  }
0x6a: {  	_ =	shalt  }
0x6b: {  	_ =	shalt  }
0x6c: {  	_ =	shalt  }
0x6d: {  	_ =	shalt  }
0x6e: {  	_ =	shalt  }
0x6f: {  	_ =	shalt  }
0x70: {  	_ =	shalt  }
0x71: {  	_ =	shalt  }
0x72: {  	_ =	shalt  }
0x73: {  	_ =	shalt  }
0x74: {  	_ =	shalt  }
0x75: {  	_ =	shalt  }
0x76: {  	_ =	shalt  }
0x77: {  	_ =	shalt  }
0x78: {  	_ =	shalt  }
0x79: {  	_ =	shalt  }
0x7a: {  	_ =	shalt  }
0x7b: {  	_ =	shalt  }
0x7c: {  	_ =	shalt  }
0x7d: {  	_ =	shalt  }
0x7e: {  	_ =	shalt  }
0x7f: {  	_ =	shalt  }
0x80: {  	_ =	shalt  }
0x81: {  	_ =	shalt  }
0x82: {  	_ =	shalt  }
0x83: {  	_ =	shalt  }
0x84: {  	_ =	shalt  }
0x85: {  	_ =	shalt  }
0x86: {  	_ =	shalt  }
0x87: {  	_ =	shalt  }
.Lfunc_end0:
.L_simem_size_0:
called_computation_lowered:
.L_overlay_start_0:
0x88: {  	s2 =	sld [smem:$0x3FD9]  }
0x89: {  	s3 =	sld [smem:$0x3FFE];
	_ =	sdelay $0x1  }
0x8a: {  	s1 =	srdreg.scid  }
0x8b: {  	s0 =	sand.u32 $0x1, s1  }
0x8c: {  	s17 =	sshll.u32 s0, $0xA;
	s2 =	sadd.s32 s3, s2  }
0x8d: {  	s2 =	sadd.s32 s2, s17  }
0x8e: {  	[smem:$0x3FC3] =	sst s2  }
0x8f: {  	_ = 	snop  }
0x90: {  	s2 =	sld [smem:$0x3FC7];
	(tm) =	ssettm $0x1  }
0x91: {  	s18 =	sld [smem:$0x3FFB];
	_ =	sdelay $0x3  }
0x92: {  	_ =	strace s18  }
0x93: {  	s3 =	sld [smem:$0x3FFC];
	_ =	sdelay $0x3  }
0x94: {  	_ =	strace s3  }
0x95: {  	s3 =	sld [smem:$0x3FFD];
	_ =	sdelay $0x3  }
0x96: {  	_ =	strace s3  }
0x97: {  	_ =	strace $0x8FFFFFFF  }
0x98: {  	s19 =	sld [smem:$0x3FDB];
	_ =	sdelay $0x1  }
0x99: {  	s4 =	simm.s32 $_scs_section_size  }
0x9a: {  	s5 =	simm.s32 $_size__tile_overlayer_lowered;
	s6 =	simm.s32 $_tile_overlayer_lowered  }
0x9b: {  	s22 =	simm.s32 $0x1BFF;
	s21 =	sshll.u32 s6, $0x1;
	s3 =	sadd.s32 s4, s19  }
0x9c: {  	s7 =	simm.s32 $0x0;
	s20 =	sshll.u32 s5, $0x1;
	s5 =	sadd.s32 s21, s3  }
0x9d: {  	[timem:s7], [sflag:s22] =	dma.local [hbm:s5], s20  }
0x9e: {  	_ =	swait.ge [sflag:s22], s20  }
0x9f: {  	s4 =	ssub.s32 $0x0, s20;
	[sflag:s22] =	ssyncset.done $0x0  }
0xa0: {  	[sflag:s22] =	ssyncadd.s32 s4;
	_ =	sdelay $0x1  }
0xa1: {  	s23 =	simm.s32 $0x1B8B  }
0xa2: {  	_ =	swait.ge [sflag:s23], $0x1  }
0xa3: {  	[sflag:s23] =	ssyncset.done $0x0  }
0xa4: {  	s25 =	simm.s32 $0x1B8E;
	s24 =	sld [smem:$0x3FFE];
	[sflag:s23] =	ssyncadd.s32 $0xFFFFFFFF  }
0xa5: {  	s26 =	simm.s32 $execute0_lowered;
	[smem:$0x3FD2] =	sst s25  }
0xa6: {  	s5 =	sshll.u32 s26, $0x1;
	_ =	strace $0x80000046;
	[dreg:$0x1] =	wrdreg $0xFFFFFFFF  }
0xa7: {  	s28 =	simm.s32 $_size_execute0_lowered;
	s3 =	sadd.s32 s3, s5;
	[dreg:$0x0] =	wrdreg $0x0  }
0xa8: {  	s5 =	sshll.u32 s28, $0x1;
	[dreg:$0x2] =	wrdreg s3  }
0xa9: {  	[dreg:$0x3] =	wrdreg s5  }
0xaa: {  	[dreg:$0x4] =	wrdreg $0xC0  }
0xab: {  	_ =	task [dreg:s7], $0x5FFFF  }
0xac: {  	[dreg:$0x1] =	wrdreg $0xFFFFFFFF  }
0xad: {  	[dreg:$0x0] =	wrdreg $0x60  }
0xae: {  	[dreg:$0x2] =	wrdreg s24  }
0xaf: {  	[dreg:$0x3] =	wrdreg s2  }
0xb0: {  	[dreg:$0x4] =	wrdreg $0x9  }
0xb1: {  	_ =	task.clear_ibuf [dreg:s7], $0x5FFFF;
	_ =	strace $0x90000046  }
0xb2: {  	s29 =	simm.s32 $0x9;
	_ =	strace $0x80000048  }
0xb3: {  	_ =	swait.ge [sflag:s29], $0x1  }
0xb4: {  	[sflag:s29] =	ssyncadd.s32 $0xFFFFFFFF  }
0xb5: {  	_ =	strace $0x90000048  }
0xb6: {  	_ =	sfence  }
0xb7: {  	s30 =	sld [smem:$0x0];
	_ =	sdelay $0x2  }
0xb8: {  	s31 =	sshll.u32 s1, $0xD;
	s1 =	sshrl.u32 s1, $0x2  }
0xb9: {  	s3 =	sand.u32 $0x4000, s31;
	s1 =	sadd.s32 s1, s30  }
0xba: {  	s0 =	sor.u32 s3, s0;
	s1 =	sshll.u32 s1, $0x11  }
0xbb: {  	s0 =	sor.u32 s1, s0  }
0xbc: {  	s0 =	sadd.s32 $0x8F2B, s0  }
0xbd: {  	[sflag:s0] =	ssyncadd.remote.s32 $0x1  }
0xbe: {  	_ =	sfence.sel $0xFFFF  }
0xbf: {  	[dreg:$0x0] =	wrdreg $0xFFFFFFFF;
	(pc) =	sbr.abs _section_cstart, $3  }
0xc0: {  	[dreg:$0x1] =	wrdreg $0xFFFFFFFF  }
0xc1: {  	_ =	task.clear_ibuf [dreg:s7], $0x2FFFF;
	_ =	strace $0x9FFFFFFF  }
0xc2: {  	(tm) =	ssettm $0x7FFFFFFF  }
0xc3: {  	_ =	shalt  }
tec
execute0_lowered:
.L_overlay_start_1:
0x0: {  	(tag) =	ssettag $0x1  }
0x1: {  	s0 =	rddreg [dreg:$0x0];
	s1 =	srdreg.scid  }
0x2: {  	s13 =	stileid.u32;
	s2 =	rddreg [dreg:$0x1];
	s3 =	simm.s32 $0x0  }
0x3: {  	s28 =	simm.s32 $0x19F80;
	s29 =	simm.s32 $0x1D080;
	s30 =	simm.s32 $0x1  }
0x4: {  	s31 =	simm.s32 $0x3;
	s1 =	sand.u32 $0x1, s1;
	s4 =	sshll.u32 s13, $0x1  }
0x5: {  	[smem:$0x7FF] =	sst s3;
	s11 =	sadd.s32 $0x310, s2;
	s5 =	sor.u32 s1, s4  }
0x6: {  	p0 =	sgt.u32 s13, $0x7;
	s1 =	ssub.s32 $0x2, s1;
	s6 =	smul.u32 $0x310, s5  }
0x7: {  	_ =	strace $0x80000047;
	s4 =	sadd.s32 $0xA00, s0;
	s8 =	smul.u32 $0x1880, s5  }
0x8: {  	s0 =	sadd.s32 $0x372A00, s0;
	s7 =	sshrl.u32 s1, $0x1;
	s10 =	smul.u32 $0x4980, s5  }
0x9: {  	s17 =	sshll.u32 s5, $0x4;
	s19 =	smul.u32 $0x24C00, s5;
	s1 =	ssub.s32 s1, s7  }
0xa: {  	s18 =	sadd.s32 s17, s0;
	s6 =	sadd.s32 s2, s6;
	s16 =	sshrl.u32 s8, $0x3  }
0xb: {  	[dreg:$0x3] =	wrdreg s6;
	s6 =	smul.u32 $0x3, s5;
	s7 =	sadd.s32 s2, s16  }
0xc: {  	s10 =	sadd.s32 s4, s10;
	s5 =	smul.u32 $0x30, s5;
	s7 =	sadd.s32 $0x6200, s7  }
0xd: {  	s20 =	sshrl.u32 s19, $0x3;
	s23 =	sadd.s32 $0x18800, s19;
	[dreg:$0x4] =	wrdreg s7  }
0xe: {  	s7 =	sadd.s32 $0x600, s18;
	s9 =	sadd.s32 $0x1, s6;
	s5 =	sadd.s32 s0, s5  }
0xf: {  	s17 =	sadd.s32 $0x2, s6;
	s18 =	sadd.s32 $0x3100, s10;
	s12 =	smul.u32 $0xC400, s9  }
0x10: {  	[dreg:$0x5] =	wrdreg s7;
	s7 =	sadd.s32 s4, s20;
	s14 =	smul.u32 $0x1880, s9  }
0x11: {  	[dreg:$0x7] =	wrdreg s5;
	s24 =	sshll.u32 s9, $0x4;
	s26 =	sshll.u32 s17, $0x4  }
0x12: {  	s7 =	sadd.s32 $0x310, s7;
	s20 =	sadd.s32 s0, s26;
	s26 =	simm.s32 $0x1B800  }
0x13: {  	[dreg:$0x6] =	wrdreg s7;
	s21 =	sshrl.u32 s12, $0x3;
	s22 =	sadd.s32 s4, s14  }
0x14: {  	s7 =	sshrl.u32 s23, $0x3;
	s23 =	simm.s32 $0x5;
	[dreg:$0x8] =	wrdreg s22  }
.Ltmp0:
0x15: {  	s5 =	sadd.s32 s4, s21;
	s25 =	sadd.s32 s4, s7;
	(pc) =	sbr.rel .LBB2_1-.Ltmp0, $4  }
0x16: {  	s21 =	smax.u32 s1, $0x1;
	s22 =	simm.s32 $0x18700;
	s1 =	simm.s32 $0x2  }
0x17: {  	s7 =	simm.s32 $0x0;
	s5 =	sadd.s32 $0x310, s5;
	s19 =	sadd.s32 $0x310, s25  }
0x18: {  	s25 =	simm.s32 $0x4000;
	[dreg:$0x9] =	wrdreg s5;
	s5 =	sadd.s32 s0, s24  }
0x19: {  	v0 =	vimm.f32 $0.0e+00;
	v1 =	vimm.f32 $1.000000000e+00;
	s24 =	simm.s32 $0x80;
	s0 =	simm.s32 $0x4;
	[dreg:$0xa] =	wrdreg s5  }
.LBB2_35:
0x1a: {  	s7 =	sadd.s32 $0x1, s7  }
0x1b: {  	p1 =	sne.s32 s7, s21  }
.Ltmp1:
0x1c: {  	_ = 	snop;
	(pc) =	sbr.rel @!p1 .LBB2_36-.Ltmp1, $4  }
0x1d: {  	[hbm4b:s20+s24] =	stream.strided.scatter [tilespmem:s3], [sflag:$0x5], $0x18700, s25, s24, $0x38;
	[tilespmem:$0x1E900] =	vst v63  }
0x1e: {  	_ =	swait.ge [sflag:s23], $0x18700  }
0x1f: {  	[sflag:s23] =	ssyncset.done $0x0  }
0x20: {  	[sflag:s23] =	ssyncadd.s32 $0xFFFE7900  }
.LBB2_1:
0x21: {  	s5 =	simm.s32 $0x0;
	s8 =	simm.s32 $0x200  }
.LBB2_2:
0x22: {  	p1 =	sne.s32 s8, $0x61A00;
	[tilespmem:s5+$0x70] =	vst v0  }
0x23: {  	[tilespmem:s5+$0x0] =	vst v0  }
0x24: {  	[tilespmem:s5+$0x10] =	vst v0  }
.Ltmp2:
0x25: {  	[tilespmem:s5+$0x20] =	vst v0;
	(pc) =	sbr.rel @p1 .LBB2_2-.Ltmp2, $4  }
0x26: {  	[tilespmem:s5+$0x30] =	vst v0  }
0x27: {  	[tilespmem:s5+$0x40] =	vst v0  }
0x28: {  	[tilespmem:s5+$0x50] =	vst v0  }
0x29: {  	[tilespmem:s5+$0x60] =	vst v0;
	s5 =	sshra.s32 s8, $0x2;
	s8 =	sadd.s32 $0x200, s8  }
0x2a: {  	[tilespmem:s5+$0x70] =	vst v0  }
0x2b: {  	[tilespmem:s5+$0x0] =	vst v0  }
0x2c: {  	[tilespmem:s5+$0x10] =	vst v0  }
0x2d: {  	[tilespmem:s5+$0x20] =	vst v0  }
0x2e: {  	[tilespmem:s5+$0x30] =	vst v0  }
0x2f: {  	[tilespmem:s5+$0x40] =	vst v0  }
0x30: {  	[tilespmem:s5+$0x50] =	vst v0  }
0x31: {  	[tilespmem:s5+$0x60] =	vst v0;
	s5 =	simm.s32 $0x0;
	s8 =	rddreg [dreg:$0x3]  }
0x32: {  	[tilespmem:s22], [sflag:$0x5] =	stream.linear.gather [hbm4b:s8+s5], $0x1880, $0x38;
	[tilespmem:$0x1E900] =	vst v63  }
0x33: {  	_ =	swait.ge [sflag:s23], $0x1880  }
0x34: {  	[sflag:s23] =	ssyncset.done $0x0  }
0x35: {  	[sflag:s23] =	ssyncadd.s32 $0xFFFFE780  }
.LBB2_4:
0x36: {  	s8 =	sshra.s32 s5, $0x2  }
0x37: {  	v2 =	vld [tilespmem:s8+$0x18700];
	_ =	sdelay $0x7  }
0x38: {  	[tilespmem:v2+s3+$0x0] =	vst.idx.add.f32.msk $0xffff, v1  }
0x39: {  	v2 =	vld [tilespmem:s8+$0x18710];
	_ =	sdelay $0x7  }
0x3a: {  	[tilespmem:v2+s3+$0x0] =	vst.idx.add.f32.msk $0xffff, v1  }
0x3b: {  	v2 =	vld [tilespmem:s8+$0x18720];
	_ =	sdelay $0x7  }
0x3c: {  	[tilespmem:v2+s3+$0x0] =	vst.idx.add.f32.msk $0xffff, v1  }
0x3d: {  	v2 =	vld [tilespmem:s8+$0x18730];
	_ =	sdelay $0x7  }
0x3e: {  	[tilespmem:v2+s3+$0x0] =	vst.idx.add.f32.msk $0xffff, v1  }
0x3f: {  	v2 =	vld [tilespmem:s8+$0x18740];
	_ =	sdelay $0x7  }
0x40: {  	[tilespmem:v2+s3+$0x0] =	vst.idx.add.f32.msk $0xffff, v1  }
0x41: {  	v2 =	vld [tilespmem:s8+$0x18750];
	_ =	sdelay $0x7  }
0x42: {  	[tilespmem:v2+s3+$0x0] =	vst.idx.add.f32.msk $0xffff, v1  }
0x43: {  	v2 =	vld [tilespmem:s8+$0x18760];
	_ =	sdelay $0x7  }
0x44: {  	[tilespmem:v2+s3+$0x0] =	vst.idx.add.f32.msk $0xffff, v1  }
0x45: {  	v2 =	vld [tilespmem:s8+$0x18770];
	_ =	sdelay $0x2  }
0x46: {  	p1 =	sne.s32 s5, $0x6000  }
.Ltmp3:
0x47: {  	_ = 	snop;
	(pc) =	sbr.rel @p1 .LBB2_4-.Ltmp3, $2  }
0x48: {  	_ =	sdelay $0x2  }
0x49: {  	s5 =	sadd.s32 $0x200, s5;
	[tilespmem:v2+s3+$0x0] =	vst.idx.add.f32.msk $0xffff, v1  }
.Ltmp4:
0x4a: {  	(pc) =	sbr.rel @p0 .LBB2_8-.Ltmp4, $1  }
0x4b: {  	_ =	sdelay $0x3  }
0x4c: {  	s5 =	simm.s32 $0x0;
	s8 =	rddreg [dreg:$0x4]  }
0x4d: {  	[tilespmem:s22], [sflag:$0x5] =	stream.linear.gather [hbm4b:s8+s5], $0x1880, $0x38;
	[tilespmem:$0x1E900] =	vst v63  }
0x4e: {  	_ =	swait.ge [sflag:s23], $0x1880  }
0x4f: {  	[sflag:s23] =	ssyncset.done $0x0  }
0x50: {  	[sflag:s23] =	ssyncadd.s32 $0xFFFFE780  }
.LBB2_7:
0x51: {  	s8 =	sshra.s32 s5, $0x2  }
0x52: {  	v2 =	vld [tilespmem:s8+$0x18700];
	_ =	sdelay $0x7  }
0x53: {  	[tilespmem:v2+s3+$0x0] =	vst.idx.add.f32.msk $0xffff, v1  }
0x54: {  	v2 =	vld [tilespmem:s8+$0x18710];
	_ =	sdelay $0x7  }
0x55: {  	[tilespmem:v2+s3+$0x0] =	vst.idx.add.f32.msk $0xffff, v1  }
0x56: {  	v2 =	vld [tilespmem:s8+$0x18720];
	_ =	sdelay $0x7  }
0x57: {  	[tilespmem:v2+s3+$0x0] =	vst.idx.add.f32.msk $0xffff, v1  }
0x58: {  	v2 =	vld [tilespmem:s8+$0x18730];
	_ =	sdelay $0x7  }
0x59: {  	[tilespmem:v2+s3+$0x0] =	vst.idx.add.f32.msk $0xffff, v1  }
0x5a: {  	v2 =	vld [tilespmem:s8+$0x18740];
	_ =	sdelay $0x7  }
0x5b: {  	[tilespmem:v2+s3+$0x0] =	vst.idx.add.f32.msk $0xffff, v1  }
0x5c: {  	v2 =	vld [tilespmem:s8+$0x18750];
	_ =	sdelay $0x7  }
0x5d: {  	[tilespmem:v2+s3+$0x0] =	vst.idx.add.f32.msk $0xffff, v1  }
0x5e: {  	v2 =	vld [tilespmem:s8+$0x18760];
	_ =	sdelay $0x7  }
0x5f: {  	[tilespmem:v2+s3+$0x0] =	vst.idx.add.f32.msk $0xffff, v1  }
0x60: {  	v2 =	vld [tilespmem:s8+$0x18770];
	_ =	sdelay $0x2  }
0x61: {  	p1 =	sne.s32 s5, $0x6000  }
.Ltmp5:
0x62: {  	_ = 	snop;
	(pc) =	sbr.rel @p1 .LBB2_7-.Ltmp5, $2  }
0x63: {  	_ =	sdelay $0x2  }
0x64: {  	s5 =	sadd.s32 $0x200, s5;
	[tilespmem:v2+s3+$0x0] =	vst.idx.add.f32.msk $0xffff, v1  }
.LBB2_8:
0x65: {  	s5 =	simm.s32 $0x0;
	s8 =	rddreg [dreg:$0x5]  }
0x66: {  	[hbm4b:s8+s24] =	stream.strided.scatter [tilespmem:s5], [sflag:$0x5], $0x18700, s25, s24, $0x38;
	[tilespmem:$0x1E900] =	vst v63  }
0x67: {  	_ =	swait.ge [sflag:s23], $0x18700  }
0x68: {  	[sflag:s23] =	ssyncset.done $0x0  }
0x69: {  	s5 =	simm.s32 $0x0;
	s8 =	simm.s32 $0x200;
	[sflag:s23] =	ssyncadd.s32 $0xFFFE7900  }
.LBB2_9:
0x6a: {  	p1 =	sne.s32 s8, $0x61A00;
	[tilespmem:s5+$0x70] =	vst v0  }
0x6b: {  	[tilespmem:s5+$0x0] =	vst v0  }
0x6c: {  	[tilespmem:s5+$0x10] =	vst v0  }
.Ltmp6:
0x6d: {  	[tilespmem:s5+$0x20] =	vst v0;
	(pc) =	sbr.rel @p1 .LBB2_9-.Ltmp6, $4  }
0x6e: {  	[tilespmem:s5+$0x30] =	vst v0  }
0x6f: {  	[tilespmem:s5+$0x40] =	vst v0  }
0x70: {  	[tilespmem:s5+$0x50] =	vst v0  }
0x71: {  	[tilespmem:s5+$0x60] =	vst v0;
	s5 =	sshra.s32 s8, $0x2;
	s8 =	sadd.s32 $0x200, s8  }
0x72: {  	[tilespmem:s5+$0x70] =	vst v0  }
0x73: {  	[tilespmem:s5+$0x0] =	vst v0  }
0x74: {  	[tilespmem:s5+$0x10] =	vst v0  }
0x75: {  	[tilespmem:s5+$0x20] =	vst v0  }
0x76: {  	[tilespmem:s5+$0x30] =	vst v0  }
0x77: {  	[tilespmem:s5+$0x40] =	vst v0  }
0x78: {  	[tilespmem:s5+$0x50] =	vst v0  }
0x79: {  	[tilespmem:s5+$0x60] =	vst v0;
	s5 =	simm.s32 $0x0  }
0x7a: {  	[tilespmem:s22], [sflag:$0x1] =	stream.linear.gather [hbm4b:s2+s5], $0x1880, $0x38;
	[tilespmem:$0x1E900] =	vst v63  }
0x7b: {  	_ = 	snop  }
0x7c: {  	[tilespmem:s26], [sflag:$0x3] =	stream.linear.gather [hbm4b:s10+s5], $0x1880, $0x38;
	[tilespmem:$0x1E900] =	vst v63  }
0x7d: {  	_ = 	snop  }
0x7e: {  	[tilespmem:s28], [sflag:$0x2] =	stream.linear.gather [hbm4b:s11+s5], $0x1880, $0x38;
	[tilespmem:$0x1E900] =	vst v63  }
0x7f: {  	s8 =	rddreg [dreg:$0x6]  }
0x80: {  	[tilespmem:s29], [sflag:$0x4] =	stream.linear.gather [hbm4b:s8+s5], $0x1880, $0x38;
	[tilespmem:$0x1E900] =	vst v63  }
.LBB2_11:
0x81: {  	_ =	swait.ge [sflag:s30], $0x1880  }
0x82: {  	[sflag:s30] =	ssyncset.done $0x0  }
0x83: {  	[sflag:s30] =	ssyncadd.s32 $0xFFFFE780  }
0x84: {  	_ =	swait.ge [sflag:s31], $0x1880  }
0x85: {  	[sflag:s31] =	ssyncset.done $0x0  }
0x86: {  	s8 =	simm.s32 $0x0;
	[sflag:s31] =	ssyncadd.s32 $0xFFFFE780  }
.LBB2_12:
0x87: {  	s12 =	sshra.s32 s8, $0x2  }
0x88: {  	v2 =	vld [tilespmem:s12+$0x18700];
	_ =	sdelay $0x2  }
0x89: {  	v3 =	vld [tilespmem:s12+$0x1B800];
	_ =	sdelay $0x4  }
0x8a: {  	[tilespmem:v2+s3+$0x0] =	vst.idx.add.f32.msk $0xffff, v3  }
0x8b: {  	v2 =	vld [tilespmem:s12+$0x18710];
	_ =	sdelay $0x2  }
0x8c: {  	v3 =	vld [tilespmem:s12+$0x1B810];
	_ =	sdelay $0x4  }
0x8d: {  	[tilespmem:v2+s3+$0x0] =	vst.idx.add.f32.msk $0xffff, v3  }
0x8e: {  	v2 =	vld [tilespmem:s12+$0x18720];
	_ =	sdelay $0x2  }
0x8f: {  	v3 =	vld [tilespmem:s12+$0x1B820];
	_ =	sdelay $0x4  }
0x90: {  	[tilespmem:v2+s3+$0x0] =	vst.idx.add.f32.msk $0xffff, v3  }
0x91: {  	v2 =	vld [tilespmem:s12+$0x18730];
	_ =	sdelay $0x2  }
0x92: {  	v3 =	vld [tilespmem:s12+$0x1B830];
	_ =	sdelay $0x4  }
0x93: {  	[tilespmem:v2+s3+$0x0] =	vst.idx.add.f32.msk $0xffff, v3  }
0x94: {  	v2 =	vld [tilespmem:s12+$0x18740];
	_ =	sdelay $0x2  }
0x95: {  	v3 =	vld [tilespmem:s12+$0x1B840];
	_ =	sdelay $0x4  }
0x96: {  	[tilespmem:v2+s3+$0x0] =	vst.idx.add.f32.msk $0xffff, v3  }
0x97: {  	v2 =	vld [tilespmem:s12+$0x18750];
	_ =	sdelay $0x2  }
0x98: {  	v3 =	vld [tilespmem:s12+$0x1B850];
	_ =	sdelay $0x4  }
0x99: {  	[tilespmem:v2+s3+$0x0] =	vst.idx.add.f32.msk $0xffff, v3  }
0x9a: {  	v2 =	vld [tilespmem:s12+$0x18760];
	_ =	sdelay $0x2  }
0x9b: {  	v3 =	vld [tilespmem:s12+$0x1B860];
	_ =	sdelay $0x4  }
0x9c: {  	[tilespmem:v2+s3+$0x0] =	vst.idx.add.f32.msk $0xffff, v3  }
0x9d: {  	v2 =	vld [tilespmem:s12+$0x18770];
	_ =	sdelay $0x2  }
0x9e: {  	p1 =	sne.s32 s8, $0x6000;
	v3 =	vld [tilespmem:s12+$0x1B870]  }
.Ltmp7:
0x9f: {  	_ = 	snop;
	(pc) =	sbr.rel @p1 .LBB2_12-.Ltmp7, $2  }
0xa0: {  	_ =	sdelay $0x2  }
0xa1: {  	s8 =	sadd.s32 $0x200, s8;
	[tilespmem:v2+s3+$0x0] =	vst.idx.add.f32.msk $0xffff, v3  }
0xa2: {  	s8 =	sshll.u32 s5, $0x1;
	p1 =	seq.s32 s5, $0x17  }
0xa3: {  	s12 =	sadd.s32 @!p1 $0x2, s8  }
0xa4: {  	s13 =	sshrl.u32 @!p1 s12, $0x3  }
0xa5: {  	s12 =	sand.u32 @!p1 $0x6, s12;
	s14 =	smul.u32 @!p1 $0x188, s13  }
0xa6: {  	s12 =	smul.u32 @!p1 $0x31, s12  }
0xa7: {  	s13 =	smul.u32 @!p1 $0x60, s13;
	_ =	sdelay $0x1  }
0xa8: {  	s14 =	sadd.s32 @!p1 s12, s14;
	s13 =	sadd.s32 @!p1 s6, s13  }
0xa9: {  	s14 =	sshll.u32 @!p1 s14, $0x4;
	s13 =	smul.u32 @!p1 $0x188, s13  }
0xaa: {  	s15 =	simm.s32 @!p1 $0x0;
	s14 =	sand.u32 @!p1 $0x1FFFFFE0, s14  }
0xab: {  	s16 =	simm.s32 @!p1 $0x18700;
	s14 =	sadd.s32 @!p1 s2, s14;
	s12 =	sadd.s32 @!p1 s12, s13  }
0xac: {  	[tilespmem:s16], [sflag:$0x1] =	stream.linear.gather @!p1 [hbm4b:s14+s15], $0x1880, $0x38;
	[tilespmem:$0x1E900] =	vst v63  }
0xad: {  	s12 =	sshll.u32 @!p1 s12, $0x4  }
0xae: {  	s12 =	sand.u32 @!p1 $0x1FFFFFE0, s12  }
0xaf: {  	s13 =	simm.s32 @!p1 $0x1B800;
	s12 =	sadd.s32 @!p1 s4, s12  }
0xb0: {  	[tilespmem:s13], [sflag:$0x3] =	stream.linear.gather @!p1 [hbm4b:s12+s15], $0x1880, $0x38;
	[tilespmem:$0x1E900] =	vst v63  }
0xb1: {  	_ =	swait.ge [sflag:s1], $0x1880  }
0xb2: {  	[sflag:s1] =	ssyncset.done $0x0  }
0xb3: {  	[sflag:s1] =	ssyncadd.s32 $0xFFFFE780  }
0xb4: {  	_ =	swait.ge [sflag:s0], $0x1880  }
0xb5: {  	[sflag:s0] =	ssyncset.done $0x0  }
0xb6: {  	s12 =	simm.s32 $0x0;
	[sflag:s0] =	ssyncadd.s32 $0xFFFFE780  }
.LBB2_14:
0xb7: {  	s13 =	sshra.s32 s12, $0x2  }
0xb8: {  	v2 =	vld [tilespmem:s13+$0x19F80];
	_ =	sdelay $0x2  }
0xb9: {  	v3 =	vld [tilespmem:s13+$0x1D080];
	_ =	sdelay $0x4  }
0xba: {  	[tilespmem:v2+s3+$0x0] =	vst.idx.add.f32.msk $0xffff, v3  }
0xbb: {  	v2 =	vld [tilespmem:s13+$0x19F90];
	_ =	sdelay $0x2  }
0xbc: {  	v3 =	vld [tilespmem:s13+$0x1D090];
	_ =	sdelay $0x4  }
0xbd: {  	[tilespmem:v2+s3+$0x0] =	vst.idx.add.f32.msk $0xffff, v3  }
0xbe: {  	v2 =	vld [tilespmem:s13+$0x19FA0];
	_ =	sdelay $0x2  }
0xbf: {  	v3 =	vld [tilespmem:s13+$0x1D0A0];
	_ =	sdelay $0x4  }
0xc0: {  	[tilespmem:v2+s3+$0x0] =	vst.idx.add.f32.msk $0xffff, v3  }
0xc1: {  	v2 =	vld [tilespmem:s13+$0x19FB0];
	_ =	sdelay $0x2  }
0xc2: {  	v3 =	vld [tilespmem:s13+$0x1D0B0];
	_ =	sdelay $0x4  }
0xc3: {  	[tilespmem:v2+s3+$0x0] =	vst.idx.add.f32.msk $0xffff, v3  }
0xc4: {  	v2 =	vld [tilespmem:s13+$0x19FC0];
	_ =	sdelay $0x2  }
0xc5: {  	v3 =	vld [tilespmem:s13+$0x1D0C0];
	_ =	sdelay $0x4  }
0xc6: {  	[tilespmem:v2+s3+$0x0] =	vst.idx.add.f32.msk $0xffff, v3  }
0xc7: {  	v2 =	vld [tilespmem:s13+$0x19FD0];
	_ =	sdelay $0x2  }
0xc8: {  	v3 =	vld [tilespmem:s13+$0x1D0D0];
	_ =	sdelay $0x4  }
0xc9: {  	[tilespmem:v2+s3+$0x0] =	vst.idx.add.f32.msk $0xffff, v3  }
0xca: {  	v2 =	vld [tilespmem:s13+$0x19FE0];
	_ =	sdelay $0x2  }
0xcb: {  	v3 =	vld [tilespmem:s13+$0x1D0E0];
	_ =	sdelay $0x4  }
0xcc: {  	[tilespmem:v2+s3+$0x0] =	vst.idx.add.f32.msk $0xffff, v3  }
0xcd: {  	v2 =	vld [tilespmem:s13+$0x19FF0];
	_ =	sdelay $0x2  }
0xce: {  	p2 =	sne.s32 s12, $0x6000;
	v3 =	vld [tilespmem:s13+$0x1D0F0]  }
.Ltmp8:
0xcf: {  	_ = 	snop;
	(pc) =	sbr.rel @p2 .LBB2_14-.Ltmp8, $2  }
0xd0: {  	_ =	sdelay $0x2  }
0xd1: {  	s12 =	sadd.s32 $0x200, s12;
	[tilespmem:v2+s3+$0x0] =	vst.idx.add.f32.msk $0xffff, v3  }
.Ltmp9:
0xd2: {  	(pc) =	sbr.rel @p1 .LBB2_17-.Ltmp9, $1  }
0xd3: {  	_ =	sdelay $0x3  }
0xd4: {  	s8 =	sadd.s32 $0x3, s8  }
0xd5: {  	s12 =	sshrl.u32 s8, $0x3  }
0xd6: {  	s8 =	sand.u32 $0x7, s8;
	s13 =	smul.u32 $0x188, s12  }
0xd7: {  	s8 =	smul.u32 $0x31, s8;
	_ =	sdelay $0x1  }
0xd8: {  	s12 =	smul.u32 $0x60, s12;
	s13 =	sadd.s32 s8, s13  }
0xd9: {  	s13 =	sshll.u32 s13, $0x4  }
0xda: {  	s12 =	sadd.s32 s6, s12;
	s13 =	sand.u32 $0x1FFFFFF0, s13  }
0xdb: {  	s12 =	smul.u32 $0x188, s12;
	s13 =	sadd.s32 s2, s13  }
0xdc: {  	[tilespmem:s28], [sflag:$0x2] =	stream.linear.gather [hbm4b:s13+s3], $0x1880, $0x38;
	[tilespmem:$0x1E900] =	vst v63  }
.Ltmp10:
0xdd: {  	s8 =	sadd.s32 s8, s12;
	(pc) =	sbr.rel .LBB2_11-.Ltmp10, $4  }
0xde: {  	s8 =	sshll.u32 s8, $0x4  }
0xdf: {  	s8 =	sand.u32 $0x1FFFFFF0, s8  }
0xe0: {  	s5 =	sadd.s32 $0x1, s5;
	s8 =	sadd.s32 s4, s8  }
0xe1: {  	[tilespmem:s29], [sflag:$0x4] =	stream.linear.gather [hbm4b:s8+s3], $0x1880, $0x38;
	[tilespmem:$0x1E900] =	vst v63  }
.LBB2_17:
0xe2: {  	s5 =	simm.s32 $0x0;
	s8 =	rddreg [dreg:$0x7]  }
0xe3: {  	[hbm4b:s8+s24] =	stream.strided.scatter [tilespmem:s5], [sflag:$0x5], $0x18700, s25, s24, $0x38;
	[tilespmem:$0x1E900] =	vst v63  }
0xe4: {  	_ =	swait.ge [sflag:s23], $0x18700  }
0xe5: {  	[sflag:s23] =	ssyncset.done $0x0  }
0xe6: {  	s5 =	simm.s32 $0x0;
	s8 =	simm.s32 $0x200;
	[sflag:s23] =	ssyncadd.s32 $0xFFFE7900  }
.LBB2_18:
0xe7: {  	p1 =	sne.s32 s8, $0x61A00;
	[tilespmem:s5+$0x70] =	vst v0  }
0xe8: {  	[tilespmem:s5+$0x0] =	vst v0  }
0xe9: {  	[tilespmem:s5+$0x10] =	vst v0  }
.Ltmp11:
0xea: {  	[tilespmem:s5+$0x20] =	vst v0;
	(pc) =	sbr.rel @p1 .LBB2_18-.Ltmp11, $4  }
0xeb: {  	[tilespmem:s5+$0x30] =	vst v0  }
0xec: {  	[tilespmem:s5+$0x40] =	vst v0  }
0xed: {  	[tilespmem:s5+$0x50] =	vst v0  }
0xee: {  	[tilespmem:s5+$0x60] =	vst v0;
	s5 =	sshra.s32 s8, $0x2;
	s8 =	sadd.s32 $0x200, s8  }
0xef: {  	[tilespmem:s5+$0x70] =	vst v0  }
0xf0: {  	[tilespmem:s5+$0x0] =	vst v0  }
0xf1: {  	[tilespmem:s5+$0x10] =	vst v0  }
0xf2: {  	[tilespmem:s5+$0x20] =	vst v0  }
0xf3: {  	[tilespmem:s5+$0x30] =	vst v0  }
0xf4: {  	[tilespmem:s5+$0x40] =	vst v0  }
0xf5: {  	[tilespmem:s5+$0x50] =	vst v0  }
0xf6: {  	[tilespmem:s5+$0x60] =	vst v0;
	s5 =	simm.s32 $0x0  }
0xf7: {  	[tilespmem:s22], [sflag:$0x1] =	stream.linear.gather [hbm4b:s2+s5], $0x1880, $0x38;
	[tilespmem:$0x1E900] =	vst v63  }
0xf8: {  	s8 =	rddreg [dreg:$0x8]  }
0xf9: {  	[tilespmem:s26], [sflag:$0x3] =	stream.linear.gather [hbm4b:s8+s5], $0x1880, $0x38;
	[tilespmem:$0x1E900] =	vst v63  }
0xfa: {  	_ = 	snop  }
0xfb: {  	[tilespmem:s28], [sflag:$0x2] =	stream.linear.gather [hbm4b:s11+s5], $0x1880, $0x38;
	[tilespmem:$0x1E900] =	vst v63  }
0xfc: {  	s16 =	rddreg [dreg:$0x9]  }
0xfd: {  	[tilespmem:s29], [sflag:$0x4] =	stream.linear.gather [hbm4b:s16+s5], $0x1880, $0x38;
	[tilespmem:$0x1E900] =	vst v63  }
.LBB2_20:
0xfe: {  	_ =	swait.ge [sflag:s30], $0x1880  }
0xff: {  	[sflag:s30] =	ssyncset.done $0x0  }
0x100: {  	[sflag:s30] =	ssyncadd.s32 $0xFFFFE780  }
0x101: {  	_ =	swait.ge [sflag:s31], $0x1880  }
0x102: {  	[sflag:s31] =	ssyncset.done $0x0  }
0x103: {  	s8 =	simm.s32 $0x0;
	[sflag:s31] =	ssyncadd.s32 $0xFFFFE780  }
.LBB2_21:
0x104: {  	s12 =	sshra.s32 s8, $0x2  }
0x105: {  	v2 =	vld [tilespmem:s12+$0x18700];
	_ =	sdelay $0x2  }
0x106: {  	v3 =	vld [tilespmem:s12+$0x1B800];
	_ =	sdelay $0x4  }
0x107: {  	[tilespmem:v2+s3+$0x0] =	vst.idx.add.f32.msk $0xffff, v3  }
0x108: {  	v2 =	vld [tilespmem:s12+$0x18710];
	_ =	sdelay $0x2  }
0x109: {  	v3 =	vld [tilespmem:s12+$0x1B810];
	_ =	sdelay $0x4  }
0x10a: {  	[tilespmem:v2+s3+$0x0] =	vst.idx.add.f32.msk $0xffff, v3  }
0x10b: {  	v2 =	vld [tilespmem:s12+$0x18720];
	_ =	sdelay $0x2  }
0x10c: {  	v3 =	vld [tilespmem:s12+$0x1B820];
	_ =	sdelay $0x4  }
0x10d: {  	[tilespmem:v2+s3+$0x0] =	vst.idx.add.f32.msk $0xffff, v3  }
0x10e: {  	v2 =	vld [tilespmem:s12+$0x18730];
	_ =	sdelay $0x2  }
0x10f: {  	v3 =	vld [tilespmem:s12+$0x1B830];
	_ =	sdelay $0x4  }
0x110: {  	[tilespmem:v2+s3+$0x0] =	vst.idx.add.f32.msk $0xffff, v3  }
0x111: {  	v2 =	vld [tilespmem:s12+$0x18740];
	_ =	sdelay $0x2  }
0x112: {  	v3 =	vld [tilespmem:s12+$0x1B840];
	_ =	sdelay $0x4  }
0x113: {  	[tilespmem:v2+s3+$0x0] =	vst.idx.add.f32.msk $0xffff, v3  }
0x114: {  	v2 =	vld [tilespmem:s12+$0x18750];
	_ =	sdelay $0x2  }
0x115: {  	v3 =	vld [tilespmem:s12+$0x1B850];
	_ =	sdelay $0x4  }
0x116: {  	[tilespmem:v2+s3+$0x0] =	vst.idx.add.f32.msk $0xffff, v3  }
0x117: {  	v2 =	vld [tilespmem:s12+$0x18760];
	_ =	sdelay $0x2  }
0x118: {  	v3 =	vld [tilespmem:s12+$0x1B860];
	_ =	sdelay $0x4  }
0x119: {  	[tilespmem:v2+s3+$0x0] =	vst.idx.add.f32.msk $0xffff, v3  }
0x11a: {  	v2 =	vld [tilespmem:s12+$0x18770];
	_ =	sdelay $0x2  }
0x11b: {  	p1 =	sne.s32 s8, $0x6000;
	v3 =	vld [tilespmem:s12+$0x1B870]  }
.Ltmp12:
0x11c: {  	_ = 	snop;
	(pc) =	sbr.rel @p1 .LBB2_21-.Ltmp12, $2  }
0x11d: {  	_ =	sdelay $0x2  }
0x11e: {  	s8 =	sadd.s32 $0x200, s8;
	[tilespmem:v2+s3+$0x0] =	vst.idx.add.f32.msk $0xffff, v3  }
0x11f: {  	s8 =	sshll.u32 s5, $0x1;
	p1 =	seq.s32 s5, $0x17  }
0x120: {  	s12 =	sadd.s32 @!p1 $0x2, s8  }
0x121: {  	s13 =	sshrl.u32 @!p1 s12, $0x3  }
0x122: {  	s12 =	sand.u32 @!p1 $0x6, s12;
	s14 =	smul.u32 @!p1 $0x188, s13  }
0x123: {  	s12 =	smul.u32 @!p1 $0x31, s12  }
0x124: {  	s13 =	smul.u32 @!p1 $0x60, s13;
	_ =	sdelay $0x1  }
0x125: {  	s14 =	sadd.s32 @!p1 s12, s14;
	s13 =	sadd.s32 @!p1 s9, s13  }
0x126: {  	s14 =	sshll.u32 @!p1 s14, $0x4;
	s13 =	smul.u32 @!p1 $0x188, s13  }
0x127: {  	s15 =	simm.s32 @!p1 $0x0;
	s14 =	sand.u32 @!p1 $0x1FFFFFE0, s14  }
0x128: {  	s16 =	simm.s32 @!p1 $0x18700;
	s14 =	sadd.s32 @!p1 s2, s14;
	s12 =	sadd.s32 @!p1 s12, s13  }
0x129: {  	[tilespmem:s16], [sflag:$0x1] =	stream.linear.gather @!p1 [hbm4b:s14+s15], $0x1880, $0x38;
	[tilespmem:$0x1E900] =	vst v63  }
0x12a: {  	s12 =	sshll.u32 @!p1 s12, $0x4  }
0x12b: {  	s12 =	sand.u32 @!p1 $0x1FFFFFE0, s12  }
0x12c: {  	s13 =	simm.s32 @!p1 $0x1B800;
	s12 =	sadd.s32 @!p1 s4, s12  }
0x12d: {  	[tilespmem:s13], [sflag:$0x3] =	stream.linear.gather @!p1 [hbm4b:s12+s15], $0x1880, $0x38;
	[tilespmem:$0x1E900] =	vst v63  }
0x12e: {  	_ =	swait.ge [sflag:s1], $0x1880  }
0x12f: {  	[sflag:s1] =	ssyncset.done $0x0  }
0x130: {  	[sflag:s1] =	ssyncadd.s32 $0xFFFFE780  }
0x131: {  	_ =	swait.ge [sflag:s0], $0x1880  }
0x132: {  	[sflag:s0] =	ssyncset.done $0x0  }
0x133: {  	s12 =	simm.s32 $0x0;
	[sflag:s0] =	ssyncadd.s32 $0xFFFFE780  }
.LBB2_23:
0x134: {  	s13 =	sshra.s32 s12, $0x2  }
0x135: {  	v2 =	vld [tilespmem:s13+$0x19F80];
	_ =	sdelay $0x2  }
0x136: {  	v3 =	vld [tilespmem:s13+$0x1D080];
	_ =	sdelay $0x4  }
0x137: {  	[tilespmem:v2+s3+$0x0] =	vst.idx.add.f32.msk $0xffff, v3  }
0x138: {  	v2 =	vld [tilespmem:s13+$0x19F90];
	_ =	sdelay $0x2  }
0x139: {  	v3 =	vld [tilespmem:s13+$0x1D090];
	_ =	sdelay $0x4  }
0x13a: {  	[tilespmem:v2+s3+$0x0] =	vst.idx.add.f32.msk $0xffff, v3  }
0x13b: {  	v2 =	vld [tilespmem:s13+$0x19FA0];
	_ =	sdelay $0x2  }
0x13c: {  	v3 =	vld [tilespmem:s13+$0x1D0A0];
	_ =	sdelay $0x4  }
0x13d: {  	[tilespmem:v2+s3+$0x0] =	vst.idx.add.f32.msk $0xffff, v3  }
0x13e: {  	v2 =	vld [tilespmem:s13+$0x19FB0];
	_ =	sdelay $0x2  }
0x13f: {  	v3 =	vld [tilespmem:s13+$0x1D0B0];
	_ =	sdelay $0x4  }
0x140: {  	[tilespmem:v2+s3+$0x0] =	vst.idx.add.f32.msk $0xffff, v3  }
0x141: {  	v2 =	vld [tilespmem:s13+$0x19FC0];
	_ =	sdelay $0x2  }
0x142: {  	v3 =	vld [tilespmem:s13+$0x1D0C0];
	_ =	sdelay $0x4  }
0x143: {  	[tilespmem:v2+s3+$0x0] =	vst.idx.add.f32.msk $0xffff, v3  }
0x144: {  	v2 =	vld [tilespmem:s13+$0x19FD0];
	_ =	sdelay $0x2  }
0x145: {  	v3 =	vld [tilespmem:s13+$0x1D0D0];
	_ =	sdelay $0x4  }
0x146: {  	[tilespmem:v2+s3+$0x0] =	vst.idx.add.f32.msk $0xffff, v3  }
0x147: {  	v2 =	vld [tilespmem:s13+$0x19FE0];
	_ =	sdelay $0x2  }
0x148: {  	v3 =	vld [tilespmem:s13+$0x1D0E0];
	_ =	sdelay $0x4  }
0x149: {  	[tilespmem:v2+s3+$0x0] =	vst.idx.add.f32.msk $0xffff, v3  }
0x14a: {  	v2 =	vld [tilespmem:s13+$0x19FF0];
	_ =	sdelay $0x2  }
0x14b: {  	p2 =	sne.s32 s12, $0x6000;
	v3 =	vld [tilespmem:s13+$0x1D0F0]  }
.Ltmp13:
0x14c: {  	_ = 	snop;
	(pc) =	sbr.rel @p2 .LBB2_23-.Ltmp13, $2  }
0x14d: {  	_ =	sdelay $0x2  }
0x14e: {  	s12 =	sadd.s32 $0x200, s12;
	[tilespmem:v2+s3+$0x0] =	vst.idx.add.f32.msk $0xffff, v3  }
.Ltmp14:
0x14f: {  	(pc) =	sbr.rel @p1 .LBB2_26-.Ltmp14, $1  }
0x150: {  	_ =	sdelay $0x3  }
0x151: {  	s8 =	sadd.s32 $0x3, s8  }
0x152: {  	s12 =	sshrl.u32 s8, $0x3  }
0x153: {  	s8 =	sand.u32 $0x7, s8;
	s13 =	smul.u32 $0x188, s12  }
0x154: {  	s8 =	smul.u32 $0x31, s8;
	_ =	sdelay $0x1  }
0x155: {  	s12 =	smul.u32 $0x60, s12;
	s13 =	sadd.s32 s8, s13  }
0x156: {  	s13 =	sshll.u32 s13, $0x4  }
0x157: {  	s12 =	sadd.s32 s9, s12;
	s13 =	sand.u32 $0x1FFFFFF0, s13  }
0x158: {  	s12 =	smul.u32 $0x188, s12;
	s13 =	sadd.s32 s2, s13  }
0x159: {  	[tilespmem:s28], [sflag:$0x2] =	stream.linear.gather [hbm4b:s13+s3], $0x1880, $0x38;
	[tilespmem:$0x1E900] =	vst v63  }
.Ltmp15:
0x15a: {  	s8 =	sadd.s32 s8, s12;
	(pc) =	sbr.rel .LBB2_20-.Ltmp15, $4  }
0x15b: {  	s8 =	sshll.u32 s8, $0x4  }
0x15c: {  	s8 =	sand.u32 $0x1FFFFFF0, s8  }
0x15d: {  	s5 =	sadd.s32 $0x1, s5;
	s8 =	sadd.s32 s4, s8  }
0x15e: {  	[tilespmem:s29], [sflag:$0x4] =	stream.linear.gather [hbm4b:s8+s3], $0x1880, $0x38;
	[tilespmem:$0x1E900] =	vst v63  }
.LBB2_26:
0x15f: {  	s5 =	simm.s32 $0x0;
	s8 =	rddreg [dreg:$0xa]  }
0x160: {  	[hbm4b:s8+s24] =	stream.strided.scatter [tilespmem:s5], [sflag:$0x5], $0x18700, s25, s24, $0x38;
	[tilespmem:$0x1E900] =	vst v63  }
0x161: {  	_ =	swait.ge [sflag:s23], $0x18700  }
0x162: {  	[sflag:s23] =	ssyncset.done $0x0  }
0x163: {  	s5 =	simm.s32 $0x0;
	s8 =	simm.s32 $0x200;
	[sflag:s23] =	ssyncadd.s32 $0xFFFE7900  }
.LBB2_27:
0x164: {  	p1 =	sne.s32 s8, $0x61A00;
	[tilespmem:s5+$0x70] =	vst v0  }
0x165: {  	[tilespmem:s5+$0x0] =	vst v0  }
0x166: {  	[tilespmem:s5+$0x10] =	vst v0  }
.Ltmp16:
0x167: {  	[tilespmem:s5+$0x20] =	vst v0;
	(pc) =	sbr.rel @p1 .LBB2_27-.Ltmp16, $4  }
0x168: {  	[tilespmem:s5+$0x30] =	vst v0  }
0x169: {  	[tilespmem:s5+$0x40] =	vst v0  }
0x16a: {  	[tilespmem:s5+$0x50] =	vst v0  }
0x16b: {  	[tilespmem:s5+$0x60] =	vst v0;
	s5 =	sshra.s32 s8, $0x2;
	s8 =	sadd.s32 $0x200, s8  }
0x16c: {  	[tilespmem:s5+$0x70] =	vst v0  }
0x16d: {  	[tilespmem:s5+$0x0] =	vst v0  }
0x16e: {  	[tilespmem:s5+$0x10] =	vst v0  }
0x16f: {  	[tilespmem:s5+$0x20] =	vst v0  }
0x170: {  	[tilespmem:s5+$0x30] =	vst v0  }
0x171: {  	[tilespmem:s5+$0x40] =	vst v0  }
0x172: {  	[tilespmem:s5+$0x50] =	vst v0  }
0x173: {  	[tilespmem:s5+$0x60] =	vst v0;
	s5 =	simm.s32 $0x0  }
0x174: {  	[tilespmem:s22], [sflag:$0x1] =	stream.linear.gather [hbm4b:s2+s5], $0x1880, $0x38;
	[tilespmem:$0x1E900] =	vst v63  }
0x175: {  	_ = 	snop  }
0x176: {  	[tilespmem:s26], [sflag:$0x3] =	stream.linear.gather [hbm4b:s18+s5], $0x1880, $0x38;
	[tilespmem:$0x1E900] =	vst v63  }
0x177: {  	_ = 	snop  }
0x178: {  	[tilespmem:s28], [sflag:$0x2] =	stream.linear.gather [hbm4b:s11+s5], $0x1880, $0x38;
	[tilespmem:$0x1E900] =	vst v63  }
0x179: {  	_ = 	snop  }
0x17a: {  	[tilespmem:s29], [sflag:$0x4] =	stream.linear.gather [hbm4b:s19+s5], $0x1880, $0x38;
	[tilespmem:$0x1E900] =	vst v63  }
.LBB2_29:
0x17b: {  	_ =	swait.ge [sflag:s30], $0x1880  }
0x17c: {  	[sflag:s30] =	ssyncset.done $0x0  }
0x17d: {  	[sflag:s30] =	ssyncadd.s32 $0xFFFFE780  }
0x17e: {  	_ =	swait.ge [sflag:s31], $0x1880  }
0x17f: {  	[sflag:s31] =	ssyncset.done $0x0  }
0x180: {  	s8 =	simm.s32 $0x0;
	[sflag:s31] =	ssyncadd.s32 $0xFFFFE780  }
.LBB2_30:
0x181: {  	s12 =	sshra.s32 s8, $0x2  }
0x182: {  	v2 =	vld [tilespmem:s12+$0x18700];
	_ =	sdelay $0x2  }
0x183: {  	v3 =	vld [tilespmem:s12+$0x1B800];
	_ =	sdelay $0x4  }
0x184: {  	[tilespmem:v2+s3+$0x0] =	vst.idx.add.f32.msk $0xffff, v3  }
0x185: {  	v2 =	vld [tilespmem:s12+$0x18710];
	_ =	sdelay $0x2  }
0x186: {  	v3 =	vld [tilespmem:s12+$0x1B810];
	_ =	sdelay $0x4  }
0x187: {  	[tilespmem:v2+s3+$0x0] =	vst.idx.add.f32.msk $0xffff, v3  }
0x188: {  	v2 =	vld [tilespmem:s12+$0x18720];
	_ =	sdelay $0x2  }
0x189: {  	v3 =	vld [tilespmem:s12+$0x1B820];
	_ =	sdelay $0x4  }
0x18a: {  	[tilespmem:v2+s3+$0x0] =	vst.idx.add.f32.msk $0xffff, v3  }
0x18b: {  	v2 =	vld [tilespmem:s12+$0x18730];
	_ =	sdelay $0x2  }
0x18c: {  	v3 =	vld [tilespmem:s12+$0x1B830];
	_ =	sdelay $0x4  }
0x18d: {  	[tilespmem:v2+s3+$0x0] =	vst.idx.add.f32.msk $0xffff, v3  }
0x18e: {  	v2 =	vld [tilespmem:s12+$0x18740];
	_ =	sdelay $0x2  }
0x18f: {  	v3 =	vld [tilespmem:s12+$0x1B840];
	_ =	sdelay $0x4  }
0x190: {  	[tilespmem:v2+s3+$0x0] =	vst.idx.add.f32.msk $0xffff, v3  }
0x191: {  	v2 =	vld [tilespmem:s12+$0x18750];
	_ =	sdelay $0x2  }
0x192: {  	v3 =	vld [tilespmem:s12+$0x1B850];
	_ =	sdelay $0x4  }
0x193: {  	[tilespmem:v2+s3+$0x0] =	vst.idx.add.f32.msk $0xffff, v3  }
0x194: {  	v2 =	vld [tilespmem:s12+$0x18760];
	_ =	sdelay $0x2  }
0x195: {  	v3 =	vld [tilespmem:s12+$0x1B860];
	_ =	sdelay $0x4  }
0x196: {  	[tilespmem:v2+s3+$0x0] =	vst.idx.add.f32.msk $0xffff, v3  }
0x197: {  	v2 =	vld [tilespmem:s12+$0x18770];
	_ =	sdelay $0x2  }
0x198: {  	p1 =	sne.s32 s8, $0x6000;
	v3 =	vld [tilespmem:s12+$0x1B870]  }
.Ltmp17:
0x199: {  	_ = 	snop;
	(pc) =	sbr.rel @p1 .LBB2_30-.Ltmp17, $2  }
0x19a: {  	_ =	sdelay $0x2  }
0x19b: {  	s8 =	sadd.s32 $0x200, s8;
	[tilespmem:v2+s3+$0x0] =	vst.idx.add.f32.msk $0xffff, v3  }
0x19c: {  	s8 =	sshll.u32 s5, $0x1;
	p1 =	seq.s32 s5, $0x17  }
0x19d: {  	s12 =	sadd.s32 @!p1 $0x2, s8  }
0x19e: {  	s13 =	sshrl.u32 @!p1 s12, $0x3  }
0x19f: {  	s12 =	sand.u32 @!p1 $0x6, s12;
	s14 =	smul.u32 @!p1 $0x188, s13  }
0x1a0: {  	s12 =	smul.u32 @!p1 $0x31, s12  }
0x1a1: {  	s13 =	smul.u32 @!p1 $0x60, s13;
	_ =	sdelay $0x1  }
0x1a2: {  	s14 =	sadd.s32 @!p1 s12, s14;
	s13 =	sadd.s32 @!p1 s17, s13  }
0x1a3: {  	s14 =	sshll.u32 @!p1 s14, $0x4;
	s13 =	smul.u32 @!p1 $0x188, s13  }
0x1a4: {  	s15 =	simm.s32 @!p1 $0x0;
	s14 =	sand.u32 @!p1 $0x1FFFFFE0, s14  }
0x1a5: {  	s16 =	simm.s32 @!p1 $0x18700;
	s14 =	sadd.s32 @!p1 s2, s14;
	s12 =	sadd.s32 @!p1 s12, s13  }
0x1a6: {  	[tilespmem:s16], [sflag:$0x1] =	stream.linear.gather @!p1 [hbm4b:s14+s15], $0x1880, $0x38;
	[tilespmem:$0x1E900] =	vst v63  }
0x1a7: {  	s12 =	sshll.u32 @!p1 s12, $0x4  }
0x1a8: {  	s12 =	sand.u32 @!p1 $0x1FFFFFE0, s12  }
0x1a9: {  	s13 =	simm.s32 @!p1 $0x1B800;
	s12 =	sadd.s32 @!p1 s4, s12  }
0x1aa: {  	[tilespmem:s13], [sflag:$0x3] =	stream.linear.gather @!p1 [hbm4b:s12+s15], $0x1880, $0x38;
	[tilespmem:$0x1E900] =	vst v63  }
0x1ab: {  	_ =	swait.ge [sflag:s1], $0x1880  }
0x1ac: {  	[sflag:s1] =	ssyncset.done $0x0  }
0x1ad: {  	[sflag:s1] =	ssyncadd.s32 $0xFFFFE780  }
0x1ae: {  	_ =	swait.ge [sflag:s0], $0x1880  }
0x1af: {  	[sflag:s0] =	ssyncset.done $0x0  }
0x1b0: {  	s12 =	simm.s32 $0x0;
	[sflag:s0] =	ssyncadd.s32 $0xFFFFE780  }
.LBB2_32:
0x1b1: {  	s13 =	sshra.s32 s12, $0x2  }
0x1b2: {  	v2 =	vld [tilespmem:s13+$0x19F80];
	_ =	sdelay $0x2  }
0x1b3: {  	v3 =	vld [tilespmem:s13+$0x1D080];
	_ =	sdelay $0x4  }
0x1b4: {  	[tilespmem:v2+s3+$0x0] =	vst.idx.add.f32.msk $0xffff, v3  }
0x1b5: {  	v2 =	vld [tilespmem:s13+$0x19F90];
	_ =	sdelay $0x2  }
0x1b6: {  	v3 =	vld [tilespmem:s13+$0x1D090];
	_ =	sdelay $0x4  }
0x1b7: {  	[tilespmem:v2+s3+$0x0] =	vst.idx.add.f32.msk $0xffff, v3  }
0x1b8: {  	v2 =	vld [tilespmem:s13+$0x19FA0];
	_ =	sdelay $0x2  }
0x1b9: {  	v3 =	vld [tilespmem:s13+$0x1D0A0];
	_ =	sdelay $0x4  }
0x1ba: {  	[tilespmem:v2+s3+$0x0] =	vst.idx.add.f32.msk $0xffff, v3  }
0x1bb: {  	v2 =	vld [tilespmem:s13+$0x19FB0];
	_ =	sdelay $0x2  }
0x1bc: {  	v3 =	vld [tilespmem:s13+$0x1D0B0];
	_ =	sdelay $0x4  }
0x1bd: {  	[tilespmem:v2+s3+$0x0] =	vst.idx.add.f32.msk $0xffff, v3  }
0x1be: {  	v2 =	vld [tilespmem:s13+$0x19FC0];
	_ =	sdelay $0x2  }
0x1bf: {  	v3 =	vld [tilespmem:s13+$0x1D0C0];
	_ =	sdelay $0x4  }
0x1c0: {  	[tilespmem:v2+s3+$0x0] =	vst.idx.add.f32.msk $0xffff, v3  }
0x1c1: {  	v2 =	vld [tilespmem:s13+$0x19FD0];
	_ =	sdelay $0x2  }
0x1c2: {  	v3 =	vld [tilespmem:s13+$0x1D0D0];
	_ =	sdelay $0x4  }
0x1c3: {  	[tilespmem:v2+s3+$0x0] =	vst.idx.add.f32.msk $0xffff, v3  }
0x1c4: {  	v2 =	vld [tilespmem:s13+$0x19FE0];
	_ =	sdelay $0x2  }
0x1c5: {  	v3 =	vld [tilespmem:s13+$0x1D0E0];
	_ =	sdelay $0x4  }
0x1c6: {  	[tilespmem:v2+s3+$0x0] =	vst.idx.add.f32.msk $0xffff, v3  }
0x1c7: {  	v2 =	vld [tilespmem:s13+$0x19FF0];
	_ =	sdelay $0x2  }
0x1c8: {  	p2 =	sne.s32 s12, $0x6000;
	v3 =	vld [tilespmem:s13+$0x1D0F0]  }
.Ltmp18:
0x1c9: {  	_ = 	snop;
	(pc) =	sbr.rel @p2 .LBB2_32-.Ltmp18, $2  }
0x1ca: {  	_ =	sdelay $0x2  }
0x1cb: {  	s12 =	sadd.s32 $0x200, s12;
	[tilespmem:v2+s3+$0x0] =	vst.idx.add.f32.msk $0xffff, v3  }
.Ltmp19:
0x1cc: {  	(pc) =	sbr.rel @p1 .LBB2_35-.Ltmp19, $1  }
0x1cd: {  	_ =	sdelay $0x3  }
0x1ce: {  	s8 =	sadd.s32 $0x3, s8  }
0x1cf: {  	s12 =	sshrl.u32 s8, $0x3  }
0x1d0: {  	s8 =	sand.u32 $0x7, s8;
	s13 =	smul.u32 $0x188, s12  }
0x1d1: {  	s8 =	smul.u32 $0x31, s8;
	_ =	sdelay $0x1  }
0x1d2: {  	s12 =	smul.u32 $0x60, s12;
	s13 =	sadd.s32 s8, s13  }
0x1d3: {  	s13 =	sshll.u32 s13, $0x4  }
0x1d4: {  	s12 =	sadd.s32 s17, s12;
	s13 =	sand.u32 $0x1FFFFFF0, s13  }
0x1d5: {  	s12 =	smul.u32 $0x188, s12;
	s13 =	sadd.s32 s2, s13  }
0x1d6: {  	[tilespmem:s28], [sflag:$0x2] =	stream.linear.gather [hbm4b:s13+s3], $0x1880, $0x38;
	[tilespmem:$0x1E900] =	vst v63  }
.Ltmp20:
0x1d7: {  	s8 =	sadd.s32 s8, s12;
	(pc) =	sbr.rel .LBB2_29-.Ltmp20, $4  }
0x1d8: {  	s8 =	sshll.u32 s8, $0x4  }
0x1d9: {  	s8 =	sand.u32 $0x1FFFFFF0, s8  }
0x1da: {  	s5 =	sadd.s32 $0x1, s5;
	s8 =	sadd.s32 s4, s8  }
0x1db: {  	[tilespmem:s29], [sflag:$0x4] =	stream.linear.gather [hbm4b:s8+s3], $0x1880, $0x38;
	[tilespmem:$0x1E900] =	vst v63  }
.LBB2_36:
0x1dc: {  	_ =	sfence.sel $0x180000  }
0x1dd: {  	[bflag:$0x0] =	sbarrier.arrive $0xFFFF  }
0x1de: {  	_ =	strace $0x90000047  }
0x1df: {  	s0 =	stileid.u32;
	[bflag:$0x2] =	sbarrier.arrive $0xFFFF  }
0x1e0: {  	p0 =	sne.s32 s0, $0x0;
	s0 =	rddreg [dreg:$0x2]  }
0x1e1: {  	s0 =	sadd.s32 @!p0 $0x100000, s0  }
0x1e2: {  	[sflag:s0] =	ssyncadd.tile.s32 @!p0 $0x1;
	_ =	shalt  }
.Lfunc_end2:
_tile_overlayer_lowered:
.L_overlay_start_2:
0x1e3: {  	(tag) =	ssettag $0x2  }
0x1e4: {  	s0 =	rddreg [dreg:$0x0];
	s2 =	stileid.u32  }
0x1e5: {  	s1 =	rddreg [dreg:$0x1];
	p0 =	sne.s32 s2, $0x0  }
0x1e6: {  	s3 =	rddreg [dreg:$0x2];
	[bflag:$0x3] =	sbarrier.arrive $0xFFFF;
	s2 =	simm.s32 @!p0 $0x1C05  }
0x1e7: {  	[timem:s3], [sflag:s2] =	dma.local @!p0 [hbm:s0], s1  }
0x1e8: {  	s0 =	simm.s32 @!p0 $0x5  }
0x1e9: {  	_ =	swait.ge @!p0 [sflag:s0], s1  }
0x1ea: {  	s1 =	ssub.s32 @!p0 $0x0, s1;
	[sflag:s0] =	ssyncset.done @!p0 $0x0  }
0x1eb: {  	[sflag:s0] =	ssyncadd.s32 @!p0 s1  }
0x1ec: {  	[bflag:$0x3] =	sbarrier.arrive $0xFFFF  }
0x1ed: {  	_ =	shalt  }

</sc_bundles>
